<compile_context>
chip_gen: v7x
topology: tpu7x:2x2x1
jax: 0.10.2.dev20260603
libtpu: 0.0.44.dev20260713+nightly
codegen_flags: <defaults>
</compile_context>

<pallas_src>
import functools

import jax
import jax.numpy as jnp
from jax import lax
from jax.experimental import pallas as pl
from jax.experimental.pallas import tpu as pltpu
from jax.experimental.pallas import tpu_sc as plsc

NC = 2
NS = 16
NW = NC * NS
L = 16

JB = 25
IB = 128
JB_CHUNK = 5
IB_PER_W = IB // NW


def _make_sc_kernel():
    mesh = plsc.VectorSubcoreMesh(core_axis_name="c", subcore_axis_name="s")

    @functools.partial(
        pl.kernel,
        out_type=jax.ShapeDtypeStruct((200, IB, 2, 128), jnp.float32),
        mesh=mesh,
        compiler_params=pltpu.CompilerParams(needs_layout_passes=False),
        scratch_types=[
            pltpu.VMEM((JB_CHUNK, IB_PER_W, 8, 128), jnp.int32),
            pltpu.VMEM((8 * JB_CHUNK, IB_PER_W, 2, 128), jnp.float32),
            pltpu.VMEM((256,), jnp.float32),
            pltpu.VMEM((256,), jnp.float32),
            pltpu.VMEM((16,), jnp.float32),
        ],
    )
    def sc_kernel(x_hbm, tab_hbm, w_hbm, b_hbm, out_hbm,
                  x_v, out_v, tab_v, w_v, b_v):
        cid = lax.axis_index("c")
        sid = lax.axis_index("s")
        wid = sid * NC + cid
        ib0 = wid * IB_PER_W

        pltpu.sync_copy(tab_hbm, tab_v)
        pltpu.sync_copy(w_hbm, w_v)
        pltpu.sync_copy(b_hbm, b_v)

        iota = lax.iota(jnp.int32, L)

        lsv = []
        for srow in range(2):
            for v in range(2):
                acc = jnp.zeros((L,), jnp.float32)
                for k in range(8):
                    tt = tab_v[pl.ds(srow * 128 + k * 16, L)]
                    ww = w_v[pl.ds(v * 128 + k * 16, L)]
                    acc = acc + tt * ww
                lsv.append(jnp.sum(acc))
        bv = b_v[...]
        zf = jnp.zeros((L,), jnp.float32)
        b0 = jnp.sum(jnp.where(iota == 0, bv, zf))
        b1 = jnp.sum(jnp.where(iota == 1, bv, zf))
        l00 = lsv[0] + b0
        l01 = lsv[1] + b1
        l10 = lsv[2] + b0
        l11 = lsv[3] + b1

        def chunk_body(c, carry):
            jb0 = c * JB_CHUNK
            pltpu.sync_copy(
                x_hbm.at[pl.ds(jb0, JB_CHUNK), pl.ds(ib0, IB_PER_W), :, :], x_v)
            for jl in range(JB_CHUNK):
                for il in range(IB_PER_W):

                    @plsc.parallel_loop(0, 64, unroll=4)
                    def vec_body(t, jl=jl, il=il):
                        js = t >> 3
                        lbase = (t & 7) * L
                        xv = x_v[jl, il, js, pl.ds(lbase, L)]
                        m = xv == 0
                        o0 = jnp.where(m, l00, l10)
                        o1 = jnp.where(m, l01, l11)
                        jrow = jl * 8 + js
                        out_v[jrow, il, 0, pl.ds(lbase, L)] = o0
                        out_v[jrow, il, 1, pl.ds(lbase, L)] = o1

            pltpu.sync_copy(
                out_v,
                out_hbm.at[pl.ds(jb0 * 8, 8 * JB_CHUNK),
                           pl.ds(ib0, IB_PER_W), :, :])
            return carry

        lax.fori_loop(0, JB // JB_CHUNK, chunk_body, 0)

    return sc_kernel


def kernel(x, table, W, b):
    batch, hist = x.shape
    assert batch == 16384 and hist == 200
    x4 = x.T.reshape(JB, 8, IB, 128).transpose(0, 2, 1, 3)
    wt = W.T.reshape(256)
    tab = table.reshape(256)
    b_pad = jnp.zeros((16,), jnp.float32).at[:2].set(b)
    out4 = _make_sc_kernel()(x4, tab, wt, b_pad)
    return out4.transpose(1, 3, 0, 2).reshape(batch, hist, 2)

# --- scband reference (transcript-rebuilt; emitter-appended) ---
"""Pipeline reference for scband-neural-network-10866267259498 (READ-ONLY COPY).

The authoritative reference and input builder live on the scoring server;
editing this copy changes nothing except your own understanding.
"""

import jax, jax.numpy as jnp
import numpy as np

NUM_EMBEDDINGS = 2  # len(word_2_idx) + 1 with word_2_idx = {'<UNK>': 0}
EMBEDDING_DIM = 128
BATCH, HIST = 16384, 200


def setup_inputs(seed: int = 0) -> dict:
    key = jax.random.key(seed)
    k1, k2, k3 = jax.random.split(key, 3)
    x = jax.random.randint(k1, (BATCH, HIST), 0, NUM_EMBEDDINGS, dtype=jnp.int32)
    table = jax.random.normal(k2, (NUM_EMBEDDINGS, EMBEDDING_DIM), dtype=jnp.float32)
    # nn.Linear(embedding_dim, num_embeddings): weight [out, in]; store transposed [in, out]
    W = jax.random.normal(k3, (EMBEDDING_DIM, NUM_EMBEDDINGS), dtype=jnp.float32) * 0.05
    b = jnp.zeros((NUM_EMBEDDINGS,), dtype=jnp.float32)
    return {"x": x, "table": table, "W": W, "b": b}


def reference(x, table, W, b):
    emb = jnp.take(table, x, axis=0)          # embedding lookup -> [B, L, D]
    out = emb @ W + b                          # linear projection -> [B, L, V]
    return out

if __name__ == "__main__":
    import jax
    _d = setup_inputs()
    print(jax.jit(kernel)(*tuple(_d.values())))

</pallas_src>

<mosaic_0001>
#map = affine_map<(d0, d1) -> (0, 0, 0, 0)>
#map1 = affine_map<(d0, d1) -> (0)>
module attributes {stable_mosaic.version = 14 : i64} {
  func.func @sc_kernel(%arg0: i32, %arg1: i32, %arg2: memref<25x128x8x128xi32, #tpu.memory_space<hbm>>, %arg3: memref<256xf32, #tpu.memory_space<hbm>>, %arg4: memref<256xf32, #tpu.memory_space<hbm>>, %arg5: memref<16xf32, #tpu.memory_space<hbm>>, %arg6: memref<200x128x2x128xf32, #tpu.memory_space<hbm>>, %arg7: memref<5x4x8x128xi32, #tpu.memory_space<vmem>>, %arg8: memref<40x4x2x128xf32, #tpu.memory_space<vmem>>, %arg9: memref<256xf32, #tpu.memory_space<vmem>>, %arg10: memref<256xf32, #tpu.memory_space<vmem>>, %arg11: memref<16xf32, #tpu.memory_space<vmem>>) attributes {dimension_semantics = [#tpu.dimension_semantics<core_parallel>, #tpu.dimension_semantics<subcore_parallel>], iteration_bounds = array<i64: 2, 16>, scalar_prefetch = 0 : i64, scratch_operands = 5 : i64, tpu.core_type = #tpu.core_type<sc_vector_subcore>, window_params = [{transform_indices = #map}, {transform_indices = #map1}, {transform_indices = #map1}, {transform_indices = #map1}, {transform_indices = #map}]} {
    %mul3A = arith.constant 2 : i32
    %mul3A_0 = arith.muli %arg1, %mul3A : i32
    %add3A = arith.addi %mul3A_0, %arg0 : i32
    %mul3A_1 = arith.constant 4 : i32
    %mul3A_2 = arith.muli %add3A, %mul3A_1 : i32
    "tpu.region"() ({
      %run_scoped3A = tpu.sem_alloc : memref<!tpu.dma_semaphore, #tpu.memory_space<semaphore_mem>>
      tpu.enqueue_dma source(%arg3 : memref<256xf32, #tpu.memory_space<hbm>>) target(%arg9 : memref<256xf32, #tpu.memory_space<vmem>>) target_semaphore(%run_scoped3A : memref<!tpu.dma_semaphore, #tpu.memory_space<semaphore_mem>>)
      tpu.wait_dma2 semaphore(%run_scoped3A : memref<!tpu.dma_semaphore, #tpu.memory_space<semaphore_mem>>) src(%arg3 : memref<256xf32, #tpu.memory_space<hbm>>) dst(%arg9 : memref<256xf32, #tpu.memory_space<vmem>>)
      tpu.yield
    }) : () -> ()
    "tpu.region"() ({
      %run_scoped3A = tpu.sem_alloc : memref<!tpu.dma_semaphore, #tpu.memory_space<semaphore_mem>>
      tpu.enqueue_dma source(%arg4 : memref<256xf32, #tpu.memory_space<hbm>>) target(%arg10 : memref<256xf32, #tpu.memory_space<vmem>>) target_semaphore(%run_scoped3A : memref<!tpu.dma_semaphore, #tpu.memory_space<semaphore_mem>>)
      tpu.wait_dma2 semaphore(%run_scoped3A : memref<!tpu.dma_semaphore, #tpu.memory_space<semaphore_mem>>) src(%arg4 : memref<256xf32, #tpu.memory_space<hbm>>) dst(%arg10 : memref<256xf32, #tpu.memory_space<vmem>>)
      tpu.yield
    }) : () -> ()
    "tpu.region"() ({
      %run_scoped3A = tpu.sem_alloc : memref<!tpu.dma_semaphore, #tpu.memory_space<semaphore_mem>>
      tpu.enqueue_dma source(%arg5 : memref<16xf32, #tpu.memory_space<hbm>>) target(%arg11 : memref<16xf32, #tpu.memory_space<vmem>>) target_semaphore(%run_scoped3A : memref<!tpu.dma_semaphore, #tpu.memory_space<semaphore_mem>>)
      tpu.wait_dma2 semaphore(%run_scoped3A : memref<!tpu.dma_semaphore, #tpu.memory_space<semaphore_mem>>) src(%arg5 : memref<16xf32, #tpu.memory_space<hbm>>) dst(%arg11 : memref<16xf32, #tpu.memory_space<vmem>>)
      tpu.yield
    }) : () -> ()
    %iota3A = tpu.iota {dimensions = array<i32: 0>} : vector<16xi32>
    %broadcast_in_dim3A = arith.constant 0.000000e+00 : f32
    %broadcast_in_dim3A_3 = vector.broadcast %broadcast_in_dim3A : f32 to vector<16xf32>
    %get3A = arith.constant 0 : index
    %get3A_4 = tpu.vector_load %arg9[%get3A] {strides = array<i32>} : memref<256xf32, #tpu.memory_space<vmem>>, vector<16xf32>,
    %get3A_5 = arith.constant 0 : index
    %get3A_6 = tpu.vector_load %arg10[%get3A_5] {strides = array<i32>} : memref<256xf32, #tpu.memory_space<vmem>>, vector<16xf32>,
    %mul3A_7 = arith.mulf %get3A_4, %get3A_6 : vector<16xf32>
    %add3A_8 = arith.addf %broadcast_in_dim3A_3, %mul3A_7 : vector<16xf32>
    %get3A_9 = arith.constant 16 : index
    %get3A_10 = tpu.vector_load %arg9[%get3A_9] {strides = array<i32>} : memref<256xf32, #tpu.memory_space<vmem>>, vector<16xf32>,
    %get3A_11 = arith.constant 16 : index
    %get3A_12 = tpu.vector_load %arg10[%get3A_11] {strides = array<i32>} : memref<256xf32, #tpu.memory_space<vmem>>, vector<16xf32>,
    %mul3A_13 = arith.mulf %get3A_10, %get3A_12 : vector<16xf32>
    %add3A_14 = arith.addf %add3A_8, %mul3A_13 : vector<16xf32>
    %get3A_15 = arith.constant 32 : index
    %get3A_16 = tpu.vector_load %arg9[%get3A_15] {strides = array<i32>} : memref<256xf32, #tpu.memory_space<vmem>>, vector<16xf32>,
    %get3A_17 = arith.constant 32 : index
    %get3A_18 = tpu.vector_load %arg10[%get3A_17] {strides = array<i32>} : memref<256xf32, #tpu.memory_space<vmem>>, vector<16xf32>,
    %mul3A_19 = arith.mulf %get3A_16, %get3A_18 : vector<16xf32>
    %add3A_20 = arith.addf %add3A_14, %mul3A_19 : vector<16xf32>
    %get3A_21 = arith.constant 48 : index
    %get3A_22 = tpu.vector_load %arg9[%get3A_21] {strides = array<i32>} : memref<256xf32, #tpu.memory_space<vmem>>, vector<16xf32>,
    %get3A_23 = arith.constant 48 : index
    %get3A_24 = tpu.vector_load %arg10[%get3A_23] {strides = array<i32>} : memref<256xf32, #tpu.memory_space<vmem>>, vector<16xf32>,
    %mul3A_25 = arith.mulf %get3A_22, %get3A_24 : vector<16xf32>
    %add3A_26 = arith.addf %add3A_20, %mul3A_25 : vector<16xf32>
    %get3A_27 = arith.constant 64 : index
    %get3A_28 = tpu.vector_load %arg9[%get3A_27] {strides = array<i32>} : memref<256xf32, #tpu.memory_space<vmem>>, vector<16xf32>,
    %get3A_29 = arith.constant 64 : index
    %get3A_30 = tpu.vector_load %arg10[%get3A_29] {strides = array<i32>} : memref<256xf32, #tpu.memory_space<vmem>>, vector<16xf32>,
    %mul3A_31 = arith.mulf %get3A_28, %get3A_30 : vector<16xf32>
    %add3A_32 = arith.addf %add3A_26, %mul3A_31 : vector<16xf32>
    %get3A_33 = arith.constant 80 : index
    %get3A_34 = tpu.vector_load %arg9[%get3A_33] {strides = array<i32>} : memref<256xf32, #tpu.memory_space<vmem>>, vector<16xf32>,
    %get3A_35 = arith.constant 80 : index
    %get3A_36 = tpu.vector_load %arg10[%get3A_35] {strides = array<i32>} : memref<256xf32, #tpu.memory_space<vmem>>, vector<16xf32>,
    %mul3A_37 = arith.mulf %get3A_34, %get3A_36 : vector<16xf32>
    %add3A_38 = arith.addf %add3A_32, %mul3A_37 : vector<16xf32>
    %get3A_39 = arith.constant 96 : index
    %get3A_40 = tpu.vector_load %arg9[%get3A_39] {strides = array<i32>} : memref<256xf32, #tpu.memory_space<vmem>>, vector<16xf32>,
    %get3A_41 = arith.constant 96 : index
    %get3A_42 = tpu.vector_load %arg10[%get3A_41] {strides = array<i32>} : memref<256xf32, #tpu.memory_space<vmem>>, vector<16xf32>,
    %mul3A_43 = arith.mulf %get3A_40, %get3A_42 : vector<16xf32>
    %add3A_44 = arith.addf %add3A_38, %mul3A_43 : vector<16xf32>
    %get3A_45 = arith.constant 112 : index
    %get3A_46 = tpu.vector_load %arg9[%get3A_45] {strides = array<i32>} : memref<256xf32, #tpu.memory_space<vmem>>, vector<16xf32>,
    %get3A_47 = arith.constant 112 : index
    %get3A_48 = tpu.vector_load %arg10[%get3A_47] {strides = array<i32>} : memref<256xf32, #tpu.memory_space<vmem>>, vector<16xf32>,
    %mul3A_49 = arith.mulf %get3A_46, %get3A_48 : vector<16xf32>
    %add3A_50 = arith.addf %add3A_44, %mul3A_49 : vector<16xf32>
    %reduce_sum3A = arith.constant true
    %reduce_sum3A_51 = vector.broadcast %reduce_sum3A : i1 to vector<16xi1>
    %reduce_sum3A_52 = tpu.scan <sum>, %add3A_50 masked %reduce_sum3A_51 : vector<16xf32>, vector<16xi1> -> vector<16xf32>
    %reduce_sum3A_53 = vector.extract %reduce_sum3A_52[15] : f32 from vector<16xf32>
    %broadcast_in_dim3A_54 = arith.constant 0.000000e+00 : f32
    %broadcast_in_dim3A_55 = vector.broadcast %broadcast_in_dim3A_54 : f32 to vector<16xf32>
    %get3A_56 = arith.constant 0 : index
    %get3A_57 = tpu.vector_load %arg9[%get3A_56] {strides = array<i32>} : memref<256xf32, #tpu.memory_space<vmem>>, vector<16xf32>,
    %get3A_58 = arith.constant 128 : index
    %get3A_59 = tpu.vector_load %arg10[%get3A_58] {strides = array<i32>} : memref<256xf32, #tpu.memory_space<vmem>>, vector<16xf32>,
    %mul3A_60 = arith.mulf %get3A_57, %get3A_59 : vector<16xf32>
    %add3A_61 = arith.addf %broadcast_in_dim3A_55, %mul3A_60 : vector<16xf32>
    %get3A_62 = arith.constant 16 : index
    %get3A_63 = tpu.vector_load %arg9[%get3A_62] {strides = array<i32>} : memref<256xf32, #tpu.memory_space<vmem>>, vector<16xf32>,
    %get3A_64 = arith.constant 144 : index
    %get3A_65 = tpu.vector_load %arg10[%get3A_64] {strides = array<i32>} : memref<256xf32, #tpu.memory_space<vmem>>, vector<16xf32>,
    %mul3A_66 = arith.mulf %get3A_63, %get3A_65 : vector<16xf32>
    %add3A_67 = arith.addf %add3A_61, %mul3A_66 : vector<16xf32>
    %get3A_68 = arith.constant 32 : index
    %get3A_69 = tpu.vector_load %arg9[%get3A_68] {strides = array<i32>} : memref<256xf32, #tpu.memory_space<vmem>>, vector<16xf32>,
    %get3A_70 = arith.constant 160 : index
    %get3A_71 = tpu.vector_load %arg10[%get3A_70] {strides = array<i32>} : memref<256xf32, #tpu.memory_space<vmem>>, vector<16xf32>,
    %mul3A_72 = arith.mulf %get3A_69, %get3A_71 : vector<16xf32>
    %add3A_73 = arith.addf %add3A_67, %mul3A_72 : vector<16xf32>
    %get3A_74 = arith.constant 48 : index
    %get3A_75 = tpu.vector_load %arg9[%get3A_74] {strides = array<i32>} : memref<256xf32, #tpu.memory_space<vmem>>, vector<16xf32>,
    %get3A_76 = arith.constant 176 : index
    %get3A_77 = tpu.vector_load %arg10[%get3A_76] {strides = array<i32>} : memref<256xf32, #tpu.memory_space<vmem>>, vector<16xf32>,
    %mul3A_78 = arith.mulf %get3A_75, %get3A_77 : vector<16xf32>
    %add3A_79 = arith.addf %add3A_73, %mul3A_78 : vector<16xf32>
    %get3A_80 = arith.constant 64 : index
    %get3A_81 = tpu.vector_load %arg9[%get3A_80] {strides = array<i32>} : memref<256xf32, #tpu.memory_space<vmem>>, vector<16xf32>,
    %get3A_82 = arith.constant 192 : index
    %get3A_83 = tpu.vector_load %arg10[%get3A_82] {strides = array<i32>} : memref<256xf32, #tpu.memory_space<vmem>>, vector<16xf32>,
    %mul3A_84 = arith.mulf %get3A_81, %get3A_83 : vector<16xf32>
    %add3A_85 = arith.addf %add3A_79, %mul3A_84 : vector<16xf32>
    %get3A_86 = arith.constant 80 : index
    %get3A_87 = tpu.vector_load %arg9[%get3A_86] {strides = array<i32>} : memref<256xf32, #tpu.memory_space<vmem>>, vector<16xf32>,
    %get3A_88 = arith.constant 208 : index
    %get3A_89 = tpu.vector_load %arg10[%get3A_88] {strides = array<i32>} : memref<256xf32, #tpu.memory_space<vmem>>, vector<16xf32>,
    %mul3A_90 = arith.mulf %get3A_87, %get3A_89 : vector<16xf32>
    %add3A_91 = arith.addf %add3A_85, %mul3A_90 : vector<16xf32>
    %get3A_92 = arith.constant 96 : index
    %get3A_93 = tpu.vector_load %arg9[%get3A_92] {strides = array<i32>} : memref<256xf32, #tpu.memory_space<vmem>>, vector<16xf32>,
    %get3A_94 = arith.constant 224 : index
    %get3A_95 = tpu.vector_load %arg10[%get3A_94] {strides = array<i32>} : memref<256xf32, #tpu.memory_space<vmem>>, vector<16xf32>,
    %mul3A_96 = arith.mulf %get3A_93, %get3A_95 : vector<16xf32>
    %add3A_97 = arith.addf %add3A_91, %mul3A_96 : vector<16xf32>
    %get3A_98 = arith.constant 112 : index
    %get3A_99 = tpu.vector_load %arg9[%get3A_98] {strides = array<i32>} : memref<256xf32, #tpu.memory_space<vmem>>, vector<16xf32>,
    %get3A_100 = arith.constant 240 : index
    %get3A_101 = tpu.vector_load %arg10[%get3A_100] {strides = array<i32>} : memref<256xf32, #tpu.memory_space<vmem>>, vector<16xf32>,
    %mul3A_102 = arith.mulf %get3A_99, %get3A_101 : vector<16xf32>
    %add3A_103 = arith.addf %add3A_97, %mul3A_102 : vector<16xf32>
    %reduce_sum3A_104 = arith.constant true
    %reduce_sum3A_105 = vector.broadcast %reduce_sum3A_104 : i1 to vector<16xi1>
    %reduce_sum3A_106 = tpu.scan <sum>, %add3A_103 masked %reduce_sum3A_105 : vector<16xf32>, vector<16xi1> -> vector<16xf32>
    %reduce_sum3A_107 = vector.extract %reduce_sum3A_106[15] : f32 from vector<16xf32>
    %broadcast_in_dim3A_108 = arith.constant 0.000000e+00 : f32
    %broadcast_in_dim3A_109 = vector.broadcast %broadcast_in_dim3A_108 : f32 to vector<16xf32>
    %get3A_110 = arith.constant 128 : index
    %get3A_111 = tpu.vector_load %arg9[%get3A_110] {strides = array<i32>} : memref<256xf32, #tpu.memory_space<vmem>>, vector<16xf32>,
    %get3A_112 = arith.constant 0 : index
    %get3A_113 = tpu.vector_load %arg10[%get3A_112] {strides = array<i32>} : memref<256xf32, #tpu.memory_space<vmem>>, vector<16xf32>,
    %mul3A_114 = arith.mulf %get3A_111, %get3A_113 : vector<16xf32>
    %add3A_115 = arith.addf %broadcast_in_dim3A_109, %mul3A_114 : vector<16xf32>
    %get3A_116 = arith.constant 144 : index
    %get3A_117 = tpu.vector_load %arg9[%get3A_116] {strides = array<i32>} : memref<256xf32, #tpu.memory_space<vmem>>, vector<16xf32>,
    %get3A_118 = arith.constant 16 : index
    %get3A_119 = tpu.vector_load %arg10[%get3A_118] {strides = array<i32>} : memref<256xf32, #tpu.memory_space<vmem>>, vector<16xf32>,
    %mul3A_120 = arith.mulf %get3A_117, %get3A_119 : vector<16xf32>
    %add3A_121 = arith.addf %add3A_115, %mul3A_120 : vector<16xf32>
    %get3A_122 = arith.constant 160 : index
    %get3A_123 = tpu.vector_load %arg9[%get3A_122] {strides = array<i32>} : memref<256xf32, #tpu.memory_space<vmem>>, vector<16xf32>,
    %get3A_124 = arith.constant 32 : index
    %get3A_125 = tpu.vector_load %arg10[%get3A_124] {strides = array<i32>} : memref<256xf32, #tpu.memory_space<vmem>>, vector<16xf32>,
    %mul3A_126 = arith.mulf %get3A_123, %get3A_125 : vector<16xf32>
    %add3A_127 = arith.addf %add3A_121, %mul3A_126 : vector<16xf32>
    %get3A_128 = arith.constant 176 : index
    %get3A_129 = tpu.vector_load %arg9[%get3A_128] {strides = array<i32>} : memref<256xf32, #tpu.memory_space<vmem>>, vector<16xf32>,
    %get3A_130 = arith.constant 48 : index
    %get3A_131 = tpu.vector_load %arg10[%get3A_130] {strides = array<i32>} : memref<256xf32, #tpu.memory_space<vmem>>, vector<16xf32>,
    %mul3A_132 = arith.mulf %get3A_129, %get3A_131 : vector<16xf32>
    %add3A_133 = arith.addf %add3A_127, %mul3A_132 : vector<16xf32>
    %get3A_134 = arith.constant 192 : index
    %get3A_135 = tpu.vector_load %arg9[%get3A_134] {strides = array<i32>} : memref<256xf32, #tpu.memory_space<vmem>>, vector<16xf32>,
    %get3A_136 = arith.constant 64 : index
    %get3A_137 = tpu.vector_load %arg10[%get3A_136] {strides = array<i32>} : memref<256xf32, #tpu.memory_space<vmem>>, vector<16xf32>,
    %mul3A_138 = arith.mulf %get3A_135, %get3A_137 : vector<16xf32>
    %add3A_139 = arith.addf %add3A_133, %mul3A_138 : vector<16xf32>
    %get3A_140 = arith.constant 208 : index
    %get3A_141 = tpu.vector_load %arg9[%get3A_140] {strides = array<i32>} : memref<256xf32, #tpu.memory_space<vmem>>, vector<16xf32>,
    %get3A_142 = arith.constant 80 : index
    %get3A_143 = tpu.vector_load %arg10[%get3A_142] {strides = array<i32>} : memref<256xf32, #tpu.memory_space<vmem>>, vector<16xf32>,
    %mul3A_144 = arith.mulf %get3A_141, %get3A_143 : vector<16xf32>
    %add3A_145 = arith.addf %add3A_139, %mul3A_144 : vector<16xf32>
    %get3A_146 = arith.constant 224 : index
    %get3A_147 = tpu.vector_load %arg9[%get3A_146] {strides = array<i32>} : memref<256xf32, #tpu.memory_space<vmem>>, vector<16xf32>,
    %get3A_148 = arith.constant 96 : index
    %get3A_149 = tpu.vector_load %arg10[%get3A_148] {strides = array<i32>} : memref<256xf32, #tpu.memory_space<vmem>>, vector<16xf32>,
    %mul3A_150 = arith.mulf %get3A_147, %get3A_149 : vector<16xf32>
    %add3A_151 = arith.addf %add3A_145, %mul3A_150 : vector<16xf32>
    %get3A_152 = arith.constant 240 : index
    %get3A_153 = tpu.vector_load %arg9[%get3A_152] {strides = array<i32>} : memref<256xf32, #tpu.memory_space<vmem>>, vector<16xf32>,
    %get3A_154 = arith.constant 112 : index
    %get3A_155 = tpu.vector_load %arg10[%get3A_154] {strides = array<i32>} : memref<256xf32, #tpu.memory_space<vmem>>, vector<16xf32>,
    %mul3A_156 = arith.mulf %get3A_153, %get3A_155 : vector<16xf32>
    %add3A_157 = arith.addf %add3A_151, %mul3A_156 : vector<16xf32>
    %reduce_sum3A_158 = arith.constant true
    %reduce_sum3A_159 = vector.broadcast %reduce_sum3A_158 : i1 to vector<16xi1>
    %reduce_sum3A_160 = tpu.scan <sum>, %add3A_157 masked %reduce_sum3A_159 : vector<16xf32>, vector<16xi1> -> vector<16xf32>
    %reduce_sum3A_161 = vector.extract %reduce_sum3A_160[15] : f32 from vector<16xf32>
    %broadcast_in_dim3A_162 = arith.constant 0.000000e+00 : f32
    %broadcast_in_dim3A_163 = vector.broadcast %broadcast_in_dim3A_162 : f32 to vector<16xf32>
    %get3A_164 = arith.constant 128 : index
    %get3A_165 = tpu.vector_load %arg9[%get3A_164] {strides = array<i32>} : memref<256xf32, #tpu.memory_space<vmem>>, vector<16xf32>,
    %get3A_166 = arith.constant 128 : index
    %get3A_167 = tpu.vector_load %arg10[%get3A_166] {strides = array<i32>} : memref<256xf32, #tpu.memory_space<vmem>>, vector<16xf32>,
    %mul3A_168 = arith.mulf %get3A_165, %get3A_167 : vector<16xf32>
    %add3A_169 = arith.addf %broadcast_in_dim3A_163, %mul3A_168 : vector<16xf32>
    %get3A_170 = arith.constant 144 : index
    %get3A_171 = tpu.vector_load %arg9[%get3A_170] {strides = array<i32>} : memref<256xf32, #tpu.memory_space<vmem>>, vector<16xf32>,
    %get3A_172 = arith.constant 144 : index
    %get3A_173 = tpu.vector_load %arg10[%get3A_172] {strides = array<i32>} : memref<256xf32, #tpu.memory_space<vmem>>, vector<16xf32>,
    %mul3A_174 = arith.mulf %get3A_171, %get3A_173 : vector<16xf32>
    %add3A_175 = arith.addf %add3A_169, %mul3A_174 : vector<16xf32>
    %get3A_176 = arith.constant 160 : index
    %get3A_177 = tpu.vector_load %arg9[%get3A_176] {strides = array<i32>} : memref<256xf32, #tpu.memory_space<vmem>>, vector<16xf32>,
    %get3A_178 = arith.constant 160 : index
    %get3A_179 = tpu.vector_load %arg10[%get3A_178] {strides = array<i32>} : memref<256xf32, #tpu.memory_space<vmem>>, vector<16xf32>,
    %mul3A_180 = arith.mulf %get3A_177, %get3A_179 : vector<16xf32>
    %add3A_181 = arith.addf %add3A_175, %mul3A_180 : vector<16xf32>
    %get3A_182 = arith.constant 176 : index
    %get3A_183 = tpu.vector_load %arg9[%get3A_182] {strides = array<i32>} : memref<256xf32, #tpu.memory_space<vmem>>, vector<16xf32>,
    %get3A_184 = arith.constant 176 : index
    %get3A_185 = tpu.vector_load %arg10[%get3A_184] {strides = array<i32>} : memref<256xf32, #tpu.memory_space<vmem>>, vector<16xf32>,
    %mul3A_186 = arith.mulf %get3A_183, %get3A_185 : vector<16xf32>
    %add3A_187 = arith.addf %add3A_181, %mul3A_186 : vector<16xf32>
    %get3A_188 = arith.constant 192 : index
    %get3A_189 = tpu.vector_load %arg9[%get3A_188] {strides = array<i32>} : memref<256xf32, #tpu.memory_space<vmem>>, vector<16xf32>,
    %get3A_190 = arith.constant 192 : index
    %get3A_191 = tpu.vector_load %arg10[%get3A_190] {strides = array<i32>} : memref<256xf32, #tpu.memory_space<vmem>>, vector<16xf32>,
    %mul3A_192 = arith.mulf %get3A_189, %get3A_191 : vector<16xf32>
    %add3A_193 = arith.addf %add3A_187, %mul3A_192 : vector<16xf32>
    %get3A_194 = arith.constant 208 : index
    %get3A_195 = tpu.vector_load %arg9[%get3A_194] {strides = array<i32>} : memref<256xf32, #tpu.memory_space<vmem>>, vector<16xf32>,
    %get3A_196 = arith.constant 208 : index
    %get3A_197 = tpu.vector_load %arg10[%get3A_196] {strides = array<i32>} : memref<256xf32, #tpu.memory_space<vmem>>, vector<16xf32>,
    %mul3A_198 = arith.mulf %get3A_195, %get3A_197 : vector<16xf32>
    %add3A_199 = arith.addf %add3A_193, %mul3A_198 : vector<16xf32>
    %get3A_200 = arith.constant 224 : index
    %get3A_201 = tpu.vector_load %arg9[%get3A_200] {strides = array<i32>} : memref<256xf32, #tpu.memory_space<vmem>>, vector<16xf32>,
    %get3A_202 = arith.constant 224 : index
    %get3A_203 = tpu.vector_load %arg10[%get3A_202] {strides = array<i32>} : memref<256xf32, #tpu.memory_space<vmem>>, vector<16xf32>,
    %mul3A_204 = arith.mulf %get3A_201, %get3A_203 : vector<16xf32>
    %add3A_205 = arith.addf %add3A_199, %mul3A_204 : vector<16xf32>
    %get3A_206 = arith.constant 240 : index
    %get3A_207 = tpu.vector_load %arg9[%get3A_206] {strides = array<i32>} : memref<256xf32, #tpu.memory_space<vmem>>, vector<16xf32>,
    %get3A_208 = arith.constant 240 : index
    %get3A_209 = tpu.vector_load %arg10[%get3A_208] {strides = array<i32>} : memref<256xf32, #tpu.memory_space<vmem>>, vector<16xf32>,
    %mul3A_210 = arith.mulf %get3A_207, %get3A_209 : vector<16xf32>
    %add3A_211 = arith.addf %add3A_205, %mul3A_210 : vector<16xf32>
    %reduce_sum3A_212 = arith.constant true
    %reduce_sum3A_213 = vector.broadcast %reduce_sum3A_212 : i1 to vector<16xi1>
    %reduce_sum3A_214 = tpu.scan <sum>, %add3A_211 masked %reduce_sum3A_213 : vector<16xf32>, vector<16xi1> -> vector<16xf32>
    %reduce_sum3A_215 = vector.extract %reduce_sum3A_214[15] : f32 from vector<16xf32>
    %get3A_216 = arith.constant 0 : index
    %get3A_217 = tpu.vector_load %arg11[%get3A_216] {strides = array<i32>} : memref<16xf32, #tpu.memory_space<vmem>>, vector<16xf32>,
    %broadcast_in_dim3A_218 = arith.constant 0.000000e+00 : f32
    %broadcast_in_dim3A_219 = vector.broadcast %broadcast_in_dim3A_218 : f32 to vector<16xf32>
    %eq3A = arith.constant 0 : i32
    %eq3A_220 = vector.broadcast %eq3A : i32 to vector<16xi32>
    %eq3A_221 = arith.cmpi eq, %iota3A, %eq3A_220 : vector<16xi32>
    %select_n3A = arith.select %eq3A_221, %get3A_217, %broadcast_in_dim3A_219 : vector<16xi1>, vector<16xf32>
    %reduce_sum3A_222 = arith.constant true
    %reduce_sum3A_223 = vector.broadcast %reduce_sum3A_222 : i1 to vector<16xi1>
    %reduce_sum3A_224 = tpu.scan <sum>, %select_n3A masked %reduce_sum3A_223 : vector<16xf32>, vector<16xi1> -> vector<16xf32>
    %reduce_sum3A_225 = vector.extract %reduce_sum3A_224[15] : f32 from vector<16xf32>
    %eq3A_226 = arith.constant 1 : i32
    %eq3A_227 = vector.broadcast %eq3A_226 : i32 to vector<16xi32>
    %eq3A_228 = arith.cmpi eq, %iota3A, %eq3A_227 : vector<16xi32>
    %select_n3A_229 = arith.select %eq3A_228, %get3A_217, %broadcast_in_dim3A_219 : vector<16xi1>, vector<16xf32>
    %reduce_sum3A_230 = arith.constant true
    %reduce_sum3A_231 = vector.broadcast %reduce_sum3A_230 : i1 to vector<16xi1>
    %reduce_sum3A_232 = tpu.scan <sum>, %select_n3A_229 masked %reduce_sum3A_231 : vector<16xf32>, vector<16xi1> -> vector<16xf32>
    %reduce_sum3A_233 = vector.extract %reduce_sum3A_232[15] : f32 from vector<16xf32>
    %add3A_234 = arith.addf %reduce_sum3A_53, %reduce_sum3A_225 : f32
    %add3A_235 = arith.addf %reduce_sum3A_107, %reduce_sum3A_233 : f32
    %add3A_236 = arith.addf %reduce_sum3A_161, %reduce_sum3A_225 : f32
    %add3A_237 = arith.addf %reduce_sum3A_215, %reduce_sum3A_233 : f32
    %scan3A = arith.constant 0 : i32
    %scan3A_238 = arith.constant 0 : i32
    %scan3A_239 = arith.constant 5 : i32
    %scan3A_240 = arith.addi %scan3A_238, %scan3A_239 : i32
    %scan3A_241 = arith.constant 1 : i32
    scf.for %scan3A_243 = %scan3A_238 to %scan3A_240 step %scan3A_241  : i32 {
      %mul3A_244 = arith.constant 5 : i32
      %mul3A_245 = arith.muli %scan3A_243, %mul3A_244 : i32
      "tpu.region"() ({
        %run_scoped3A = tpu.sem_alloc : memref<!tpu.dma_semaphore, #tpu.memory_space<semaphore_mem>>
        %dma_start3A = arith.constant 0 : i32
        %dma_start3A_307 = arith.constant 0 : i32
        %dma_start3A_308 = tpu.memref_slice %arg2[%mul3A_245, %mul3A_2, %dma_start3A, %dma_start3A_307] : memref<25x128x8x128xi32, #tpu.memory_space<hbm>> -> memref<5x4x8x128xi32, #tpu.memory_space<hbm>>
        %dma_start3A_309 = arith.constant 0 : i32
        %dma_start3A_310 = arith.constant 0 : i32
        %dma_start3A_311 = tpu.memref_slice %arg2[%mul3A_245, %mul3A_2, %dma_start3A_309, %dma_start3A_310] : memref<25x128x8x128xi32, #tpu.memory_space<hbm>> -> memref<5x4x8x128xi32, #tpu.memory_space<hbm>>
        tpu.enqueue_dma source(%dma_start3A_311 : memref<5x4x8x128xi32, #tpu.memory_space<hbm>>) target(%arg7 : memref<5x4x8x128xi32, #tpu.memory_space<vmem>>) target_semaphore(%run_scoped3A : memref<!tpu.dma_semaphore, #tpu.memory_space<semaphore_mem>>)
        %dma_wait3A = arith.constant 0 : i32
        %dma_wait3A_312 = arith.constant 0 : i32
        %dma_wait3A_313 = tpu.memref_slice %arg2[%mul3A_245, %mul3A_2, %dma_wait3A, %dma_wait3A_312] : memref<25x128x8x128xi32, #tpu.memory_space<hbm>> -> memref<5x4x8x128xi32, #tpu.memory_space<hbm>>
        %dma_wait3A_314 = arith.constant 0 : i32
        %dma_wait3A_315 = arith.constant 0 : i32
        %dma_wait3A_316 = tpu.memref_slice %arg2[%mul3A_245, %mul3A_2, %dma_wait3A_314, %dma_wait3A_315] : memref<25x128x8x128xi32, #tpu.memory_space<hbm>> -> memref<5x4x8x128xi32, #tpu.memory_space<hbm>>
        tpu.wait_dma2 semaphore(%run_scoped3A : memref<!tpu.dma_semaphore, #tpu.memory_space<semaphore_mem>>) src(%dma_wait3A_316 : memref<5x4x8x128xi32, #tpu.memory_space<hbm>>) dst(%arg7 : memref<5x4x8x128xi32, #tpu.memory_space<vmem>>)
        tpu.yield
      }) : () -> ()
      %parallel_loop3A = arith.constant 0 : i32
      %parallel_loop3A_246 = arith.constant 64 : i32
      %parallel_loop3A_247 = arith.constant 1 : i32
      scf.for %parallel_loop3A_307 = %parallel_loop3A to %parallel_loop3A_246 step %parallel_loop3A_247  : i32 {
        %parallel_loop3A_308 = arith.constant 3 : i32
        %parallel_loop3A_309 = arith.shrsi %parallel_loop3A_307, %parallel_loop3A_308 : i32
        %parallel_loop3A_310 = arith.constant 7 : i32
        %parallel_loop3A_311 = arith.andi %parallel_loop3A_307, %parallel_loop3A_310 : i32
        %parallel_loop3A_312 = arith.constant 16 : i32
        %parallel_loop3A_313 = arith.muli %parallel_loop3A_311, %parallel_loop3A_312 : i32
        %parallel_loop3A_314 = arith.constant 0 : i32
        %parallel_loop3A_315 = arith.constant 0 : i32
        %parallel_loop3A_316 = arith.index_cast %parallel_loop3A_314 : i32 to index
        %parallel_loop3A_317 = arith.index_cast %parallel_loop3A_315 : i32 to index
        %parallel_loop3A_318 = arith.index_cast %parallel_loop3A_309 : i32 to index
        %parallel_loop3A_319 = arith.index_cast %parallel_loop3A_313 : i32 to index
        %parallel_loop3A_320 = tpu.vector_load %arg7[%parallel_loop3A_316, %parallel_loop3A_317, %parallel_loop3A_318, %parallel_loop3A_319] {strides = array<i32>} : memref<5x4x8x128xi32, #tpu.memory_space<vmem>>, vector<16xi32>,
        %parallel_loop3A_321 = arith.constant 0 : i32
        %parallel_loop3A_322 = vector.broadcast %parallel_loop3A_321 : i32 to vector<16xi32>
        %parallel_loop3A_323 = arith.cmpi eq, %parallel_loop3A_320, %parallel_loop3A_322 : vector<16xi32>
        %parallel_loop3A_324 = vector.broadcast %add3A_234 : f32 to vector<16xf32>
        %parallel_loop3A_325 = vector.broadcast %add3A_236 : f32 to vector<16xf32>
        %parallel_loop3A_326 = arith.select %parallel_loop3A_323, %parallel_loop3A_324, %parallel_loop3A_325 : vector<16xi1>, vector<16xf32>
        %parallel_loop3A_327 = vector.broadcast %add3A_235 : f32 to vector<16xf32>
        %parallel_loop3A_328 = vector.broadcast %add3A_237 : f32 to vector<16xf32>
        %parallel_loop3A_329 = arith.select %parallel_loop3A_323, %parallel_loop3A_327, %parallel_loop3A_328 : vector<16xi1>, vector<16xf32>
        %parallel_loop3A_330 = arith.constant 0 : i32
        %parallel_loop3A_331 = arith.addi %parallel_loop3A_330, %parallel_loop3A_309 : i32
        %parallel_loop3A_332 = arith.constant 0 : i32
        %parallel_loop3A_333 = arith.constant 0 : i32
        %parallel_loop3A_334 = arith.index_cast %parallel_loop3A_331 : i32 to index
        %parallel_loop3A_335 = arith.index_cast %parallel_loop3A_332 : i32 to index
        %parallel_loop3A_336 = arith.index_cast %parallel_loop3A_333 : i32 to index
        %parallel_loop3A_337 = arith.index_cast %parallel_loop3A_313 : i32 to index
        %parallel_loop3A_338 = tpu.vector_load %arg8[%parallel_loop3A_334, %parallel_loop3A_335, %parallel_loop3A_336, %parallel_loop3A_337] {strides = array<i32>} : memref<40x4x2x128xf32, #tpu.memory_space<vmem>>, vector<16xf32>,
        tpu.vector_store %arg8[%parallel_loop3A_334, %parallel_loop3A_335, %parallel_loop3A_336, %parallel_loop3A_337], %parallel_loop3A_326 {strides = array<i32>} : memref<40x4x2x128xf32, #tpu.memory_space<vmem>>, vector<16xf32>,
        %parallel_loop3A_339 = arith.constant 0 : i32
        %parallel_loop3A_340 = arith.constant 1 : i32
        %parallel_loop3A_341 = arith.index_cast %parallel_loop3A_331 : i32 to index
        %parallel_loop3A_342 = arith.index_cast %parallel_loop3A_339 : i32 to index
        %parallel_loop3A_343 = arith.index_cast %parallel_loop3A_340 : i32 to index
        %parallel_loop3A_344 = arith.index_cast %parallel_loop3A_313 : i32 to index
        %parallel_loop3A_345 = tpu.vector_load %arg8[%parallel_loop3A_341, %parallel_loop3A_342, %parallel_loop3A_343, %parallel_loop3A_344] {strides = array<i32>} : memref<40x4x2x128xf32, #tpu.memory_space<vmem>>, vector<16xf32>,
        tpu.vector_store %arg8[%parallel_loop3A_341, %parallel_loop3A_342, %parallel_loop3A_343, %parallel_loop3A_344], %parallel_loop3A_329 {strides = array<i32>} : memref<40x4x2x128xf32, #tpu.memory_space<vmem>>, vector<16xf32>,
      } {sc.loop_unroll_factor = 4 : i64, sc.parallel_access}
      %parallel_loop3A_248 = arith.constant 0 : i32
      %parallel_loop3A_249 = arith.constant 64 : i32
      %parallel_loop3A_250 = arith.constant 1 : i32
      scf.for %parallel_loop3A_307 = %parallel_loop3A_248 to %parallel_loop3A_249 step %parallel_loop3A_250  : i32 {
        %parallel_loop3A_308 = arith.constant 3 : i32
        %parallel_loop3A_309 = arith.shrsi %parallel_loop3A_307, %parallel_loop3A_308 : i32
        %parallel_loop3A_310 = arith.constant 7 : i32
        %parallel_loop3A_311 = arith.andi %parallel_loop3A_307, %parallel_loop3A_310 : i32
        %parallel_loop3A_312 = arith.constant 16 : i32
        %parallel_loop3A_313 = arith.muli %parallel_loop3A_311, %parallel_loop3A_312 : i32
        %parallel_loop3A_314 = arith.constant 0 : i32
        %parallel_loop3A_315 = arith.constant 1 : i32
        %parallel_loop3A_316 = arith.index_cast %parallel_loop3A_314 : i32 to index
        %parallel_loop3A_317 = arith.index_cast %parallel_loop3A_315 : i32 to index
        %parallel_loop3A_318 = arith.index_cast %parallel_loop3A_309 : i32 to index
        %parallel_loop3A_319 = arith.index_cast %parallel_loop3A_313 : i32 to index
        %parallel_loop3A_320 = tpu.vector_load %arg7[%parallel_loop3A_316, %parallel_loop3A_317, %parallel_loop3A_318, %parallel_loop3A_319] {strides = array<i32>} : memref<5x4x8x128xi32, #tpu.memory_space<vmem>>, vector<16xi32>,
        %parallel_loop3A_321 = arith.constant 0 : i32
        %parallel_loop3A_322 = vector.broadcast %parallel_loop3A_321 : i32 to vector<16xi32>
        %parallel_loop3A_323 = arith.cmpi eq, %parallel_loop3A_320, %parallel_loop3A_322 : vector<16xi32>
        %parallel_loop3A_324 = vector.broadcast %add3A_234 : f32 to vector<16xf32>
        %parallel_loop3A_325 = vector.broadcast %add3A_236 : f32 to vector<16xf32>
        %parallel_loop3A_326 = arith.select %parallel_loop3A_323, %parallel_loop3A_324, %parallel_loop3A_325 : vector<16xi1>, vector<16xf32>
        %parallel_loop3A_327 = vector.broadcast %add3A_235 : f32 to vector<16xf32>
        %parallel_loop3A_328 = vector.broadcast %add3A_237 : f32 to vector<16xf32>
        %parallel_loop3A_329 = arith.select %parallel_loop3A_323, %parallel_loop3A_327, %parallel_loop3A_328 : vector<16xi1>, vector<16xf32>
        %parallel_loop3A_330 = arith.constant 0 : i32
        %parallel_loop3A_331 = arith.addi %parallel_loop3A_330, %parallel_loop3A_309 : i32
        %parallel_loop3A_332 = arith.constant 1 : i32
        %parallel_loop3A_333 = arith.constant 0 : i32
        %parallel_loop3A_334 = arith.index_cast %parallel_loop3A_331 : i32 to index
        %parallel_loop3A_335 = arith.index_cast %parallel_loop3A_332 : i32 to index
        %parallel_loop3A_336 = arith.index_cast %parallel_loop3A_333 : i32 to index
        %parallel_loop3A_337 = arith.index_cast %parallel_loop3A_313 : i32 to index
        %parallel_loop3A_338 = tpu.vector_load %arg8[%parallel_loop3A_334, %parallel_loop3A_335, %parallel_loop3A_336, %parallel_loop3A_337] {strides = array<i32>} : memref<40x4x2x128xf32, #tpu.memory_space<vmem>>, vector<16xf32>,
        tpu.vector_store %arg8[%parallel_loop3A_334, %parallel_loop3A_335, %parallel_loop3A_336, %parallel_loop3A_337], %parallel_loop3A_326 {strides = array<i32>} : memref<40x4x2x128xf32, #tpu.memory_space<vmem>>, vector<16xf32>,
        %parallel_loop3A_339 = arith.constant 1 : i32
        %parallel_loop3A_340 = arith.constant 1 : i32
        %parallel_loop3A_341 = arith.index_cast %parallel_loop3A_331 : i32 to index
        %parallel_loop3A_342 = arith.index_cast %parallel_loop3A_339 : i32 to index
        %parallel_loop3A_343 = arith.index_cast %parallel_loop3A_340 : i32 to index
        %parallel_loop3A_344 = arith.index_cast %parallel_loop3A_313 : i32 to index
        %parallel_loop3A_345 = tpu.vector_load %arg8[%parallel_loop3A_341, %parallel_loop3A_342, %parallel_loop3A_343, %parallel_loop3A_344] {strides = array<i32>} : memref<40x4x2x128xf32, #tpu.memory_space<vmem>>, vector<16xf32>,
        tpu.vector_store %arg8[%parallel_loop3A_341, %parallel_loop3A_342, %parallel_loop3A_343, %parallel_loop3A_344], %parallel_loop3A_329 {strides = array<i32>} : memref<40x4x2x128xf32, #tpu.memory_space<vmem>>, vector<16xf32>,
      } {sc.loop_unroll_factor = 4 : i64, sc.parallel_access}
      %parallel_loop3A_251 = arith.constant 0 : i32
      %parallel_loop3A_252 = arith.constant 64 : i32
      %parallel_loop3A_253 = arith.constant 1 : i32
      scf.for %parallel_loop3A_307 = %parallel_loop3A_251 to %parallel_loop3A_252 step %parallel_loop3A_253  : i32 {
        %parallel_loop3A_308 = arith.constant 3 : i32
        %parallel_loop3A_309 = arith.shrsi %parallel_loop3A_307, %parallel_loop3A_308 : i32
        %parallel_loop3A_310 = arith.constant 7 : i32
        %parallel_loop3A_311 = arith.andi %parallel_loop3A_307, %parallel_loop3A_310 : i32
        %parallel_loop3A_312 = arith.constant 16 : i32
        %parallel_loop3A_313 = arith.muli %parallel_loop3A_311, %parallel_loop3A_312 : i32
        %parallel_loop3A_314 = arith.constant 0 : i32
        %parallel_loop3A_315 = arith.constant 2 : i32
        %parallel_loop3A_316 = arith.index_cast %parallel_loop3A_314 : i32 to index
        %parallel_loop3A_317 = arith.index_cast %parallel_loop3A_315 : i32 to index
        %parallel_loop3A_318 = arith.index_cast %parallel_loop3A_309 : i32 to index
        %parallel_loop3A_319 = arith.index_cast %parallel_loop3A_313 : i32 to index
        %parallel_loop3A_320 = tpu.vector_load %arg7[%parallel_loop3A_316, %parallel_loop3A_317, %parallel_loop3A_318, %parallel_loop3A_319] {strides = array<i32>} : memref<5x4x8x128xi32, #tpu.memory_space<vmem>>, vector<16xi32>,
        %parallel_loop3A_321 = arith.constant 0 : i32
        %parallel_loop3A_322 = vector.broadcast %parallel_loop3A_321 : i32 to vector<16xi32>
        %parallel_loop3A_323 = arith.cmpi eq, %parallel_loop3A_320, %parallel_loop3A_322 : vector<16xi32>
        %parallel_loop3A_324 = vector.broadcast %add3A_234 : f32 to vector<16xf32>
        %parallel_loop3A_325 = vector.broadcast %add3A_236 : f32 to vector<16xf32>
        %parallel_loop3A_326 = arith.select %parallel_loop3A_323, %parallel_loop3A_324, %parallel_loop3A_325 : vector<16xi1>, vector<16xf32>
        %parallel_loop3A_327 = vector.broadcast %add3A_235 : f32 to vector<16xf32>
        %parallel_loop3A_328 = vector.broadcast %add3A_237 : f32 to vector<16xf32>
        %parallel_loop3A_329 = arith.select %parallel_loop3A_323, %parallel_loop3A_327, %parallel_loop3A_328 : vector<16xi1>, vector<16xf32>
        %parallel_loop3A_330 = arith.constant 0 : i32
        %parallel_loop3A_331 = arith.addi %parallel_loop3A_330, %parallel_loop3A_309 : i32
        %parallel_loop3A_332 = arith.constant 2 : i32
        %parallel_loop3A_333 = arith.constant 0 : i32
        %parallel_loop3A_334 = arith.index_cast %parallel_loop3A_331 : i32 to index
        %parallel_loop3A_335 = arith.index_cast %parallel_loop3A_332 : i32 to index
        %parallel_loop3A_336 = arith.index_cast %parallel_loop3A_333 : i32 to index
        %parallel_loop3A_337 = arith.index_cast %parallel_loop3A_313 : i32 to index
        %parallel_loop3A_338 = tpu.vector_load %arg8[%parallel_loop3A_334, %parallel_loop3A_335, %parallel_loop3A_336, %parallel_loop3A_337] {strides = array<i32>} : memref<40x4x2x128xf32, #tpu.memory_space<vmem>>, vector<16xf32>,
        tpu.vector_store %arg8[%parallel_loop3A_334, %parallel_loop3A_335, %parallel_loop3A_336, %parallel_loop3A_337], %parallel_loop3A_326 {strides = array<i32>} : memref<40x4x2x128xf32, #tpu.memory_space<vmem>>, vector<16xf32>,
        %parallel_loop3A_339 = arith.constant 2 : i32
        %parallel_loop3A_340 = arith.constant 1 : i32
        %parallel_loop3A_341 = arith.index_cast %parallel_loop3A_331 : i32 to index
        %parallel_loop3A_342 = arith.index_cast %parallel_loop3A_339 : i32 to index
        %parallel_loop3A_343 = arith.index_cast %parallel_loop3A_340 : i32 to index
        %parallel_loop3A_344 = arith.index_cast %parallel_loop3A_313 : i32 to index
        %parallel_loop3A_345 = tpu.vector_load %arg8[%parallel_loop3A_341, %parallel_loop3A_342, %parallel_loop3A_343, %parallel_loop3A_344] {strides = array<i32>} : memref<40x4x2x128xf32, #tpu.memory_space<vmem>>, vector<16xf32>,
        tpu.vector_store %arg8[%parallel_loop3A_341, %parallel_loop3A_342, %parallel_loop3A_343, %parallel_loop3A_344], %parallel_loop3A_329 {strides = array<i32>} : memref<40x4x2x128xf32, #tpu.memory_space<vmem>>, vector<16xf32>,
      } {sc.loop_unroll_factor = 4 : i64, sc.parallel_access}
      %parallel_loop3A_254 = arith.constant 0 : i32
      %parallel_loop3A_255 = arith.constant 64 : i32
      %parallel_loop3A_256 = arith.constant 1 : i32
      scf.for %parallel_loop3A_307 = %parallel_loop3A_254 to %parallel_loop3A_255 step %parallel_loop3A_256  : i32 {
        %parallel_loop3A_308 = arith.constant 3 : i32
        %parallel_loop3A_309 = arith.shrsi %parallel_loop3A_307, %parallel_loop3A_308 : i32
        %parallel_loop3A_310 = arith.constant 7 : i32
        %parallel_loop3A_311 = arith.andi %parallel_loop3A_307, %parallel_loop3A_310 : i32
        %parallel_loop3A_312 = arith.constant 16 : i32
        %parallel_loop3A_313 = arith.muli %parallel_loop3A_311, %parallel_loop3A_312 : i32
        %parallel_loop3A_314 = arith.constant 0 : i32
        %parallel_loop3A_315 = arith.constant 3 : i32
        %parallel_loop3A_316 = arith.index_cast %parallel_loop3A_314 : i32 to index
        %parallel_loop3A_317 = arith.index_cast %parallel_loop3A_315 : i32 to index
        %parallel_loop3A_318 = arith.index_cast %parallel_loop3A_309 : i32 to index
        %parallel_loop3A_319 = arith.index_cast %parallel_loop3A_313 : i32 to index
        %parallel_loop3A_320 = tpu.vector_load %arg7[%parallel_loop3A_316, %parallel_loop3A_317, %parallel_loop3A_318, %parallel_loop3A_319] {strides = array<i32>} : memref<5x4x8x128xi32, #tpu.memory_space<vmem>>, vector<16xi32>,
        %parallel_loop3A_321 = arith.constant 0 : i32
        %parallel_loop3A_322 = vector.broadcast %parallel_loop3A_321 : i32 to vector<16xi32>
        %parallel_loop3A_323 = arith.cmpi eq, %parallel_loop3A_320, %parallel_loop3A_322 : vector<16xi32>
        %parallel_loop3A_324 = vector.broadcast %add3A_234 : f32 to vector<16xf32>
        %parallel_loop3A_325 = vector.broadcast %add3A_236 : f32 to vector<16xf32>
        %parallel_loop3A_326 = arith.select %parallel_loop3A_323, %parallel_loop3A_324, %parallel_loop3A_325 : vector<16xi1>, vector<16xf32>
        %parallel_loop3A_327 = vector.broadcast %add3A_235 : f32 to vector<16xf32>
        %parallel_loop3A_328 = vector.broadcast %add3A_237 : f32 to vector<16xf32>
        %parallel_loop3A_329 = arith.select %parallel_loop3A_323, %parallel_loop3A_327, %parallel_loop3A_328 : vector<16xi1>, vector<16xf32>
        %parallel_loop3A_330 = arith.constant 0 : i32
        %parallel_loop3A_331 = arith.addi %parallel_loop3A_330, %parallel_loop3A_309 : i32
        %parallel_loop3A_332 = arith.constant 3 : i32
        %parallel_loop3A_333 = arith.constant 0 : i32
        %parallel_loop3A_334 = arith.index_cast %parallel_loop3A_331 : i32 to index
        %parallel_loop3A_335 = arith.index_cast %parallel_loop3A_332 : i32 to index
        %parallel_loop3A_336 = arith.index_cast %parallel_loop3A_333 : i32 to index
        %parallel_loop3A_337 = arith.index_cast %parallel_loop3A_313 : i32 to index
        %parallel_loop3A_338 = tpu.vector_load %arg8[%parallel_loop3A_334, %parallel_loop3A_335, %parallel_loop3A_336, %parallel_loop3A_337] {strides = array<i32>} : memref<40x4x2x128xf32, #tpu.memory_space<vmem>>, vector<16xf32>,
        tpu.vector_store %arg8[%parallel_loop3A_334, %parallel_loop3A_335, %parallel_loop3A_336, %parallel_loop3A_337], %parallel_loop3A_326 {strides = array<i32>} : memref<40x4x2x128xf32, #tpu.memory_space<vmem>>, vector<16xf32>,
        %parallel_loop3A_339 = arith.constant 3 : i32
        %parallel_loop3A_340 = arith.constant 1 : i32
        %parallel_loop3A_341 = arith.index_cast %parallel_loop3A_331 : i32 to index
        %parallel_loop3A_342 = arith.index_cast %parallel_loop3A_339 : i32 to index
        %parallel_loop3A_343 = arith.index_cast %parallel_loop3A_340 : i32 to index
        %parallel_loop3A_344 = arith.index_cast %parallel_loop3A_313 : i32 to index
        %parallel_loop3A_345 = tpu.vector_load %arg8[%parallel_loop3A_341, %parallel_loop3A_342, %parallel_loop3A_343, %parallel_loop3A_344] {strides = array<i32>} : memref<40x4x2x128xf32, #tpu.memory_space<vmem>>, vector<16xf32>,
        tpu.vector_store %arg8[%parallel_loop3A_341, %parallel_loop3A_342, %parallel_loop3A_343, %parallel_loop3A_344], %parallel_loop3A_329 {strides = array<i32>} : memref<40x4x2x128xf32, #tpu.memory_space<vmem>>, vector<16xf32>,
      } {sc.loop_unroll_factor = 4 : i64, sc.parallel_access}
      %parallel_loop3A_257 = arith.constant 0 : i32
      %parallel_loop3A_258 = arith.constant 64 : i32
      %parallel_loop3A_259 = arith.constant 1 : i32
      scf.for %parallel_loop3A_307 = %parallel_loop3A_257 to %parallel_loop3A_258 step %parallel_loop3A_259  : i32 {
        %parallel_loop3A_308 = arith.constant 3 : i32
        %parallel_loop3A_309 = arith.shrsi %parallel_loop3A_307, %parallel_loop3A_308 : i32
        %parallel_loop3A_310 = arith.constant 7 : i32
        %parallel_loop3A_311 = arith.andi %parallel_loop3A_307, %parallel_loop3A_310 : i32
        %parallel_loop3A_312 = arith.constant 16 : i32
        %parallel_loop3A_313 = arith.muli %parallel_loop3A_311, %parallel_loop3A_312 : i32
        %parallel_loop3A_314 = arith.constant 1 : i32
        %parallel_loop3A_315 = arith.constant 0 : i32
        %parallel_loop3A_316 = arith.index_cast %parallel_loop3A_314 : i32 to index
        %parallel_loop3A_317 = arith.index_cast %parallel_loop3A_315 : i32 to index
        %parallel_loop3A_318 = arith.index_cast %parallel_loop3A_309 : i32 to index
        %parallel_loop3A_319 = arith.index_cast %parallel_loop3A_313 : i32 to index
        %parallel_loop3A_320 = tpu.vector_load %arg7[%parallel_loop3A_316, %parallel_loop3A_317, %parallel_loop3A_318, %parallel_loop3A_319] {strides = array<i32>} : memref<5x4x8x128xi32, #tpu.memory_space<vmem>>, vector<16xi32>,
        %parallel_loop3A_321 = arith.constant 0 : i32
        %parallel_loop3A_322 = vector.broadcast %parallel_loop3A_321 : i32 to vector<16xi32>
        %parallel_loop3A_323 = arith.cmpi eq, %parallel_loop3A_320, %parallel_loop3A_322 : vector<16xi32>
        %parallel_loop3A_324 = vector.broadcast %add3A_234 : f32 to vector<16xf32>
        %parallel_loop3A_325 = vector.broadcast %add3A_236 : f32 to vector<16xf32>
        %parallel_loop3A_326 = arith.select %parallel_loop3A_323, %parallel_loop3A_324, %parallel_loop3A_325 : vector<16xi1>, vector<16xf32>
        %parallel_loop3A_327 = vector.broadcast %add3A_235 : f32 to vector<16xf32>
        %parallel_loop3A_328 = vector.broadcast %add3A_237 : f32 to vector<16xf32>
        %parallel_loop3A_329 = arith.select %parallel_loop3A_323, %parallel_loop3A_327, %parallel_loop3A_328 : vector<16xi1>, vector<16xf32>
        %parallel_loop3A_330 = arith.constant 8 : i32
        %parallel_loop3A_331 = arith.addi %parallel_loop3A_330, %parallel_loop3A_309 : i32
        %parallel_loop3A_332 = arith.constant 0 : i32
        %parallel_loop3A_333 = arith.constant 0 : i32
        %parallel_loop3A_334 = arith.index_cast %parallel_loop3A_331 : i32 to index
        %parallel_loop3A_335 = arith.index_cast %parallel_loop3A_332 : i32 to index
        %parallel_loop3A_336 = arith.index_cast %parallel_loop3A_333 : i32 to index
        %parallel_loop3A_337 = arith.index_cast %parallel_loop3A_313 : i32 to index
        %parallel_loop3A_338 = tpu.vector_load %arg8[%parallel_loop3A_334, %parallel_loop3A_335, %parallel_loop3A_336, %parallel_loop3A_337] {strides = array<i32>} : memref<40x4x2x128xf32, #tpu.memory_space<vmem>>, vector<16xf32>,
        tpu.vector_store %arg8[%parallel_loop3A_334, %parallel_loop3A_335, %parallel_loop3A_336, %parallel_loop3A_337], %parallel_loop3A_326 {strides = array<i32>} : memref<40x4x2x128xf32, #tpu.memory_space<vmem>>, vector<16xf32>,
        %parallel_loop3A_339 = arith.constant 0 : i32
        %parallel_loop3A_340 = arith.constant 1 : i32
        %parallel_loop3A_341 = arith.index_cast %parallel_loop3A_331 : i32 to index
        %parallel_loop3A_342 = arith.index_cast %parallel_loop3A_339 : i32 to index
        %parallel_loop3A_343 = arith.index_cast %parallel_loop3A_340 : i32 to index
        %parallel_loop3A_344 = arith.index_cast %parallel_loop3A_313 : i32 to index
        %parallel_loop3A_345 = tpu.vector_load %arg8[%parallel_loop3A_341, %parallel_loop3A_342, %parallel_loop3A_343, %parallel_loop3A_344] {strides = array<i32>} : memref<40x4x2x128xf32, #tpu.memory_space<vmem>>, vector<16xf32>,
        tpu.vector_store %arg8[%parallel_loop3A_341, %parallel_loop3A_342, %parallel_loop3A_343, %parallel_loop3A_344], %parallel_loop3A_329 {strides = array<i32>} : memref<40x4x2x128xf32, #tpu.memory_space<vmem>>, vector<16xf32>,
      } {sc.loop_unroll_factor = 4 : i64, sc.parallel_access}
      %parallel_loop3A_260 = arith.constant 0 : i32
      %parallel_loop3A_261 = arith.constant 64 : i32
      %parallel_loop3A_262 = arith.constant 1 : i32
      scf.for %parallel_loop3A_307 = %parallel_loop3A_260 to %parallel_loop3A_261 step %parallel_loop3A_262  : i32 {
        %parallel_loop3A_308 = arith.constant 3 : i32
        %parallel_loop3A_309 = arith.shrsi %parallel_loop3A_307, %parallel_loop3A_308 : i32
        %parallel_loop3A_310 = arith.constant 7 : i32
        %parallel_loop3A_311 = arith.andi %parallel_loop3A_307, %parallel_loop3A_310 : i32
        %parallel_loop3A_312 = arith.constant 16 : i32
        %parallel_loop3A_313 = arith.muli %parallel_loop3A_311, %parallel_loop3A_312 : i32
        %parallel_loop3A_314 = arith.constant 1 : i32
        %parallel_loop3A_315 = arith.constant 1 : i32
        %parallel_loop3A_316 = arith.index_cast %parallel_loop3A_314 : i32 to index
        %parallel_loop3A_317 = arith.index_cast %parallel_loop3A_315 : i32 to index
        %parallel_loop3A_318 = arith.index_cast %parallel_loop3A_309 : i32 to index
        %parallel_loop3A_319 = arith.index_cast %parallel_loop3A_313 : i32 to index
        %parallel_loop3A_320 = tpu.vector_load %arg7[%parallel_loop3A_316, %parallel_loop3A_317, %parallel_loop3A_318, %parallel_loop3A_319] {strides = array<i32>} : memref<5x4x8x128xi32, #tpu.memory_space<vmem>>, vector<16xi32>,
        %parallel_loop3A_321 = arith.constant 0 : i32
        %parallel_loop3A_322 = vector.broadcast %parallel_loop3A_321 : i32 to vector<16xi32>
        %parallel_loop3A_323 = arith.cmpi eq, %parallel_loop3A_320, %parallel_loop3A_322 : vector<16xi32>
        %parallel_loop3A_324 = vector.broadcast %add3A_234 : f32 to vector<16xf32>
        %parallel_loop3A_325 = vector.broadcast %add3A_236 : f32 to vector<16xf32>
        %parallel_loop3A_326 = arith.select %parallel_loop3A_323, %parallel_loop3A_324, %parallel_loop3A_325 : vector<16xi1>, vector<16xf32>
        %parallel_loop3A_327 = vector.broadcast %add3A_235 : f32 to vector<16xf32>
        %parallel_loop3A_328 = vector.broadcast %add3A_237 : f32 to vector<16xf32>
        %parallel_loop3A_329 = arith.select %parallel_loop3A_323, %parallel_loop3A_327, %parallel_loop3A_328 : vector<16xi1>, vector<16xf32>
        %parallel_loop3A_330 = arith.constant 8 : i32
        %parallel_loop3A_331 = arith.addi %parallel_loop3A_330, %parallel_loop3A_309 : i32
        %parallel_loop3A_332 = arith.constant 1 : i32
        %parallel_loop3A_333 = arith.constant 0 : i32
        %parallel_loop3A_334 = arith.index_cast %parallel_loop3A_331 : i32 to index
        %parallel_loop3A_335 = arith.index_cast %parallel_loop3A_332 : i32 to index
        %parallel_loop3A_336 = arith.index_cast %parallel_loop3A_333 : i32 to index
        %parallel_loop3A_337 = arith.index_cast %parallel_loop3A_313 : i32 to index
        %parallel_loop3A_338 = tpu.vector_load %arg8[%parallel_loop3A_334, %parallel_loop3A_335, %parallel_loop3A_336, %parallel_loop3A_337] {strides = array<i32>} : memref<40x4x2x128xf32, #tpu.memory_space<vmem>>, vector<16xf32>,
        tpu.vector_store %arg8[%parallel_loop3A_334, %parallel_loop3A_335, %parallel_loop3A_336, %parallel_loop3A_337], %parallel_loop3A_326 {strides = array<i32>} : memref<40x4x2x128xf32, #tpu.memory_space<vmem>>, vector<16xf32>,
        %parallel_loop3A_339 = arith.constant 1 : i32
        %parallel_loop3A_340 = arith.constant 1 : i32
        %parallel_loop3A_341 = arith.index_cast %parallel_loop3A_331 : i32 to index
        %parallel_loop3A_342 = arith.index_cast %parallel_loop3A_339 : i32 to index
        %parallel_loop3A_343 = arith.index_cast %parallel_loop3A_340 : i32 to index
        %parallel_loop3A_344 = arith.index_cast %parallel_loop3A_313 : i32 to index
        %parallel_loop3A_345 = tpu.vector_load %arg8[%parallel_loop3A_341, %parallel_loop3A_342, %parallel_loop3A_343, %parallel_loop3A_344] {strides = array<i32>} : memref<40x4x2x128xf32, #tpu.memory_space<vmem>>, vector<16xf32>,
        tpu.vector_store %arg8[%parallel_loop3A_341, %parallel_loop3A_342, %parallel_loop3A_343, %parallel_loop3A_344], %parallel_loop3A_329 {strides = array<i32>} : memref<40x4x2x128xf32, #tpu.memory_space<vmem>>, vector<16xf32>,
      } {sc.loop_unroll_factor = 4 : i64, sc.parallel_access}
      %parallel_loop3A_263 = arith.constant 0 : i32
      %parallel_loop3A_264 = arith.constant 64 : i32
      %parallel_loop3A_265 = arith.constant 1 : i32
      scf.for %parallel_loop3A_307 = %parallel_loop3A_263 to %parallel_loop3A_264 step %parallel_loop3A_265  : i32 {
        %parallel_loop3A_308 = arith.constant 3 : i32
        %parallel_loop3A_309 = arith.shrsi %parallel_loop3A_307, %parallel_loop3A_308 : i32
        %parallel_loop3A_310 = arith.constant 7 : i32
        %parallel_loop3A_311 = arith.andi %parallel_loop3A_307, %parallel_loop3A_310 : i32
        %parallel_loop3A_312 = arith.constant 16 : i32
        %parallel_loop3A_313 = arith.muli %parallel_loop3A_311, %parallel_loop3A_312 : i32
        %parallel_loop3A_314 = arith.constant 1 : i32
        %parallel_loop3A_315 = arith.constant 2 : i32
        %parallel_loop3A_316 = arith.index_cast %parallel_loop3A_314 : i32 to index
        %parallel_loop3A_317 = arith.index_cast %parallel_loop3A_315 : i32 to index
        %parallel_loop3A_318 = arith.index_cast %parallel_loop3A_309 : i32 to index
        %parallel_loop3A_319 = arith.index_cast %parallel_loop3A_313 : i32 to index
        %parallel_loop3A_320 = tpu.vector_load %arg7[%parallel_loop3A_316, %parallel_loop3A_317, %parallel_loop3A_318, %parallel_loop3A_319] {strides = array<i32>} : memref<5x4x8x128xi32, #tpu.memory_space<vmem>>, vector<16xi32>,
        %parallel_loop3A_321 = arith.constant 0 : i32
        %parallel_loop3A_322 = vector.broadcast %parallel_loop3A_321 : i32 to vector<16xi32>
        %parallel_loop3A_323 = arith.cmpi eq, %parallel_loop3A_320, %parallel_loop3A_322 : vector<16xi32>
        %parallel_loop3A_324 = vector.broadcast %add3A_234 : f32 to vector<16xf32>
        %parallel_loop3A_325 = vector.broadcast %add3A_236 : f32 to vector<16xf32>
        %parallel_loop3A_326 = arith.select %parallel_loop3A_323, %parallel_loop3A_324, %parallel_loop3A_325 : vector<16xi1>, vector<16xf32>
        %parallel_loop3A_327 = vector.broadcast %add3A_235 : f32 to vector<16xf32>
        %parallel_loop3A_328 = vector.broadcast %add3A_237 : f32 to vector<16xf32>
        %parallel_loop3A_329 = arith.select %parallel_loop3A_323, %parallel_loop3A_327, %parallel_loop3A_328 : vector<16xi1>, vector<16xf32>
        %parallel_loop3A_330 = arith.constant 8 : i32
        %parallel_loop3A_331 = arith.addi %parallel_loop3A_330, %parallel_loop3A_309 : i32
        %parallel_loop3A_332 = arith.constant 2 : i32
        %parallel_loop3A_333 = arith.constant 0 : i32
        %parallel_loop3A_334 = arith.index_cast %parallel_loop3A_331 : i32 to index
        %parallel_loop3A_335 = arith.index_cast %parallel_loop3A_332 : i32 to index
        %parallel_loop3A_336 = arith.index_cast %parallel_loop3A_333 : i32 to index
        %parallel_loop3A_337 = arith.index_cast %parallel_loop3A_313 : i32 to index
        %parallel_loop3A_338 = tpu.vector_load %arg8[%parallel_loop3A_334, %parallel_loop3A_335, %parallel_loop3A_336, %parallel_loop3A_337] {strides = array<i32>} : memref<40x4x2x128xf32, #tpu.memory_space<vmem>>, vector<16xf32>,
        tpu.vector_store %arg8[%parallel_loop3A_334, %parallel_loop3A_335, %parallel_loop3A_336, %parallel_loop3A_337], %parallel_loop3A_326 {strides = array<i32>} : memref<40x4x2x128xf32, #tpu.memory_space<vmem>>, vector<16xf32>,
        %parallel_loop3A_339 = arith.constant 2 : i32
        %parallel_loop3A_340 = arith.constant 1 : i32
        %parallel_loop3A_341 = arith.index_cast %parallel_loop3A_331 : i32 to index
        %parallel_loop3A_342 = arith.index_cast %parallel_loop3A_339 : i32 to index
        %parallel_loop3A_343 = arith.index_cast %parallel_loop3A_340 : i32 to index
        %parallel_loop3A_344 = arith.index_cast %parallel_loop3A_313 : i32 to index
        %parallel_loop3A_345 = tpu.vector_load %arg8[%parallel_loop3A_341, %parallel_loop3A_342, %parallel_loop3A_343, %parallel_loop3A_344] {strides = array<i32>} : memref<40x4x2x128xf32, #tpu.memory_space<vmem>>, vector<16xf32>,
        tpu.vector_store %arg8[%parallel_loop3A_341, %parallel_loop3A_342, %parallel_loop3A_343, %parallel_loop3A_344], %parallel_loop3A_329 {strides = array<i32>} : memref<40x4x2x128xf32, #tpu.memory_space<vmem>>, vector<16xf32>,
      } {sc.loop_unroll_factor = 4 : i64, sc.parallel_access}
      %parallel_loop3A_266 = arith.constant 0 : i32
      %parallel_loop3A_267 = arith.constant 64 : i32
      %parallel_loop3A_268 = arith.constant 1 : i32
      scf.for %parallel_loop3A_307 = %parallel_loop3A_266 to %parallel_loop3A_267 step %parallel_loop3A_268  : i32 {
        %parallel_loop3A_308 = arith.constant 3 : i32
        %parallel_loop3A_309 = arith.shrsi %parallel_loop3A_307, %parallel_loop3A_308 : i32
        %parallel_loop3A_310 = arith.constant 7 : i32
        %parallel_loop3A_311 = arith.andi %parallel_loop3A_307, %parallel_loop3A_310 : i32
        %parallel_loop3A_312 = arith.constant 16 : i32
        %parallel_loop3A_313 = arith.muli %parallel_loop3A_311, %parallel_loop3A_312 : i32
        %parallel_loop3A_314 = arith.constant 1 : i32
        %parallel_loop3A_315 = arith.constant 3 : i32
        %parallel_loop3A_316 = arith.index_cast %parallel_loop3A_314 : i32 to index
        %parallel_loop3A_317 = arith.index_cast %parallel_loop3A_315 : i32 to index
        %parallel_loop3A_318 = arith.index_cast %parallel_loop3A_309 : i32 to index
        %parallel_loop3A_319 = arith.index_cast %parallel_loop3A_313 : i32 to index
        %parallel_loop3A_320 = tpu.vector_load %arg7[%parallel_loop3A_316, %parallel_loop3A_317, %parallel_loop3A_318, %parallel_loop3A_319] {strides = array<i32>} : memref<5x4x8x128xi32, #tpu.memory_space<vmem>>, vector<16xi32>,
        %parallel_loop3A_321 = arith.constant 0 : i32
        %parallel_loop3A_322 = vector.broadcast %parallel_loop3A_321 : i32 to vector<16xi32>
        %parallel_loop3A_323 = arith.cmpi eq, %parallel_loop3A_320, %parallel_loop3A_322 : vector<16xi32>
        %parallel_loop3A_324 = vector.broadcast %add3A_234 : f32 to vector<16xf32>
        %parallel_loop3A_325 = vector.broadcast %add3A_236 : f32 to vector<16xf32>
        %parallel_loop3A_326 = arith.select %parallel_loop3A_323, %parallel_loop3A_324, %parallel_loop3A_325 : vector<16xi1>, vector<16xf32>
        %parallel_loop3A_327 = vector.broadcast %add3A_235 : f32 to vector<16xf32>
        %parallel_loop3A_328 = vector.broadcast %add3A_237 : f32 to vector<16xf32>
        %parallel_loop3A_329 = arith.select %parallel_loop3A_323, %parallel_loop3A_327, %parallel_loop3A_328 : vector<16xi1>, vector<16xf32>
        %parallel_loop3A_330 = arith.constant 8 : i32
        %parallel_loop3A_331 = arith.addi %parallel_loop3A_330, %parallel_loop3A_309 : i32
        %parallel_loop3A_332 = arith.constant 3 : i32
        %parallel_loop3A_333 = arith.constant 0 : i32
        %parallel_loop3A_334 = arith.index_cast %parallel_loop3A_331 : i32 to index
        %parallel_loop3A_335 = arith.index_cast %parallel_loop3A_332 : i32 to index
        %parallel_loop3A_336 = arith.index_cast %parallel_loop3A_333 : i32 to index
        %parallel_loop3A_337 = arith.index_cast %parallel_loop3A_313 : i32 to index
        %parallel_loop3A_338 = tpu.vector_load %arg8[%parallel_loop3A_334, %parallel_loop3A_335, %parallel_loop3A_336, %parallel_loop3A_337] {strides = array<i32>} : memref<40x4x2x128xf32, #tpu.memory_space<vmem>>, vector<16xf32>,
        tpu.vector_store %arg8[%parallel_loop3A_334, %parallel_loop3A_335, %parallel_loop3A_336, %parallel_loop3A_337], %parallel_loop3A_326 {strides = array<i32>} : memref<40x4x2x128xf32, #tpu.memory_space<vmem>>, vector<16xf32>,
        %parallel_loop3A_339 = arith.constant 3 : i32
        %parallel_loop3A_340 = arith.constant 1 : i32
        %parallel_loop3A_341 = arith.index_cast %parallel_loop3A_331 : i32 to index
        %parallel_loop3A_342 = arith.index_cast %parallel_loop3A_339 : i32 to index
        %parallel_loop3A_343 = arith.index_cast %parallel_loop3A_340 : i32 to index
        %parallel_loop3A_344 = arith.index_cast %parallel_loop3A_313 : i32 to index
        %parallel_loop3A_345 = tpu.vector_load %arg8[%parallel_loop3A_341, %parallel_loop3A_342, %parallel_loop3A_343, %parallel_loop3A_344] {strides = array<i32>} : memref<40x4x2x128xf32, #tpu.memory_space<vmem>>, vector<16xf32>,
        tpu.vector_store %arg8[%parallel_loop3A_341, %parallel_loop3A_342, %parallel_loop3A_343, %parallel_loop3A_344], %parallel_loop3A_329 {strides = array<i32>} : memref<40x4x2x128xf32, #tpu.memory_space<vmem>>, vector<16xf32>,
      } {sc.loop_unroll_factor = 4 : i64, sc.parallel_access}
      %parallel_loop3A_269 = arith.constant 0 : i32
      %parallel_loop3A_270 = arith.constant 64 : i32
      %parallel_loop3A_271 = arith.constant 1 : i32
      scf.for %parallel_loop3A_307 = %parallel_loop3A_269 to %parallel_loop3A_270 step %parallel_loop3A_271  : i32 {
        %parallel_loop3A_308 = arith.constant 3 : i32
        %parallel_loop3A_309 = arith.shrsi %parallel_loop3A_307, %parallel_loop3A_308 : i32
        %parallel_loop3A_310 = arith.constant 7 : i32
        %parallel_loop3A_311 = arith.andi %parallel_loop3A_307, %parallel_loop3A_310 : i32
        %parallel_loop3A_312 = arith.constant 16 : i32
        %parallel_loop3A_313 = arith.muli %parallel_loop3A_311, %parallel_loop3A_312 : i32
        %parallel_loop3A_314 = arith.constant 2 : i32
        %parallel_loop3A_315 = arith.constant 0 : i32
        %parallel_loop3A_316 = arith.index_cast %parallel_loop3A_314 : i32 to index
        %parallel_loop3A_317 = arith.index_cast %parallel_loop3A_315 : i32 to index
        %parallel_loop3A_318 = arith.index_cast %parallel_loop3A_309 : i32 to index
        %parallel_loop3A_319 = arith.index_cast %parallel_loop3A_313 : i32 to index
        %parallel_loop3A_320 = tpu.vector_load %arg7[%parallel_loop3A_316, %parallel_loop3A_317, %parallel_loop3A_318, %parallel_loop3A_319] {strides = array<i32>} : memref<5x4x8x128xi32, #tpu.memory_space<vmem>>, vector<16xi32>,
        %parallel_loop3A_321 = arith.constant 0 : i32
        %parallel_loop3A_322 = vector.broadcast %parallel_loop3A_321 : i32 to vector<16xi32>
        %parallel_loop3A_323 = arith.cmpi eq, %parallel_loop3A_320, %parallel_loop3A_322 : vector<16xi32>
        %parallel_loop3A_324 = vector.broadcast %add3A_234 : f32 to vector<16xf32>
        %parallel_loop3A_325 = vector.broadcast %add3A_236 : f32 to vector<16xf32>
        %parallel_loop3A_326 = arith.select %parallel_loop3A_323, %parallel_loop3A_324, %parallel_loop3A_325 : vector<16xi1>, vector<16xf32>
        %parallel_loop3A_327 = vector.broadcast %add3A_235 : f32 to vector<16xf32>
        %parallel_loop3A_328 = vector.broadcast %add3A_237 : f32 to vector<16xf32>
        %parallel_loop3A_329 = arith.select %parallel_loop3A_323, %parallel_loop3A_327, %parallel_loop3A_328 : vector<16xi1>, vector<16xf32>
        %parallel_loop3A_330 = arith.constant 16 : i32
        %parallel_loop3A_331 = arith.addi %parallel_loop3A_330, %parallel_loop3A_309 : i32
        %parallel_loop3A_332 = arith.constant 0 : i32
        %parallel_loop3A_333 = arith.constant 0 : i32
        %parallel_loop3A_334 = arith.index_cast %parallel_loop3A_331 : i32 to index
        %parallel_loop3A_335 = arith.index_cast %parallel_loop3A_332 : i32 to index
        %parallel_loop3A_336 = arith.index_cast %parallel_loop3A_333 : i32 to index
        %parallel_loop3A_337 = arith.index_cast %parallel_loop3A_313 : i32 to index
        %parallel_loop3A_338 = tpu.vector_load %arg8[%parallel_loop3A_334, %parallel_loop3A_335, %parallel_loop3A_336, %parallel_loop3A_337] {strides = array<i32>} : memref<40x4x2x128xf32, #tpu.memory_space<vmem>>, vector<16xf32>,
        tpu.vector_store %arg8[%parallel_loop3A_334, %parallel_loop3A_335, %parallel_loop3A_336, %parallel_loop3A_337], %parallel_loop3A_326 {strides = array<i32>} : memref<40x4x2x128xf32, #tpu.memory_space<vmem>>, vector<16xf32>,
        %parallel_loop3A_339 = arith.constant 0 : i32
        %parallel_loop3A_340 = arith.constant 1 : i32
        %parallel_loop3A_341 = arith.index_cast %parallel_loop3A_331 : i32 to index
        %parallel_loop3A_342 = arith.index_cast %parallel_loop3A_339 : i32 to index
        %parallel_loop3A_343 = arith.index_cast %parallel_loop3A_340 : i32 to index
        %parallel_loop3A_344 = arith.index_cast %parallel_loop3A_313 : i32 to index
        %parallel_loop3A_345 = tpu.vector_load %arg8[%parallel_loop3A_341, %parallel_loop3A_342, %parallel_loop3A_343, %parallel_loop3A_344] {strides = array<i32>} : memref<40x4x2x128xf32, #tpu.memory_space<vmem>>, vector<16xf32>,
        tpu.vector_store %arg8[%parallel_loop3A_341, %parallel_loop3A_342, %parallel_loop3A_343, %parallel_loop3A_344], %parallel_loop3A_329 {strides = array<i32>} : memref<40x4x2x128xf32, #tpu.memory_space<vmem>>, vector<16xf32>,
      } {sc.loop_unroll_factor = 4 : i64, sc.parallel_access}
      %parallel_loop3A_272 = arith.constant 0 : i32
      %parallel_loop3A_273 = arith.constant 64 : i32
      %parallel_loop3A_274 = arith.constant 1 : i32
      scf.for %parallel_loop3A_307 = %parallel_loop3A_272 to %parallel_loop3A_273 step %parallel_loop3A_274  : i32 {
        %parallel_loop3A_308 = arith.constant 3 : i32
        %parallel_loop3A_309 = arith.shrsi %parallel_loop3A_307, %parallel_loop3A_308 : i32
        %parallel_loop3A_310 = arith.constant 7 : i32
        %parallel_loop3A_311 = arith.andi %parallel_loop3A_307, %parallel_loop3A_310 : i32
        %parallel_loop3A_312 = arith.constant 16 : i32
        %parallel_loop3A_313 = arith.muli %parallel_loop3A_311, %parallel_loop3A_312 : i32
        %parallel_loop3A_314 = arith.constant 2 : i32
        %parallel_loop3A_315 = arith.constant 1 : i32
        %parallel_loop3A_316 = arith.index_cast %parallel_loop3A_314 : i32 to index
        %parallel_loop3A_317 = arith.index_cast %parallel_loop3A_315 : i32 to index
        %parallel_loop3A_318 = arith.index_cast %parallel_loop3A_309 : i32 to index
        %parallel_loop3A_319 = arith.index_cast %parallel_loop3A_313 : i32 to index
        %parallel_loop3A_320 = tpu.vector_load %arg7[%parallel_loop3A_316, %parallel_loop3A_317, %parallel_loop3A_318, %parallel_loop3A_319] {strides = array<i32>} : memref<5x4x8x128xi32, #tpu.memory_space<vmem>>, vector<16xi32>,
        %parallel_loop3A_321 = arith.constant 0 : i32
        %parallel_loop3A_322 = vector.broadcast %parallel_loop3A_321 : i32 to vector<16xi32>
        %parallel_loop3A_323 = arith.cmpi eq, %parallel_loop3A_320, %parallel_loop3A_322 : vector<16xi32>
        %parallel_loop3A_324 = vector.broadcast %add3A_234 : f32 to vector<16xf32>
        %parallel_loop3A_325 = vector.broadcast %add3A_236 : f32 to vector<16xf32>
        %parallel_loop3A_326 = arith.select %parallel_loop3A_323, %parallel_loop3A_324, %parallel_loop3A_325 : vector<16xi1>, vector<16xf32>
        %parallel_loop3A_327 = vector.broadcast %add3A_235 : f32 to vector<16xf32>
        %parallel_loop3A_328 = vector.broadcast %add3A_237 : f32 to vector<16xf32>
        %parallel_loop3A_329 = arith.select %parallel_loop3A_323, %parallel_loop3A_327, %parallel_loop3A_328 : vector<16xi1>, vector<16xf32>
        %parallel_loop3A_330 = arith.constant 16 : i32
        %parallel_loop3A_331 = arith.addi %parallel_loop3A_330, %parallel_loop3A_309 : i32
        %parallel_loop3A_332 = arith.constant 1 : i32
        %parallel_loop3A_333 = arith.constant 0 : i32
        %parallel_loop3A_334 = arith.index_cast %parallel_loop3A_331 : i32 to index
        %parallel_loop3A_335 = arith.index_cast %parallel_loop3A_332 : i32 to index
        %parallel_loop3A_336 = arith.index_cast %parallel_loop3A_333 : i32 to index
        %parallel_loop3A_337 = arith.index_cast %parallel_loop3A_313 : i32 to index
        %parallel_loop3A_338 = tpu.vector_load %arg8[%parallel_loop3A_334, %parallel_loop3A_335, %parallel_loop3A_336, %parallel_loop3A_337] {strides = array<i32>} : memref<40x4x2x128xf32, #tpu.memory_space<vmem>>, vector<16xf32>,
        tpu.vector_store %arg8[%parallel_loop3A_334, %parallel_loop3A_335, %parallel_loop3A_336, %parallel_loop3A_337], %parallel_loop3A_326 {strides = array<i32>} : memref<40x4x2x128xf32, #tpu.memory_space<vmem>>, vector<16xf32>,
        %parallel_loop3A_339 = arith.constant 1 : i32
        %parallel_loop3A_340 = arith.constant 1 : i32
        %parallel_loop3A_341 = arith.index_cast %parallel_loop3A_331 : i32 to index
        %parallel_loop3A_342 = arith.index_cast %parallel_loop3A_339 : i32 to index
        %parallel_loop3A_343 = arith.index_cast %parallel_loop3A_340 : i32 to index
        %parallel_loop3A_344 = arith.index_cast %parallel_loop3A_313 : i32 to index
        %parallel_loop3A_345 = tpu.vector_load %arg8[%parallel_loop3A_341, %parallel_loop3A_342, %parallel_loop3A_343, %parallel_loop3A_344] {strides = array<i32>} : memref<40x4x2x128xf32, #tpu.memory_space<vmem>>, vector<16xf32>,
        tpu.vector_store %arg8[%parallel_loop3A_341, %parallel_loop3A_342, %parallel_loop3A_343, %parallel_loop3A_344], %parallel_loop3A_329 {strides = array<i32>} : memref<40x4x2x128xf32, #tpu.memory_space<vmem>>, vector<16xf32>,
      } {sc.loop_unroll_factor = 4 : i64, sc.parallel_access}
      %parallel_loop3A_275 = arith.constant 0 : i32
      %parallel_loop3A_276 = arith.constant 64 : i32
      %parallel_loop3A_277 = arith.constant 1 : i32
      scf.for %parallel_loop3A_307 = %parallel_loop3A_275 to %parallel_loop3A_276 step %parallel_loop3A_277  : i32 {
        %parallel_loop3A_308 = arith.constant 3 : i32
        %parallel_loop3A_309 = arith.shrsi %parallel_loop3A_307, %parallel_loop3A_308 : i32
        %parallel_loop3A_310 = arith.constant 7 : i32
        %parallel_loop3A_311 = arith.andi %parallel_loop3A_307, %parallel_loop3A_310 : i32
        %parallel_loop3A_312 = arith.constant 16 : i32
        %parallel_loop3A_313 = arith.muli %parallel_loop3A_311, %parallel_loop3A_312 : i32
        %parallel_loop3A_314 = arith.constant 2 : i32
        %parallel_loop3A_315 = arith.constant 2 : i32
        %parallel_loop3A_316 = arith.index_cast %parallel_loop3A_314 : i32 to index
        %parallel_loop3A_317 = arith.index_cast %parallel_loop3A_315 : i32 to index
        %parallel_loop3A_318 = arith.index_cast %parallel_loop3A_309 : i32 to index
        %parallel_loop3A_319 = arith.index_cast %parallel_loop3A_313 : i32 to index
        %parallel_loop3A_320 = tpu.vector_load %arg7[%parallel_loop3A_316, %parallel_loop3A_317, %parallel_loop3A_318, %parallel_loop3A_319] {strides = array<i32>} : memref<5x4x8x128xi32, #tpu.memory_space<vmem>>, vector<16xi32>,
        %parallel_loop3A_321 = arith.constant 0 : i32
        %parallel_loop3A_322 = vector.broadcast %parallel_loop3A_321 : i32 to vector<16xi32>
        %parallel_loop3A_323 = arith.cmpi eq, %parallel_loop3A_320, %parallel_loop3A_322 : vector<16xi32>
        %parallel_loop3A_324 = vector.broadcast %add3A_234 : f32 to vector<16xf32>
        %parallel_loop3A_325 = vector.broadcast %add3A_236 : f32 to vector<16xf32>
        %parallel_loop3A_326 = arith.select %parallel_loop3A_323, %parallel_loop3A_324, %parallel_loop3A_325 : vector<16xi1>, vector<16xf32>
        %parallel_loop3A_327 = vector.broadcast %add3A_235 : f32 to vector<16xf32>
        %parallel_loop3A_328 = vector.broadcast %add3A_237 : f32 to vector<16xf32>
        %parallel_loop3A_329 = arith.select %parallel_loop3A_323, %parallel_loop3A_327, %parallel_loop3A_328 : vector<16xi1>, vector<16xf32>
        %parallel_loop3A_330 = arith.constant 16 : i32
        %parallel_loop3A_331 = arith.addi %parallel_loop3A_330, %parallel_loop3A_309 : i32
        %parallel_loop3A_332 = arith.constant 2 : i32
        %parallel_loop3A_333 = arith.constant 0 : i32
        %parallel_loop3A_334 = arith.index_cast %parallel_loop3A_331 : i32 to index
        %parallel_loop3A_335 = arith.index_cast %parallel_loop3A_332 : i32 to index
        %parallel_loop3A_336 = arith.index_cast %parallel_loop3A_333 : i32 to index
        %parallel_loop3A_337 = arith.index_cast %parallel_loop3A_313 : i32 to index
        %parallel_loop3A_338 = tpu.vector_load %arg8[%parallel_loop3A_334, %parallel_loop3A_335, %parallel_loop3A_336, %parallel_loop3A_337] {strides = array<i32>} : memref<40x4x2x128xf32, #tpu.memory_space<vmem>>, vector<16xf32>,
        tpu.vector_store %arg8[%parallel_loop3A_334, %parallel_loop3A_335, %parallel_loop3A_336, %parallel_loop3A_337], %parallel_loop3A_326 {strides = array<i32>} : memref<40x4x2x128xf32, #tpu.memory_space<vmem>>, vector<16xf32>,
        %parallel_loop3A_339 = arith.constant 2 : i32
        %parallel_loop3A_340 = arith.constant 1 : i32
        %parallel_loop3A_341 = arith.index_cast %parallel_loop3A_331 : i32 to index
        %parallel_loop3A_342 = arith.index_cast %parallel_loop3A_339 : i32 to index
        %parallel_loop3A_343 = arith.index_cast %parallel_loop3A_340 : i32 to index
        %parallel_loop3A_344 = arith.index_cast %parallel_loop3A_313 : i32 to index
        %parallel_loop3A_345 = tpu.vector_load %arg8[%parallel_loop3A_341, %parallel_loop3A_342, %parallel_loop3A_343, %parallel_loop3A_344] {strides = array<i32>} : memref<40x4x2x128xf32, #tpu.memory_space<vmem>>, vector<16xf32>,
        tpu.vector_store %arg8[%parallel_loop3A_341, %parallel_loop3A_342, %parallel_loop3A_343, %parallel_loop3A_344], %parallel_loop3A_329 {strides = array<i32>} : memref<40x4x2x128xf32, #tpu.memory_space<vmem>>, vector<16xf32>,
      } {sc.loop_unroll_factor = 4 : i64, sc.parallel_access}
      %parallel_loop3A_278 = arith.constant 0 : i32
      %parallel_loop3A_279 = arith.constant 64 : i32
      %parallel_loop3A_280 = arith.constant 1 : i32
      scf.for %parallel_loop3A_307 = %parallel_loop3A_278 to %parallel_loop3A_279 step %parallel_loop3A_280  : i32 {
        %parallel_loop3A_308 = arith.constant 3 : i32
        %parallel_loop3A_309 = arith.shrsi %parallel_loop3A_307, %parallel_loop3A_308 : i32
        %parallel_loop3A_310 = arith.constant 7 : i32
        %parallel_loop3A_311 = arith.andi %parallel_loop3A_307, %parallel_loop3A_310 : i32
        %parallel_loop3A_312 = arith.constant 16 : i32
        %parallel_loop3A_313 = arith.muli %parallel_loop3A_311, %parallel_loop3A_312 : i32
        %parallel_loop3A_314 = arith.constant 2 : i32
        %parallel_loop3A_315 = arith.constant 3 : i32
        %parallel_loop3A_316 = arith.index_cast %parallel_loop3A_314 : i32 to index
        %parallel_loop3A_317 = arith.index_cast %parallel_loop3A_315 : i32 to index
        %parallel_loop3A_318 = arith.index_cast %parallel_loop3A_309 : i32 to index
        %parallel_loop3A_319 = arith.index_cast %parallel_loop3A_313 : i32 to index
        %parallel_loop3A_320 = tpu.vector_load %arg7[%parallel_loop3A_316, %parallel_loop3A_317, %parallel_loop3A_318, %parallel_loop3A_319] {strides = array<i32>} : memref<5x4x8x128xi32, #tpu.memory_space<vmem>>, vector<16xi32>,
        %parallel_loop3A_321 = arith.constant 0 : i32
        %parallel_loop3A_322 = vector.broadcast %parallel_loop3A_321 : i32 to vector<16xi32>
        %parallel_loop3A_323 = arith.cmpi eq, %parallel_loop3A_320, %parallel_loop3A_322 : vector<16xi32>
        %parallel_loop3A_324 = vector.broadcast %add3A_234 : f32 to vector<16xf32>
        %parallel_loop3A_325 = vector.broadcast %add3A_236 : f32 to vector<16xf32>
        %parallel_loop3A_326 = arith.select %parallel_loop3A_323, %parallel_loop3A_324, %parallel_loop3A_325 : vector<16xi1>, vector<16xf32>
        %parallel_loop3A_327 = vector.broadcast %add3A_235 : f32 to vector<16xf32>
        %parallel_loop3A_328 = vector.broadcast %add3A_237 : f32 to vector<16xf32>
        %parallel_loop3A_329 = arith.select %parallel_loop3A_323, %parallel_loop3A_327, %parallel_loop3A_328 : vector<16xi1>, vector<16xf32>
        %parallel_loop3A_330 = arith.constant 16 : i32
        %parallel_loop3A_331 = arith.addi %parallel_loop3A_330, %parallel_loop3A_309 : i32
        %parallel_loop3A_332 = arith.constant 3 : i32
        %parallel_loop3A_333 = arith.constant 0 : i32
        %parallel_loop3A_334 = arith.index_cast %parallel_loop3A_331 : i32 to index
        %parallel_loop3A_335 = arith.index_cast %parallel_loop3A_332 : i32 to index
        %parallel_loop3A_336 = arith.index_cast %parallel_loop3A_333 : i32 to index
        %parallel_loop3A_337 = arith.index_cast %parallel_loop3A_313 : i32 to index
        %parallel_loop3A_338 = tpu.vector_load %arg8[%parallel_loop3A_334, %parallel_loop3A_335, %parallel_loop3A_336, %parallel_loop3A_337] {strides = array<i32>} : memref<40x4x2x128xf32, #tpu.memory_space<vmem>>, vector<16xf32>,
        tpu.vector_store %arg8[%parallel_loop3A_334, %parallel_loop3A_335, %parallel_loop3A_336, %parallel_loop3A_337], %parallel_loop3A_326 {strides = array<i32>} : memref<40x4x2x128xf32, #tpu.memory_space<vmem>>, vector<16xf32>,
        %parallel_loop3A_339 = arith.constant 3 : i32
        %parallel_loop3A_340 = arith.constant 1 : i32
        %parallel_loop3A_341 = arith.index_cast %parallel_loop3A_331 : i32 to index
        %parallel_loop3A_342 = arith.index_cast %parallel_loop3A_339 : i32 to index
        %parallel_loop3A_343 = arith.index_cast %parallel_loop3A_340 : i32 to index
        %parallel_loop3A_344 = arith.index_cast %parallel_loop3A_313 : i32 to index
        %parallel_loop3A_345 = tpu.vector_load %arg8[%parallel_loop3A_341, %parallel_loop3A_342, %parallel_loop3A_343, %parallel_loop3A_344] {strides = array<i32>} : memref<40x4x2x128xf32, #tpu.memory_space<vmem>>, vector<16xf32>,
        tpu.vector_store %arg8[%parallel_loop3A_341, %parallel_loop3A_342, %parallel_loop3A_343, %parallel_loop3A_344], %parallel_loop3A_329 {strides = array<i32>} : memref<40x4x2x128xf32, #tpu.memory_space<vmem>>, vector<16xf32>,
      } {sc.loop_unroll_factor = 4 : i64, sc.parallel_access}
      %parallel_loop3A_281 = arith.constant 0 : i32
      %parallel_loop3A_282 = arith.constant 64 : i32
      %parallel_loop3A_283 = arith.constant 1 : i32
      scf.for %parallel_loop3A_307 = %parallel_loop3A_281 to %parallel_loop3A_282 step %parallel_loop3A_283  : i32 {
        %parallel_loop3A_308 = arith.constant 3 : i32
        %parallel_loop3A_309 = arith.shrsi %parallel_loop3A_307, %parallel_loop3A_308 : i32
        %parallel_loop3A_310 = arith.constant 7 : i32
        %parallel_loop3A_311 = arith.andi %parallel_loop3A_307, %parallel_loop3A_310 : i32
        %parallel_loop3A_312 = arith.constant 16 : i32
        %parallel_loop3A_313 = arith.muli %parallel_loop3A_311, %parallel_loop3A_312 : i32
        %parallel_loop3A_314 = arith.constant 3 : i32
        %parallel_loop3A_315 = arith.constant 0 : i32
        %parallel_loop3A_316 = arith.index_cast %parallel_loop3A_314 : i32 to index
        %parallel_loop3A_317 = arith.index_cast %parallel_loop3A_315 : i32 to index
        %parallel_loop3A_318 = arith.index_cast %parallel_loop3A_309 : i32 to index
        %parallel_loop3A_319 = arith.index_cast %parallel_loop3A_313 : i32 to index
        %parallel_loop3A_320 = tpu.vector_load %arg7[%parallel_loop3A_316, %parallel_loop3A_317, %parallel_loop3A_318, %parallel_loop3A_319] {strides = array<i32>} : memref<5x4x8x128xi32, #tpu.memory_space<vmem>>, vector<16xi32>,
        %parallel_loop3A_321 = arith.constant 0 : i32
        %parallel_loop3A_322 = vector.broadcast %parallel_loop3A_321 : i32 to vector<16xi32>
        %parallel_loop3A_323 = arith.cmpi eq, %parallel_loop3A_320, %parallel_loop3A_322 : vector<16xi32>
        %parallel_loop3A_324 = vector.broadcast %add3A_234 : f32 to vector<16xf32>
        %parallel_loop3A_325 = vector.broadcast %add3A_236 : f32 to vector<16xf32>
        %parallel_loop3A_326 = arith.select %parallel_loop3A_323, %parallel_loop3A_324, %parallel_loop3A_325 : vector<16xi1>, vector<16xf32>
        %parallel_loop3A_327 = vector.broadcast %add3A_235 : f32 to vector<16xf32>
        %parallel_loop3A_328 = vector.broadcast %add3A_237 : f32 to vector<16xf32>
        %parallel_loop3A_329 = arith.select %parallel_loop3A_323, %parallel_loop3A_327, %parallel_loop3A_328 : vector<16xi1>, vector<16xf32>
        %parallel_loop3A_330 = arith.constant 24 : i32
        %parallel_loop3A_331 = arith.addi %parallel_loop3A_330, %parallel_loop3A_309 : i32
        %parallel_loop3A_332 = arith.constant 0 : i32
        %parallel_loop3A_333 = arith.constant 0 : i32
        %parallel_loop3A_334 = arith.index_cast %parallel_loop3A_331 : i32 to index
        %parallel_loop3A_335 = arith.index_cast %parallel_loop3A_332 : i32 to index
        %parallel_loop3A_336 = arith.index_cast %parallel_loop3A_333 : i32 to index
        %parallel_loop3A_337 = arith.index_cast %parallel_loop3A_313 : i32 to index
        %parallel_loop3A_338 = tpu.vector_load %arg8[%parallel_loop3A_334, %parallel_loop3A_335, %parallel_loop3A_336, %parallel_loop3A_337] {strides = array<i32>} : memref<40x4x2x128xf32, #tpu.memory_space<vmem>>, vector<16xf32>,
        tpu.vector_store %arg8[%parallel_loop3A_334, %parallel_loop3A_335, %parallel_loop3A_336, %parallel_loop3A_337], %parallel_loop3A_326 {strides = array<i32>} : memref<40x4x2x128xf32, #tpu.memory_space<vmem>>, vector<16xf32>,
        %parallel_loop3A_339 = arith.constant 0 : i32
        %parallel_loop3A_340 = arith.constant 1 : i32
        %parallel_loop3A_341 = arith.index_cast %parallel_loop3A_331 : i32 to index
        %parallel_loop3A_342 = arith.index_cast %parallel_loop3A_339 : i32 to index
        %parallel_loop3A_343 = arith.index_cast %parallel_loop3A_340 : i32 to index
        %parallel_loop3A_344 = arith.index_cast %parallel_loop3A_313 : i32 to index
        %parallel_loop3A_345 = tpu.vector_load %arg8[%parallel_loop3A_341, %parallel_loop3A_342, %parallel_loop3A_343, %parallel_loop3A_344] {strides = array<i32>} : memref<40x4x2x128xf32, #tpu.memory_space<vmem>>, vector<16xf32>,
        tpu.vector_store %arg8[%parallel_loop3A_341, %parallel_loop3A_342, %parallel_loop3A_343, %parallel_loop3A_344], %parallel_loop3A_329 {strides = array<i32>} : memref<40x4x2x128xf32, #tpu.memory_space<vmem>>, vector<16xf32>,
      } {sc.loop_unroll_factor = 4 : i64, sc.parallel_access}
      %parallel_loop3A_284 = arith.constant 0 : i32
      %parallel_loop3A_285 = arith.constant 64 : i32
      %parallel_loop3A_286 = arith.constant 1 : i32
      scf.for %parallel_loop3A_307 = %parallel_loop3A_284 to %parallel_loop3A_285 step %parallel_loop3A_286  : i32 {
        %parallel_loop3A_308 = arith.constant 3 : i32
        %parallel_loop3A_309 = arith.shrsi %parallel_loop3A_307, %parallel_loop3A_308 : i32
        %parallel_loop3A_310 = arith.constant 7 : i32
        %parallel_loop3A_311 = arith.andi %parallel_loop3A_307, %parallel_loop3A_310 : i32
        %parallel_loop3A_312 = arith.constant 16 : i32
        %parallel_loop3A_313 = arith.muli %parallel_loop3A_311, %parallel_loop3A_312 : i32
        %parallel_loop3A_314 = arith.constant 3 : i32
        %parallel_loop3A_315 = arith.constant 1 : i32
        %parallel_loop3A_316 = arith.index_cast %parallel_loop3A_314 : i32 to index
        %parallel_loop3A_317 = arith.index_cast %parallel_loop3A_315 : i32 to index
        %parallel_loop3A_318 = arith.index_cast %parallel_loop3A_309 : i32 to index
        %parallel_loop3A_319 = arith.index_cast %parallel_loop3A_313 : i32 to index
        %parallel_loop3A_320 = tpu.vector_load %arg7[%parallel_loop3A_316, %parallel_loop3A_317, %parallel_loop3A_318, %parallel_loop3A_319] {strides = array<i32>} : memref<5x4x8x128xi32, #tpu.memory_space<vmem>>, vector<16xi32>,
        %parallel_loop3A_321 = arith.constant 0 : i32
        %parallel_loop3A_322 = vector.broadcast %parallel_loop3A_321 : i32 to vector<16xi32>
        %parallel_loop3A_323 = arith.cmpi eq, %parallel_loop3A_320, %parallel_loop3A_322 : vector<16xi32>
        %parallel_loop3A_324 = vector.broadcast %add3A_234 : f32 to vector<16xf32>
        %parallel_loop3A_325 = vector.broadcast %add3A_236 : f32 to vector<16xf32>
        %parallel_loop3A_326 = arith.select %parallel_loop3A_323, %parallel_loop3A_324, %parallel_loop3A_325 : vector<16xi1>, vector<16xf32>
        %parallel_loop3A_327 = vector.broadcast %add3A_235 : f32 to vector<16xf32>
        %parallel_loop3A_328 = vector.broadcast %add3A_237 : f32 to vector<16xf32>
        %parallel_loop3A_329 = arith.select %parallel_loop3A_323, %parallel_loop3A_327, %parallel_loop3A_328 : vector<16xi1>, vector<16xf32>
        %parallel_loop3A_330 = arith.constant 24 : i32
        %parallel_loop3A_331 = arith.addi %parallel_loop3A_330, %parallel_loop3A_309 : i32
        %parallel_loop3A_332 = arith.constant 1 : i32
        %parallel_loop3A_333 = arith.constant 0 : i32
        %parallel_loop3A_334 = arith.index_cast %parallel_loop3A_331 : i32 to index
        %parallel_loop3A_335 = arith.index_cast %parallel_loop3A_332 : i32 to index
        %parallel_loop3A_336 = arith.index_cast %parallel_loop3A_333 : i32 to index
        %parallel_loop3A_337 = arith.index_cast %parallel_loop3A_313 : i32 to index
        %parallel_loop3A_338 = tpu.vector_load %arg8[%parallel_loop3A_334, %parallel_loop3A_335, %parallel_loop3A_336, %parallel_loop3A_337] {strides = array<i32>} : memref<40x4x2x128xf32, #tpu.memory_space<vmem>>, vector<16xf32>,
        tpu.vector_store %arg8[%parallel_loop3A_334, %parallel_loop3A_335, %parallel_loop3A_336, %parallel_loop3A_337], %parallel_loop3A_326 {strides = array<i32>} : memref<40x4x2x128xf32, #tpu.memory_space<vmem>>, vector<16xf32>,
        %parallel_loop3A_339 = arith.constant 1 : i32
        %parallel_loop3A_340 = arith.constant 1 : i32
        %parallel_loop3A_341 = arith.index_cast %parallel_loop3A_331 : i32 to index
        %parallel_loop3A_342 = arith.index_cast %parallel_loop3A_339 : i32 to index
        %parallel_loop3A_343 = arith.index_cast %parallel_loop3A_340 : i32 to index
        %parallel_loop3A_344 = arith.index_cast %parallel_loop3A_313 : i32 to index
        %parallel_loop3A_345 = tpu.vector_load %arg8[%parallel_loop3A_341, %parallel_loop3A_342, %parallel_loop3A_343, %parallel_loop3A_344] {strides = array<i32>} : memref<40x4x2x128xf32, #tpu.memory_space<vmem>>, vector<16xf32>,
        tpu.vector_store %arg8[%parallel_loop3A_341, %parallel_loop3A_342, %parallel_loop3A_343, %parallel_loop3A_344], %parallel_loop3A_329 {strides = array<i32>} : memref<40x4x2x128xf32, #tpu.memory_space<vmem>>, vector<16xf32>,
      } {sc.loop_unroll_factor = 4 : i64, sc.parallel_access}
      %parallel_loop3A_287 = arith.constant 0 : i32
      %parallel_loop3A_288 = arith.constant 64 : i32
      %parallel_loop3A_289 = arith.constant 1 : i32
      scf.for %parallel_loop3A_307 = %parallel_loop3A_287 to %parallel_loop3A_288 step %parallel_loop3A_289  : i32 {
        %parallel_loop3A_308 = arith.constant 3 : i32
        %parallel_loop3A_309 = arith.shrsi %parallel_loop3A_307, %parallel_loop3A_308 : i32
        %parallel_loop3A_310 = arith.constant 7 : i32
        %parallel_loop3A_311 = arith.andi %parallel_loop3A_307, %parallel_loop3A_310 : i32
        %parallel_loop3A_312 = arith.constant 16 : i32
        %parallel_loop3A_313 = arith.muli %parallel_loop3A_311, %parallel_loop3A_312 : i32
        %parallel_loop3A_314 = arith.constant 3 : i32
        %parallel_loop3A_315 = arith.constant 2 : i32
        %parallel_loop3A_316 = arith.index_cast %parallel_loop3A_314 : i32 to index
        %parallel_loop3A_317 = arith.index_cast %parallel_loop3A_315 : i32 to index
        %parallel_loop3A_318 = arith.index_cast %parallel_loop3A_309 : i32 to index
        %parallel_loop3A_319 = arith.index_cast %parallel_loop3A_313 : i32 to index
        %parallel_loop3A_320 = tpu.vector_load %arg7[%parallel_loop3A_316, %parallel_loop3A_317, %parallel_loop3A_318, %parallel_loop3A_319] {strides = array<i32>} : memref<5x4x8x128xi32, #tpu.memory_space<vmem>>, vector<16xi32>,
        %parallel_loop3A_321 = arith.constant 0 : i32
        %parallel_loop3A_322 = vector.broadcast %parallel_loop3A_321 : i32 to vector<16xi32>
        %parallel_loop3A_323 = arith.cmpi eq, %parallel_loop3A_320, %parallel_loop3A_322 : vector<16xi32>
        %parallel_loop3A_324 = vector.broadcast %add3A_234 : f32 to vector<16xf32>
        %parallel_loop3A_325 = vector.broadcast %add3A_236 : f32 to vector<16xf32>
        %parallel_loop3A_326 = arith.select %parallel_loop3A_323, %parallel_loop3A_324, %parallel_loop3A_325 : vector<16xi1>, vector<16xf32>
        %parallel_loop3A_327 = vector.broadcast %add3A_235 : f32 to vector<16xf32>
        %parallel_loop3A_328 = vector.broadcast %add3A_237 : f32 to vector<16xf32>
        %parallel_loop3A_329 = arith.select %parallel_loop3A_323, %parallel_loop3A_327, %parallel_loop3A_328 : vector<16xi1>, vector<16xf32>
        %parallel_loop3A_330 = arith.constant 24 : i32
        %parallel_loop3A_331 = arith.addi %parallel_loop3A_330, %parallel_loop3A_309 : i32
        %parallel_loop3A_332 = arith.constant 2 : i32
        %parallel_loop3A_333 = arith.constant 0 : i32
        %parallel_loop3A_334 = arith.index_cast %parallel_loop3A_331 : i32 to index
        %parallel_loop3A_335 = arith.index_cast %parallel_loop3A_332 : i32 to index
        %parallel_loop3A_336 = arith.index_cast %parallel_loop3A_333 : i32 to index
        %parallel_loop3A_337 = arith.index_cast %parallel_loop3A_313 : i32 to index
        %parallel_loop3A_338 = tpu.vector_load %arg8[%parallel_loop3A_334, %parallel_loop3A_335, %parallel_loop3A_336, %parallel_loop3A_337] {strides = array<i32>} : memref<40x4x2x128xf32, #tpu.memory_space<vmem>>, vector<16xf32>,
        tpu.vector_store %arg8[%parallel_loop3A_334, %parallel_loop3A_335, %parallel_loop3A_336, %parallel_loop3A_337], %parallel_loop3A_326 {strides = array<i32>} : memref<40x4x2x128xf32, #tpu.memory_space<vmem>>, vector<16xf32>,
        %parallel_loop3A_339 = arith.constant 2 : i32
        %parallel_loop3A_340 = arith.constant 1 : i32
        %parallel_loop3A_341 = arith.index_cast %parallel_loop3A_331 : i32 to index
        %parallel_loop3A_342 = arith.index_cast %parallel_loop3A_339 : i32 to index
        %parallel_loop3A_343 = arith.index_cast %parallel_loop3A_340 : i32 to index
        %parallel_loop3A_344 = arith.index_cast %parallel_loop3A_313 : i32 to index
        %parallel_loop3A_345 = tpu.vector_load %arg8[%parallel_loop3A_341, %parallel_loop3A_342, %parallel_loop3A_343, %parallel_loop3A_344] {strides = array<i32>} : memref<40x4x2x128xf32, #tpu.memory_space<vmem>>, vector<16xf32>,
        tpu.vector_store %arg8[%parallel_loop3A_341, %parallel_loop3A_342, %parallel_loop3A_343, %parallel_loop3A_344], %parallel_loop3A_329 {strides = array<i32>} : memref<40x4x2x128xf32, #tpu.memory_space<vmem>>, vector<16xf32>,
      } {sc.loop_unroll_factor = 4 : i64, sc.parallel_access}
      %parallel_loop3A_290 = arith.constant 0 : i32
      %parallel_loop3A_291 = arith.constant 64 : i32
      %parallel_loop3A_292 = arith.constant 1 : i32
      scf.for %parallel_loop3A_307 = %parallel_loop3A_290 to %parallel_loop3A_291 step %parallel_loop3A_292  : i32 {
        %parallel_loop3A_308 = arith.constant 3 : i32
        %parallel_loop3A_309 = arith.shrsi %parallel_loop3A_307, %parallel_loop3A_308 : i32
        %parallel_loop3A_310 = arith.constant 7 : i32
        %parallel_loop3A_311 = arith.andi %parallel_loop3A_307, %parallel_loop3A_310 : i32
        %parallel_loop3A_312 = arith.constant 16 : i32
        %parallel_loop3A_313 = arith.muli %parallel_loop3A_311, %parallel_loop3A_312 : i32
        %parallel_loop3A_314 = arith.constant 3 : i32
        %parallel_loop3A_315 = arith.constant 3 : i32
        %parallel_loop3A_316 = arith.index_cast %parallel_loop3A_314 : i32 to index
        %parallel_loop3A_317 = arith.index_cast %parallel_loop3A_315 : i32 to index
        %parallel_loop3A_318 = arith.index_cast %parallel_loop3A_309 : i32 to index
        %parallel_loop3A_319 = arith.index_cast %parallel_loop3A_313 : i32 to index
        %parallel_loop3A_320 = tpu.vector_load %arg7[%parallel_loop3A_316, %parallel_loop3A_317, %parallel_loop3A_318, %parallel_loop3A_319] {strides = array<i32>} : memref<5x4x8x128xi32, #tpu.memory_space<vmem>>, vector<16xi32>,
        %parallel_loop3A_321 = arith.constant 0 : i32
        %parallel_loop3A_322 = vector.broadcast %parallel_loop3A_321 : i32 to vector<16xi32>
        %parallel_loop3A_323 = arith.cmpi eq, %parallel_loop3A_320, %parallel_loop3A_322 : vector<16xi32>
        %parallel_loop3A_324 = vector.broadcast %add3A_234 : f32 to vector<16xf32>
        %parallel_loop3A_325 = vector.broadcast %add3A_236 : f32 to vector<16xf32>
        %parallel_loop3A_326 = arith.select %parallel_loop3A_323, %parallel_loop3A_324, %parallel_loop3A_325 : vector<16xi1>, vector<16xf32>
        %parallel_loop3A_327 = vector.broadcast %add3A_235 : f32 to vector<16xf32>
        %parallel_loop3A_328 = vector.broadcast %add3A_237 : f32 to vector<16xf32>
        %parallel_loop3A_329 = arith.select %parallel_loop3A_323, %parallel_loop3A_327, %parallel_loop3A_328 : vector<16xi1>, vector<16xf32>
        %parallel_loop3A_330 = arith.constant 24 : i32
        %parallel_loop3A_331 = arith.addi %parallel_loop3A_330, %parallel_loop3A_309 : i32
        %parallel_loop3A_332 = arith.constant 3 : i32
        %parallel_loop3A_333 = arith.constant 0 : i32
        %parallel_loop3A_334 = arith.index_cast %parallel_loop3A_331 : i32 to index
        %parallel_loop3A_335 = arith.index_cast %parallel_loop3A_332 : i32 to index
        %parallel_loop3A_336 = arith.index_cast %parallel_loop3A_333 : i32 to index
        %parallel_loop3A_337 = arith.index_cast %parallel_loop3A_313 : i32 to index
        %parallel_loop3A_338 = tpu.vector_load %arg8[%parallel_loop3A_334, %parallel_loop3A_335, %parallel_loop3A_336, %parallel_loop3A_337] {strides = array<i32>} : memref<40x4x2x128xf32, #tpu.memory_space<vmem>>, vector<16xf32>,
        tpu.vector_store %arg8[%parallel_loop3A_334, %parallel_loop3A_335, %parallel_loop3A_336, %parallel_loop3A_337], %parallel_loop3A_326 {strides = array<i32>} : memref<40x4x2x128xf32, #tpu.memory_space<vmem>>, vector<16xf32>,
        %parallel_loop3A_339 = arith.constant 3 : i32
        %parallel_loop3A_340 = arith.constant 1 : i32
        %parallel_loop3A_341 = arith.index_cast %parallel_loop3A_331 : i32 to index
        %parallel_loop3A_342 = arith.index_cast %parallel_loop3A_339 : i32 to index
        %parallel_loop3A_343 = arith.index_cast %parallel_loop3A_340 : i32 to index
        %parallel_loop3A_344 = arith.index_cast %parallel_loop3A_313 : i32 to index
        %parallel_loop3A_345 = tpu.vector_load %arg8[%parallel_loop3A_341, %parallel_loop3A_342, %parallel_loop3A_343, %parallel_loop3A_344] {strides = array<i32>} : memref<40x4x2x128xf32, #tpu.memory_space<vmem>>, vector<16xf32>,
        tpu.vector_store %arg8[%parallel_loop3A_341, %parallel_loop3A_342, %parallel_loop3A_343, %parallel_loop3A_344], %parallel_loop3A_329 {strides = array<i32>} : memref<40x4x2x128xf32, #tpu.memory_space<vmem>>, vector<16xf32>,
      } {sc.loop_unroll_factor = 4 : i64, sc.parallel_access}
      %parallel_loop3A_293 = arith.constant 0 : i32
      %parallel_loop3A_294 = arith.constant 64 : i32
      %parallel_loop3A_295 = arith.constant 1 : i32
      scf.for %parallel_loop3A_307 = %parallel_loop3A_293 to %parallel_loop3A_294 step %parallel_loop3A_295  : i32 {
        %parallel_loop3A_308 = arith.constant 3 : i32
        %parallel_loop3A_309 = arith.shrsi %parallel_loop3A_307, %parallel_loop3A_308 : i32
        %parallel_loop3A_310 = arith.constant 7 : i32
        %parallel_loop3A_311 = arith.andi %parallel_loop3A_307, %parallel_loop3A_310 : i32
        %parallel_loop3A_312 = arith.constant 16 : i32
        %parallel_loop3A_313 = arith.muli %parallel_loop3A_311, %parallel_loop3A_312 : i32
        %parallel_loop3A_314 = arith.constant 4 : i32
        %parallel_loop3A_315 = arith.constant 0 : i32
        %parallel_loop3A_316 = arith.index_cast %parallel_loop3A_314 : i32 to index
        %parallel_loop3A_317 = arith.index_cast %parallel_loop3A_315 : i32 to index
        %parallel_loop3A_318 = arith.index_cast %parallel_loop3A_309 : i32 to index
        %parallel_loop3A_319 = arith.index_cast %parallel_loop3A_313 : i32 to index
        %parallel_loop3A_320 = tpu.vector_load %arg7[%parallel_loop3A_316, %parallel_loop3A_317, %parallel_loop3A_318, %parallel_loop3A_319] {strides = array<i32>} : memref<5x4x8x128xi32, #tpu.memory_space<vmem>>, vector<16xi32>,
        %parallel_loop3A_321 = arith.constant 0 : i32
        %parallel_loop3A_322 = vector.broadcast %parallel_loop3A_321 : i32 to vector<16xi32>
        %parallel_loop3A_323 = arith.cmpi eq, %parallel_loop3A_320, %parallel_loop3A_322 : vector<16xi32>
        %parallel_loop3A_324 = vector.broadcast %add3A_234 : f32 to vector<16xf32>
        %parallel_loop3A_325 = vector.broadcast %add3A_236 : f32 to vector<16xf32>
        %parallel_loop3A_326 = arith.select %parallel_loop3A_323, %parallel_loop3A_324, %parallel_loop3A_325 : vector<16xi1>, vector<16xf32>
        %parallel_loop3A_327 = vector.broadcast %add3A_235 : f32 to vector<16xf32>
        %parallel_loop3A_328 = vector.broadcast %add3A_237 : f32 to vector<16xf32>
        %parallel_loop3A_329 = arith.select %parallel_loop3A_323, %parallel_loop3A_327, %parallel_loop3A_328 : vector<16xi1>, vector<16xf32>
        %parallel_loop3A_330 = arith.constant 32 : i32
        %parallel_loop3A_331 = arith.addi %parallel_loop3A_330, %parallel_loop3A_309 : i32
        %parallel_loop3A_332 = arith.constant 0 : i32
        %parallel_loop3A_333 = arith.constant 0 : i32
        %parallel_loop3A_334 = arith.index_cast %parallel_loop3A_331 : i32 to index
        %parallel_loop3A_335 = arith.index_cast %parallel_loop3A_332 : i32 to index
        %parallel_loop3A_336 = arith.index_cast %parallel_loop3A_333 : i32 to index
        %parallel_loop3A_337 = arith.index_cast %parallel_loop3A_313 : i32 to index
        %parallel_loop3A_338 = tpu.vector_load %arg8[%parallel_loop3A_334, %parallel_loop3A_335, %parallel_loop3A_336, %parallel_loop3A_337] {strides = array<i32>} : memref<40x4x2x128xf32, #tpu.memory_space<vmem>>, vector<16xf32>,
        tpu.vector_store %arg8[%parallel_loop3A_334, %parallel_loop3A_335, %parallel_loop3A_336, %parallel_loop3A_337], %parallel_loop3A_326 {strides = array<i32>} : memref<40x4x2x128xf32, #tpu.memory_space<vmem>>, vector<16xf32>,
        %parallel_loop3A_339 = arith.constant 0 : i32
        %parallel_loop3A_340 = arith.constant 1 : i32
        %parallel_loop3A_341 = arith.index_cast %parallel_loop3A_331 : i32 to index
        %parallel_loop3A_342 = arith.index_cast %parallel_loop3A_339 : i32 to index
        %parallel_loop3A_343 = arith.index_cast %parallel_loop3A_340 : i32 to index
        %parallel_loop3A_344 = arith.index_cast %parallel_loop3A_313 : i32 to index
        %parallel_loop3A_345 = tpu.vector_load %arg8[%parallel_loop3A_341, %parallel_loop3A_342, %parallel_loop3A_343, %parallel_loop3A_344] {strides = array<i32>} : memref<40x4x2x128xf32, #tpu.memory_space<vmem>>, vector<16xf32>,
        tpu.vector_store %arg8[%parallel_loop3A_341, %parallel_loop3A_342, %parallel_loop3A_343, %parallel_loop3A_344], %parallel_loop3A_329 {strides = array<i32>} : memref<40x4x2x128xf32, #tpu.memory_space<vmem>>, vector<16xf32>,
      } {sc.loop_unroll_factor = 4 : i64, sc.parallel_access}
      %parallel_loop3A_296 = arith.constant 0 : i32
      %parallel_loop3A_297 = arith.constant 64 : i32
      %parallel_loop3A_298 = arith.constant 1 : i32
      scf.for %parallel_loop3A_307 = %parallel_loop3A_296 to %parallel_loop3A_297 step %parallel_loop3A_298  : i32 {
        %parallel_loop3A_308 = arith.constant 3 : i32
        %parallel_loop3A_309 = arith.shrsi %parallel_loop3A_307, %parallel_loop3A_308 : i32
        %parallel_loop3A_310 = arith.constant 7 : i32
        %parallel_loop3A_311 = arith.andi %parallel_loop3A_307, %parallel_loop3A_310 : i32
        %parallel_loop3A_312 = arith.constant 16 : i32
        %parallel_loop3A_313 = arith.muli %parallel_loop3A_311, %parallel_loop3A_312 : i32
        %parallel_loop3A_314 = arith.constant 4 : i32
        %parallel_loop3A_315 = arith.constant 1 : i32
        %parallel_loop3A_316 = arith.index_cast %parallel_loop3A_314 : i32 to index
        %parallel_loop3A_317 = arith.index_cast %parallel_loop3A_315 : i32 to index
        %parallel_loop3A_318 = arith.index_cast %parallel_loop3A_309 : i32 to index
        %parallel_loop3A_319 = arith.index_cast %parallel_loop3A_313 : i32 to index
        %parallel_loop3A_320 = tpu.vector_load %arg7[%parallel_loop3A_316, %parallel_loop3A_317, %parallel_loop3A_318, %parallel_loop3A_319] {strides = array<i32>} : memref<5x4x8x128xi32, #tpu.memory_space<vmem>>, vector<16xi32>,
        %parallel_loop3A_321 = arith.constant 0 : i32
        %parallel_loop3A_322 = vector.broadcast %parallel_loop3A_321 : i32 to vector<16xi32>
        %parallel_loop3A_323 = arith.cmpi eq, %parallel_loop3A_320, %parallel_loop3A_322 : vector<16xi32>
        %parallel_loop3A_324 = vector.broadcast %add3A_234 : f32 to vector<16xf32>
        %parallel_loop3A_325 = vector.broadcast %add3A_236 : f32 to vector<16xf32>
        %parallel_loop3A_326 = arith.select %parallel_loop3A_323, %parallel_loop3A_324, %parallel_loop3A_325 : vector<16xi1>, vector<16xf32>
        %parallel_loop3A_327 = vector.broadcast %add3A_235 : f32 to vector<16xf32>
        %parallel_loop3A_328 = vector.broadcast %add3A_237 : f32 to vector<16xf32>
        %parallel_loop3A_329 = arith.select %parallel_loop3A_323, %parallel_loop3A_327, %parallel_loop3A_328 : vector<16xi1>, vector<16xf32>
        %parallel_loop3A_330 = arith.constant 32 : i32
        %parallel_loop3A_331 = arith.addi %parallel_loop3A_330, %parallel_loop3A_309 : i32
        %parallel_loop3A_332 = arith.constant 1 : i32
        %parallel_loop3A_333 = arith.constant 0 : i32
        %parallel_loop3A_334 = arith.index_cast %parallel_loop3A_331 : i32 to index
        %parallel_loop3A_335 = arith.index_cast %parallel_loop3A_332 : i32 to index
        %parallel_loop3A_336 = arith.index_cast %parallel_loop3A_333 : i32 to index
        %parallel_loop3A_337 = arith.index_cast %parallel_loop3A_313 : i32 to index
        %parallel_loop3A_338 = tpu.vector_load %arg8[%parallel_loop3A_334, %parallel_loop3A_335, %parallel_loop3A_336, %parallel_loop3A_337] {strides = array<i32>} : memref<40x4x2x128xf32, #tpu.memory_space<vmem>>, vector<16xf32>,
        tpu.vector_store %arg8[%parallel_loop3A_334, %parallel_loop3A_335, %parallel_loop3A_336, %parallel_loop3A_337], %parallel_loop3A_326 {strides = array<i32>} : memref<40x4x2x128xf32, #tpu.memory_space<vmem>>, vector<16xf32>,
        %parallel_loop3A_339 = arith.constant 1 : i32
        %parallel_loop3A_340 = arith.constant 1 : i32
        %parallel_loop3A_341 = arith.index_cast %parallel_loop3A_331 : i32 to index
        %parallel_loop3A_342 = arith.index_cast %parallel_loop3A_339 : i32 to index
        %parallel_loop3A_343 = arith.index_cast %parallel_loop3A_340 : i32 to index
        %parallel_loop3A_344 = arith.index_cast %parallel_loop3A_313 : i32 to index
        %parallel_loop3A_345 = tpu.vector_load %arg8[%parallel_loop3A_341, %parallel_loop3A_342, %parallel_loop3A_343, %parallel_loop3A_344] {strides = array<i32>} : memref<40x4x2x128xf32, #tpu.memory_space<vmem>>, vector<16xf32>,
        tpu.vector_store %arg8[%parallel_loop3A_341, %parallel_loop3A_342, %parallel_loop3A_343, %parallel_loop3A_344], %parallel_loop3A_329 {strides = array<i32>} : memref<40x4x2x128xf32, #tpu.memory_space<vmem>>, vector<16xf32>,
      } {sc.loop_unroll_factor = 4 : i64, sc.parallel_access}
      %parallel_loop3A_299 = arith.constant 0 : i32
      %parallel_loop3A_300 = arith.constant 64 : i32
      %parallel_loop3A_301 = arith.constant 1 : i32
      scf.for %parallel_loop3A_307 = %parallel_loop3A_299 to %parallel_loop3A_300 step %parallel_loop3A_301  : i32 {
        %parallel_loop3A_308 = arith.constant 3 : i32
        %parallel_loop3A_309 = arith.shrsi %parallel_loop3A_307, %parallel_loop3A_308 : i32
        %parallel_loop3A_310 = arith.constant 7 : i32
        %parallel_loop3A_311 = arith.andi %parallel_loop3A_307, %parallel_loop3A_310 : i32
        %parallel_loop3A_312 = arith.constant 16 : i32
        %parallel_loop3A_313 = arith.muli %parallel_loop3A_311, %parallel_loop3A_312 : i32
        %parallel_loop3A_314 = arith.constant 4 : i32
        %parallel_loop3A_315 = arith.constant 2 : i32
        %parallel_loop3A_316 = arith.index_cast %parallel_loop3A_314 : i32 to index
        %parallel_loop3A_317 = arith.index_cast %parallel_loop3A_315 : i32 to index
        %parallel_loop3A_318 = arith.index_cast %parallel_loop3A_309 : i32 to index
        %parallel_loop3A_319 = arith.index_cast %parallel_loop3A_313 : i32 to index
        %parallel_loop3A_320 = tpu.vector_load %arg7[%parallel_loop3A_316, %parallel_loop3A_317, %parallel_loop3A_318, %parallel_loop3A_319] {strides = array<i32>} : memref<5x4x8x128xi32, #tpu.memory_space<vmem>>, vector<16xi32>,
        %parallel_loop3A_321 = arith.constant 0 : i32
        %parallel_loop3A_322 = vector.broadcast %parallel_loop3A_321 : i32 to vector<16xi32>
        %parallel_loop3A_323 = arith.cmpi eq, %parallel_loop3A_320, %parallel_loop3A_322 : vector<16xi32>
        %parallel_loop3A_324 = vector.broadcast %add3A_234 : f32 to vector<16xf32>
        %parallel_loop3A_325 = vector.broadcast %add3A_236 : f32 to vector<16xf32>
        %parallel_loop3A_326 = arith.select %parallel_loop3A_323, %parallel_loop3A_324, %parallel_loop3A_325 : vector<16xi1>, vector<16xf32>
        %parallel_loop3A_327 = vector.broadcast %add3A_235 : f32 to vector<16xf32>
        %parallel_loop3A_328 = vector.broadcast %add3A_237 : f32 to vector<16xf32>
        %parallel_loop3A_329 = arith.select %parallel_loop3A_323, %parallel_loop3A_327, %parallel_loop3A_328 : vector<16xi1>, vector<16xf32>
        %parallel_loop3A_330 = arith.constant 32 : i32
        %parallel_loop3A_331 = arith.addi %parallel_loop3A_330, %parallel_loop3A_309 : i32
        %parallel_loop3A_332 = arith.constant 2 : i32
        %parallel_loop3A_333 = arith.constant 0 : i32
        %parallel_loop3A_334 = arith.index_cast %parallel_loop3A_331 : i32 to index
        %parallel_loop3A_335 = arith.index_cast %parallel_loop3A_332 : i32 to index
        %parallel_loop3A_336 = arith.index_cast %parallel_loop3A_333 : i32 to index
        %parallel_loop3A_337 = arith.index_cast %parallel_loop3A_313 : i32 to index
        %parallel_loop3A_338 = tpu.vector_load %arg8[%parallel_loop3A_334, %parallel_loop3A_335, %parallel_loop3A_336, %parallel_loop3A_337] {strides = array<i32>} : memref<40x4x2x128xf32, #tpu.memory_space<vmem>>, vector<16xf32>,
        tpu.vector_store %arg8[%parallel_loop3A_334, %parallel_loop3A_335, %parallel_loop3A_336, %parallel_loop3A_337], %parallel_loop3A_326 {strides = array<i32>} : memref<40x4x2x128xf32, #tpu.memory_space<vmem>>, vector<16xf32>,
        %parallel_loop3A_339 = arith.constant 2 : i32
        %parallel_loop3A_340 = arith.constant 1 : i32
        %parallel_loop3A_341 = arith.index_cast %parallel_loop3A_331 : i32 to index
        %parallel_loop3A_342 = arith.index_cast %parallel_loop3A_339 : i32 to index
        %parallel_loop3A_343 = arith.index_cast %parallel_loop3A_340 : i32 to index
        %parallel_loop3A_344 = arith.index_cast %parallel_loop3A_313 : i32 to index
        %parallel_loop3A_345 = tpu.vector_load %arg8[%parallel_loop3A_341, %parallel_loop3A_342, %parallel_loop3A_343, %parallel_loop3A_344] {strides = array<i32>} : memref<40x4x2x128xf32, #tpu.memory_space<vmem>>, vector<16xf32>,
        tpu.vector_store %arg8[%parallel_loop3A_341, %parallel_loop3A_342, %parallel_loop3A_343, %parallel_loop3A_344], %parallel_loop3A_329 {strides = array<i32>} : memref<40x4x2x128xf32, #tpu.memory_space<vmem>>, vector<16xf32>,
      } {sc.loop_unroll_factor = 4 : i64, sc.parallel_access}
      %parallel_loop3A_302 = arith.constant 0 : i32
      %parallel_loop3A_303 = arith.constant 64 : i32
      %parallel_loop3A_304 = arith.constant 1 : i32
      scf.for %parallel_loop3A_307 = %parallel_loop3A_302 to %parallel_loop3A_303 step %parallel_loop3A_304  : i32 {
        %parallel_loop3A_308 = arith.constant 3 : i32
        %parallel_loop3A_309 = arith.shrsi %parallel_loop3A_307, %parallel_loop3A_308 : i32
        %parallel_loop3A_310 = arith.constant 7 : i32
        %parallel_loop3A_311 = arith.andi %parallel_loop3A_307, %parallel_loop3A_310 : i32
        %parallel_loop3A_312 = arith.constant 16 : i32
        %parallel_loop3A_313 = arith.muli %parallel_loop3A_311, %parallel_loop3A_312 : i32
        %parallel_loop3A_314 = arith.constant 4 : i32
        %parallel_loop3A_315 = arith.constant 3 : i32
        %parallel_loop3A_316 = arith.index_cast %parallel_loop3A_314 : i32 to index
        %parallel_loop3A_317 = arith.index_cast %parallel_loop3A_315 : i32 to index
        %parallel_loop3A_318 = arith.index_cast %parallel_loop3A_309 : i32 to index
        %parallel_loop3A_319 = arith.index_cast %parallel_loop3A_313 : i32 to index
        %parallel_loop3A_320 = tpu.vector_load %arg7[%parallel_loop3A_316, %parallel_loop3A_317, %parallel_loop3A_318, %parallel_loop3A_319] {strides = array<i32>} : memref<5x4x8x128xi32, #tpu.memory_space<vmem>>, vector<16xi32>,
        %parallel_loop3A_321 = arith.constant 0 : i32
        %parallel_loop3A_322 = vector.broadcast %parallel_loop3A_321 : i32 to vector<16xi32>
        %parallel_loop3A_323 = arith.cmpi eq, %parallel_loop3A_320, %parallel_loop3A_322 : vector<16xi32>
        %parallel_loop3A_324 = vector.broadcast %add3A_234 : f32 to vector<16xf32>
        %parallel_loop3A_325 = vector.broadcast %add3A_236 : f32 to vector<16xf32>
        %parallel_loop3A_326 = arith.select %parallel_loop3A_323, %parallel_loop3A_324, %parallel_loop3A_325 : vector<16xi1>, vector<16xf32>
        %parallel_loop3A_327 = vector.broadcast %add3A_235 : f32 to vector<16xf32>
        %parallel_loop3A_328 = vector.broadcast %add3A_237 : f32 to vector<16xf32>
        %parallel_loop3A_329 = arith.select %parallel_loop3A_323, %parallel_loop3A_327, %parallel_loop3A_328 : vector<16xi1>, vector<16xf32>
        %parallel_loop3A_330 = arith.constant 32 : i32
        %parallel_loop3A_331 = arith.addi %parallel_loop3A_330, %parallel_loop3A_309 : i32
        %parallel_loop3A_332 = arith.constant 3 : i32
        %parallel_loop3A_333 = arith.constant 0 : i32
        %parallel_loop3A_334 = arith.index_cast %parallel_loop3A_331 : i32 to index
        %parallel_loop3A_335 = arith.index_cast %parallel_loop3A_332 : i32 to index
        %parallel_loop3A_336 = arith.index_cast %parallel_loop3A_333 : i32 to index
        %parallel_loop3A_337 = arith.index_cast %parallel_loop3A_313 : i32 to index
        %parallel_loop3A_338 = tpu.vector_load %arg8[%parallel_loop3A_334, %parallel_loop3A_335, %parallel_loop3A_336, %parallel_loop3A_337] {strides = array<i32>} : memref<40x4x2x128xf32, #tpu.memory_space<vmem>>, vector<16xf32>,
        tpu.vector_store %arg8[%parallel_loop3A_334, %parallel_loop3A_335, %parallel_loop3A_336, %parallel_loop3A_337], %parallel_loop3A_326 {strides = array<i32>} : memref<40x4x2x128xf32, #tpu.memory_space<vmem>>, vector<16xf32>,
        %parallel_loop3A_339 = arith.constant 3 : i32
        %parallel_loop3A_340 = arith.constant 1 : i32
        %parallel_loop3A_341 = arith.index_cast %parallel_loop3A_331 : i32 to index
        %parallel_loop3A_342 = arith.index_cast %parallel_loop3A_339 : i32 to index
        %parallel_loop3A_343 = arith.index_cast %parallel_loop3A_340 : i32 to index
        %parallel_loop3A_344 = arith.index_cast %parallel_loop3A_313 : i32 to index
        %parallel_loop3A_345 = tpu.vector_load %arg8[%parallel_loop3A_341, %parallel_loop3A_342, %parallel_loop3A_343, %parallel_loop3A_344] {strides = array<i32>} : memref<40x4x2x128xf32, #tpu.memory_space<vmem>>, vector<16xf32>,
        tpu.vector_store %arg8[%parallel_loop3A_341, %parallel_loop3A_342, %parallel_loop3A_343, %parallel_loop3A_344], %parallel_loop3A_329 {strides = array<i32>} : memref<40x4x2x128xf32, #tpu.memory_space<vmem>>, vector<16xf32>,
      } {sc.loop_unroll_factor = 4 : i64, sc.parallel_access}
      %mul3A_305 = arith.constant 8 : i32
      %mul3A_306 = arith.muli %mul3A_245, %mul3A_305 : i32
      "tpu.region"() ({
        %run_scoped3A = tpu.sem_alloc : memref<!tpu.dma_semaphore, #tpu.memory_space<semaphore_mem>>
        %dma_start3A = arith.constant 0 : i32
        %dma_start3A_307 = arith.constant 0 : i32
        %dma_start3A_308 = tpu.memref_slice %arg6[%mul3A_306, %mul3A_2, %dma_start3A, %dma_start3A_307] : memref<200x128x2x128xf32, #tpu.memory_space<hbm>> -> memref<40x4x2x128xf32, #tpu.memory_space<hbm>>
        %dma_start3A_309 = arith.constant 0 : i32
        %dma_start3A_310 = arith.constant 0 : i32
        %dma_start3A_311 = tpu.memref_slice %arg6[%mul3A_306, %mul3A_2, %dma_start3A_309, %dma_start3A_310] : memref<200x128x2x128xf32, #tpu.memory_space<hbm>> -> memref<40x4x2x128xf32, #tpu.memory_space<hbm>>
        tpu.enqueue_dma source(%arg8 : memref<40x4x2x128xf32, #tpu.memory_space<vmem>>) target(%dma_start3A_311 : memref<40x4x2x128xf32, #tpu.memory_space<hbm>>) target_semaphore(%run_scoped3A : memref<!tpu.dma_semaphore, #tpu.memory_space<semaphore_mem>>)
        %dma_wait3A = arith.constant 0 : i32
        %dma_wait3A_312 = arith.constant 0 : i32
        %dma_wait3A_313 = tpu.memref_slice %arg6[%mul3A_306, %mul3A_2, %dma_wait3A, %dma_wait3A_312] : memref<200x128x2x128xf32, #tpu.memory_space<hbm>> -> memref<40x4x2x128xf32, #tpu.memory_space<hbm>>
        %dma_wait3A_314 = arith.constant 0 : i32
        %dma_wait3A_315 = arith.constant 0 : i32
        %dma_wait3A_316 = tpu.memref_slice %arg6[%mul3A_306, %mul3A_2, %dma_wait3A_314, %dma_wait3A_315] : memref<200x128x2x128xf32, #tpu.memory_space<hbm>> -> memref<40x4x2x128xf32, #tpu.memory_space<hbm>>
        tpu.wait_dma2 semaphore(%run_scoped3A : memref<!tpu.dma_semaphore, #tpu.memory_space<semaphore_mem>>) src(%arg8 : memref<40x4x2x128xf32, #tpu.memory_space<vmem>>) dst(%dma_wait3A_316 : memref<40x4x2x128xf32, #tpu.memory_space<hbm>>)
        tpu.yield
      }) : () -> ()
    }
    %scan3A_242 = arith.constant 5 : i32
    return
  }
}

</mosaic_0001>

<sc_bundles>
// kernel: kernel.3.cloned.1.call-start
scs
__scs_entry_jumppad:
0x0: {  	(pc) =	sbr.rel $0x88, $3  }
0x1: {  	(tag) =	ssettag $0x0;
	lr =	simm.s32 $0x1  }
0x2: {  	[smem:$0x3F9D] =	sst lr;
	_ =	strace $0xD0000000  }
0x3: {  	_ = 	snop  }
0x4: {  	_ = 	snop  }
0x5: {  	_ = 	snop  }
0x6: {  	_ = 	snop  }
0x7: {  	_ = 	snop  }
__scs_overlays_trampoline_lowered:
0x8: {  	[smem:$0x3FAC] =	sst s0  }
0x9: {  	[smem:$0x3FAD] =	sst s1  }
0xa: {  	[smem:$0x3FAE] =	sst s2  }
0xb: {  	[smem:$0x3FAF] =	sst s3  }
0xc: {  	[smem:$0x3FB0] =	sst s4  }
0xd: {  	[smem:$0x3FB1] =	sst s5  }
0xe: {  	[smem:$0x3FB2] =	sst s6  }
0xf: {  	[smem:$0x3FB3] =	sst s7  }
0x10: {  	[smem:$0x3FB4] =	sst s8  }
0x11: {  	[smem:$0x3FB5] =	sst s9;
	s0 =	simm.s32 @!p0 $0x0  }
0x12: {  	s1 =	sld [smem:$0x3F9B];
	s0 =	simm.s32 @p0 $0x1  }
0x13: {  	[smem:$0x3FB6] =	sst s0;
	s0 =	simm.s32 @!p1 $0x0  }
0x14: {  	s2 =	sld [smem:$0x3F9A];
	s0 =	simm.s32 @p1 $0x1  }
0x15: {  	[smem:$0x3FB7] =	sst s0;
	s0 =	simm.s32 @!p2 $0x0  }
0x16: {  	s3 =	sld [smem:$0x3FDB];
	s0 =	simm.s32 @p2 $0x1  }
0x17: {  	s4 =	simm.s32 $0x1BF5;
	[smem:$0x3FB9] =	sst s0  }
0x18: {  	s0 =	sld [smem:$0x3F9C];
	_ =	swait.ge [sflag:s4], $0x0  }
0x19: {  	s7 =	sld [smem:$0x3F9D]  }
0x1a: {  	s8 =	sadd.s32 $0xFFFFE003, lr  }
0x1b: {  	s9 =	sadd.s32 $0xFFFFFEF7, lr;
	s5 =	simm.s32 $0xFFFFFFFF;
	p2 =	slt.u32 s8, $0xFFFFF086  }
0x1c: {  	p1 =	slt.u32 s9, $0xF7A;
	s5 =	simm.s32 @!p2 $0x0  }
0x1d: {  	s5 =	simm.s32 @p1 $0x1;
	p0 =	seq.s32 s7, s2  }
0x1e: {  	s7 =	smul.u32 @!p0 $0xF7A, s2;
	p2 =	seq.s32 @!p0 s5, $0x0  }
0x1f: {  	s9 =	smul.u32 $0xF7A, s1;
	s8 =	simm.s32 @!p0 $0x1BF5;
	p2 =	por !p2, p0  }
0x20: {  	[sflag:s8] =	ssyncset.s32 @!p0 $0xFFFFF086;
	s6 =	sadd.s32 @!p0 s3, s7;
	s7 =	simm.s32 @!p0 $0x108  }
0x21: {  	s3 =	sadd.s32 s3, s9;
	s6 =	sadd.s32 @!p0 $0x88, s6;
	s7 =	simm.s32 @p2 $0x1082  }
0x22: {  	[simem:s7], [sflag:s8] =	dma.local @!p0 [hbm:s6], $0xF7A  }
0x23: {  	s9 =	sor.u32 $0xD0000000, s2;
	s6 =	simm.s32 $0x108;
	_ =	swait.ge @!p0 [sflag:s8], $0x0  }
0x24: {  	s3 =	sadd.s32 $0x88, s3;
	s6 =	simm.s32 @!p1 $0x1082;
	[sflag:s4] =	ssyncset.s32 $0xFFFFF086  }
0x25: {  	[simem:s6], [sflag:s4] =	dma.local [hbm:s3], $0xF7A  }
0x26: {  	[smem:$0x3F9D] =	sst s1;
	(tag) =	ssettag s2;
	_ =	strace s9  }
0x27: {  	s1 =	sld [smem:$0x3FAD]  }
0x28: {  	s2 =	sld [smem:$0x3FAE]  }
0x29: {  	s4 =	sld [smem:$0x3FB0]  }
0x2a: {  	p0 =	seq.s32 s5, $0x0;
	s5 =	sld [smem:$0x3FB1]  }
0x2b: {  	s6 =	sld [smem:$0x3FB2]  }
0x2c: {  	s7 =	sld [smem:$0x3FB3]  }
0x2d: {  	s3 =	simm.s32 $0x108;
	s8 =	sld [smem:$0x3FB4]  }
0x2e: {  	s3 =	simm.s32 @!p0 $0x1082;
	s9 =	sld [smem:$0x3FB5]  }
0x2f: {  	lr =	sadd.s32 s0, s3;
	s0 =	sld [smem:$0x3FAC]  }
0x30: {  	s3 =	sld [smem:$0x3FAF]  }
0x31: {  	[smem:$0x3FB8] =	sst s10  }
0x32: {  	s10 =	sld [smem:$0x3FB6];
	_ =	sdelay $0x3  }
0x33: {  	p0 =	seq.s32 s10, $0x1;
	s10 =	sld [smem:$0x3FB8];
	_ =	sdelay $0x3  }
0x34: {  	[smem:$0x3FB8] =	sst s10  }
0x35: {  	s10 =	sld [smem:$0x3FB7];
	_ =	sdelay $0x3  }
0x36: {  	p1 =	seq.s32 s10, $0x1;
	s10 =	sld [smem:$0x3FB8];
	_ =	sdelay $0x3  }
0x37: {  	[smem:$0x3FB8] =	sst s10  }
0x38: {  	s10 =	sld [smem:$0x3FB9]  }
0x39: {  	_ = 	snop;
	(pc) =	sbr.ind lr, $3  }
0x3a: {  	_ = 	snop  }
0x3b: {  	_ = 	snop  }
0x3c: {  	p2 =	seq.s32 s10, $0x1;
	s10 =	sld [smem:$0x3FB8]  }
0x3d: {  	_ =	shalt  }
0x3e: {  	_ =	shalt  }
0x3f: {  	_ =	shalt  }
0x40: {  	_ =	shalt  }
0x41: {  	_ =	shalt  }
0x42: {  	_ =	shalt  }
0x43: {  	_ =	shalt  }
0x44: {  	_ =	shalt  }
0x45: {  	_ =	shalt  }
0x46: {  	_ =	shalt  }
0x47: {  	_ =	shalt  }
0x48: {  	_ =	shalt  }
0x49: {  	_ =	shalt  }
0x4a: {  	_ =	shalt  }
0x4b: {  	_ =	shalt  }
0x4c: {  	_ =	shalt  }
0x4d: {  	_ =	shalt  }
0x4e: {  	_ =	shalt  }
0x4f: {  	_ =	shalt  }
0x50: {  	_ =	shalt  }
0x51: {  	_ =	shalt  }
0x52: {  	_ =	shalt  }
0x53: {  	_ =	shalt  }
0x54: {  	_ =	shalt  }
0x55: {  	_ =	shalt  }
0x56: {  	_ =	shalt  }
0x57: {  	_ =	shalt  }
0x58: {  	_ =	shalt  }
0x59: {  	_ =	shalt  }
0x5a: {  	_ =	shalt  }
0x5b: {  	_ =	shalt  }
0x5c: {  	_ =	shalt  }
0x5d: {  	_ =	shalt  }
0x5e: {  	_ =	shalt  }
0x5f: {  	_ =	shalt  }
0x60: {  	_ =	shalt  }
0x61: {  	_ =	shalt  }
0x62: {  	_ =	shalt  }
0x63: {  	_ =	shalt  }
0x64: {  	_ =	shalt  }
0x65: {  	_ =	shalt  }
0x66: {  	_ =	shalt  }
0x67: {  	_ =	shalt  }
0x68: {  	_ =	shalt  }
0x69: {  	_ =	shalt  }
0x6a: {  	_ =	shalt  }
0x6b: {  	_ =	shalt  }
0x6c: {  	_ =	shalt  }
0x6d: {  	_ =	shalt  }
0x6e: {  	_ =	shalt  }
0x6f: {  	_ =	shalt  }
0x70: {  	_ =	shalt  }
0x71: {  	_ =	shalt  }
0x72: {  	_ =	shalt  }
0x73: {  	_ =	shalt  }
0x74: {  	_ =	shalt  }
0x75: {  	_ =	shalt  }
0x76: {  	_ =	shalt  }
0x77: {  	_ =	shalt  }
0x78: {  	_ =	shalt  }
0x79: {  	_ =	shalt  }
0x7a: {  	_ =	shalt  }
0x7b: {  	_ =	shalt  }
0x7c: {  	_ =	shalt  }
0x7d: {  	_ =	shalt  }
0x7e: {  	_ =	shalt  }
0x7f: {  	_ =	shalt  }
0x80: {  	_ =	shalt  }
0x81: {  	_ =	shalt  }
0x82: {  	_ =	shalt  }
0x83: {  	_ =	shalt  }
0x84: {  	_ =	shalt  }
0x85: {  	_ =	shalt  }
0x86: {  	_ =	shalt  }
0x87: {  	_ =	shalt  }
.Lfunc_end0:
.L_simem_size_0:
called_computation_lowered:
.L_overlay_start_0:
0x88: {  	s2 =	sld [smem:$0x3FD9]  }
0x89: {  	s3 =	sld [smem:$0x3FFE];
	_ =	sdelay $0x1  }
0x8a: {  	s1 =	srdreg.scid  }
0x8b: {  	s0 =	sand.u32 $0x1, s1  }
0x8c: {  	s17 =	sshll.u32 s0, $0xA;
	s2 =	sadd.s32 s3, s2  }
0x8d: {  	s2 =	sadd.s32 s2, s17  }
0x8e: {  	[smem:$0x3FC4] =	sst s2  }
0x8f: {  	_ = 	snop  }
0x90: {  	s2 =	sld [smem:$0x3FC9]  }
0x91: {  	s18 =	sld [smem:$0x3FC8]  }
0x92: {  	s4 =	sld [smem:$0x3FC7]  }
0x93: {  	s5 =	sld [smem:$0x3FD0];
	(tm) =	ssettm $0x1  }
0x94: {  	s6 =	sld [smem:$0x3FFB];
	_ =	sdelay $0x3  }
0x95: {  	_ =	strace s6  }
0x96: {  	s6 =	sld [smem:$0x3FFC];
	_ =	sdelay $0x3  }
0x97: {  	_ =	strace s6  }
0x98: {  	s6 =	sld [smem:$0x3FFD];
	_ =	sdelay $0x3  }
0x99: {  	_ =	strace s6  }
0x9a: {  	_ =	strace $0x8FFFFFFF  }
0x9b: {  	s19 =	sld [smem:$0x3FDB];
	_ =	sdelay $0x1  }
0x9c: {  	s7 =	simm.s32 $_scs_section_size  }
0x9d: {  	s8 =	simm.s32 $_size__tile_overlayer_lowered;
	s9 =	simm.s32 $_tile_overlayer_lowered  }
0x9e: {  	s22 =	simm.s32 $0x1BFF;
	s21 =	sshll.u32 s9, $0x1;
	s6 =	sadd.s32 s7, s19  }
0x9f: {  	s10 =	simm.s32 $0x0;
	s20 =	sshll.u32 s8, $0x1;
	s8 =	sadd.s32 s21, s6  }
0xa0: {  	[timem:s10], [sflag:s22] =	dma.local [hbm:s8], s20  }
0xa1: {  	_ =	swait.ge [sflag:s22], s20  }
0xa2: {  	s7 =	ssub.s32 $0x0, s20;
	[sflag:s22] =	ssyncset.done $0x0  }
0xa3: {  	[sflag:s22] =	ssyncadd.s32 s7;
	_ =	sdelay $0x1  }
0xa4: {  	s23 =	simm.s32 $0x1B8B  }
0xa5: {  	_ =	swait.ge [sflag:s23], $0x1  }
0xa6: {  	[sflag:s23] =	ssyncset.done $0x0  }
0xa7: {  	s25 =	simm.s32 $0x1B8E;
	s24 =	sld [smem:$0x3FFE];
	[sflag:s23] =	ssyncadd.s32 $0xFFFFFFFF  }
0xa8: {  	s26 =	simm.s32 $execute0_lowered;
	[smem:$0x3FD2] =	sst s25  }
0xa9: {  	s8 =	sshll.u32 s26, $0x1;
	_ =	strace $0x80000046;
	[dreg:$0x1] =	wrdreg $0xFFFFFFFF  }
0xaa: {  	s28 =	simm.s32 $_size_execute0_lowered;
	s6 =	sadd.s32 s6, s8;
	[dreg:$0x0] =	wrdreg $0x0  }
0xab: {  	s8 =	sshll.u32 s28, $0x1;
	[dreg:$0x2] =	wrdreg s6  }
0xac: {  	[dreg:$0x3] =	wrdreg s8  }
0xad: {  	[dreg:$0x4] =	wrdreg $0xC0  }
0xae: {  	_ =	task [dreg:s10], $0x5FFFF  }
0xaf: {  	[dreg:$0x1] =	wrdreg $0xFFFFFFFF  }
0xb0: {  	[dreg:$0x0] =	wrdreg $0x60  }
0xb1: {  	[dreg:$0x2] =	wrdreg s2  }
0xb2: {  	[dreg:$0x3] =	wrdreg s18  }
0xb3: {  	[dreg:$0x4] =	wrdreg s4  }
0xb4: {  	[dreg:$0x5] =	wrdreg s24  }
0xb5: {  	[dreg:$0x6] =	wrdreg s5  }
0xb6: {  	[dreg:$0x7] =	wrdreg $0x9  }
0xb7: {  	_ =	task.clear_ibuf [dreg:s10], $0x8FFFF;
	_ =	strace $0x90000046  }
0xb8: {  	s29 =	simm.s32 $0x9;
	_ =	strace $0x80000048  }
0xb9: {  	_ =	swait.ge [sflag:s29], $0x1  }
0xba: {  	[sflag:s29] =	ssyncadd.s32 $0xFFFFFFFF  }
0xbb: {  	_ =	strace $0x90000048  }
0xbc: {  	_ =	sfence  }
0xbd: {  	s30 =	sld [smem:$0x0];
	_ =	sdelay $0x2  }
0xbe: {  	s31 =	sshll.u32 s1, $0xD;
	s1 =	sshrl.u32 s1, $0x2  }
0xbf: {  	s3 =	sand.u32 $0x4000, s31;
	s1 =	sadd.s32 s1, s30  }
0xc0: {  	s0 =	sor.u32 s3, s0;
	s1 =	sshll.u32 s1, $0x11  }
0xc1: {  	s0 =	sor.u32 s1, s0  }
0xc2: {  	s0 =	sadd.s32 $0x8F2B, s0  }
0xc3: {  	[sflag:s0] =	ssyncadd.remote.s32 $0x1  }
0xc4: {  	_ =	sfence.sel $0xFFFF  }
0xc5: {  	[dreg:$0x0] =	wrdreg $0xFFFFFFFF;
	(pc) =	sbr.abs _section_cstart, $3  }
0xc6: {  	[dreg:$0x1] =	wrdreg $0xFFFFFFFF  }
0xc7: {  	_ =	task.clear_ibuf [dreg:s10], $0x2FFFF;
	_ =	strace $0x9FFFFFFF  }
0xc8: {  	(tm) =	ssettm $0x7FFFFFFF  }
0xc9: {  	_ =	shalt  }
tec
execute0_lowered:
.L_overlay_start_1:
0x0: {  	(tag) =	ssettag $0x1  }
0x1: {  	s0 =	rddreg [dreg:$0x3]  }
0x2: {  	s2 =	simm.s32 $0x0;
	s1 =	srdreg.scid;
	s3 =	stileid.u32  }
0x3: {  	[smem:$0x7FF] =	sst s2;
	s1 =	sand.u32 $0x1, s1;
	s3 =	sshll.u32 s3, $0x3  }
0x4: {  	s0 =	sadd.s32 $0x400, s0;
	s29 =	ssub.s32 $0x2, s1;
	s1 =	sshll.u32 s1, $0x2  }
.Ltmp0:
0x5: {  	_ =	strace $0x80000047;
	s1 =	sor.u32 s1, s3;
	(pc) =	sbr.rel .LBB2_1-.Ltmp0, $4  }
0x6: {  	[dreg:$0x6] =	wrdreg s0;
	s4 =	sshrl.u32 s29, $0x1;
	s31 =	sshll.u32 s1, $0xA  }
0x7: {  	s30 =	ssub.s32 s29, s4;
	s1 =	sshll.u32 s1, $0x8;
	[dreg:$0x7] =	wrdreg s31  }
0x8: {  	[dreg:$0x8] =	wrdreg s1;
	s0 =	smax.u32 s30, $0x1  }
0x9: {  	s21 =	simm.s32 $0x1;
	vm0 =	vmmov $0x1;
	vm1 =	vcmask $0x308;
	s1 =	simm.s32 $0x0;
	[dreg:$0x9] =	wrdreg s0  }
.LBB2_59:
0xa: {  	s1 =	rddreg [dreg:$0xa]  }
0xb: {  	s0 =	rddreg [dreg:$0x9];
	s1 =	sadd.s32 $0x1, s1  }
0xc: {  	p0 =	sne.s32 s1, s0  }
.Ltmp1:
0xd: {  	_ = 	snop;
	(pc) =	sbr.rel @!p0 .LBB2_60-.Ltmp1, $1  }
0xe: {  	_ =	sdelay $0x3  }
.LBB2_1:
0xf: {  	[dreg:$0xa] =	wrdreg s1  }
0x10: {  	s0 =	rddreg [dreg:$0x1];
	s23 =	simm.s32 $0x0;
	s2 =	simm.s32 $0xF000  }
0x11: {  	[tilespmem:s2], [sflag:$0x1] =	stream.linear.gather [hbm4b:s0+s23], $0x100, $0x38;
	[tilespmem:$0xF280] =	vst v63  }
0x12: {  	_ =	swait.ge [sflag:s21], $0x100  }
0x13: {  	[sflag:s21] =	ssyncset.done $0x0  }
0x14: {  	[sflag:s21] =	ssyncadd.s32 $0xFFFFFF00  }
0x15: {  	s25 =	simm.s32 $0xF100;
	s24 =	rddreg [dreg:$0x2]  }
0x16: {  	[tilespmem:s25], [sflag:$0x1] =	stream.linear.gather [hbm4b:s24+s23], $0x100, $0x38;
	[tilespmem:$0xF280] =	vst v63  }
0x17: {  	_ =	swait.ge [sflag:s21], $0x100  }
0x18: {  	[sflag:s21] =	ssyncset.done $0x0  }
0x19: {  	s28 =	simm.s32 $0xF200;
	s26 =	rddreg [dreg:$0x6];
	[sflag:s21] =	ssyncadd.s32 $0xFFFFFF00  }
0x1a: {  	[tilespmem:s28], [sflag:$0x1] =	stream.linear.gather [hbm4b:s26+s23], $0x80, $0x38;
	[tilespmem:$0xF280] =	vst v63  }
0x1b: {  	_ =	swait.ge [sflag:s21], $0x80  }
0x1c: {  	[sflag:s21] =	ssyncset.done $0x0  }
0x1d: {  	[sflag:s21] =	ssyncadd.s32 $0xFFFFFF80  }
0x1e: {  	v0 =	vld [tilespmem:$0xF000]  }
0x1f: {  	v1 =	vld [tilespmem:$0xF100]  }
0x20: {  	v2 =	vld [tilespmem:$0xF010]  }
0x21: {  	v3 =	vld [tilespmem:$0xF110]  }
0x22: {  	v4 =	vld [tilespmem:$0xF020]  }
0x23: {  	v5 =	vld [tilespmem:$0xF120]  }
0x24: {  	v6 =	vld [tilespmem:$0xF030]  }
0x25: {  	v7 =	vld [tilespmem:$0xF130]  }
0x26: {  	v8 =	vld [tilespmem:$0xF040]  }
0x27: {  	v9 =	vld [tilespmem:$0xF140]  }
0x28: {  	v10 =	vld [tilespmem:$0xF050]  }
0x29: {  	v11 =	vld [tilespmem:$0xF180]  }
0x2a: {  	v12 =	vld [tilespmem:$0xF150]  }
0x2b: {  	v14 =	vld [tilespmem:$0xF190]  }
0x2c: {  	v15 =	vld [tilespmem:$0xF060]  }
0x2d: {  	v18 =	vld [tilespmem:$0xF1B0]  }
0x2e: {  	v19 =	vld [tilespmem:$0xF080]  }
0x2f: {  	v21 =	vld [tilespmem:$0xF090];
	v13 =	vmul.f32 v1, v0;
	v16 =	vmul.f32 v3, v2  }
0x30: {  	v22 =	vld [tilespmem:$0xF0A0];
	v0 =	vmul.f32 v11, v0;
	v43 =	vmul.f32 v5, v4  }
0x31: {  	v17 =	vld [tilespmem:$0xF1A0];
	v2 =	vmul.f32 v14, v2;
	v44 =	vmul.f32 v7, v6  }
0x32: {  	v20 =	vld [tilespmem:$0xF160];
	v45 =	vmul.f32 v9, v8;
	v6 =	vmul.f32 v18, v6  }
0x33: {  	v47 =	vld [tilespmem:$0xF0B0];
	v1 =	vmul.f32 v19, v1;
	v46 =	vmul.f32 v12, v10  }
0x34: {  	v48 =	vld [tilespmem:$0xF1D0];
	v11 =	vmul.f32 v19, v11;
	v3 =	vmul.f32 v21, v3;
	v0 =	vadd.f32 $0.0e+00, v0  }
0x35: {  	v14 =	vmul.f32 v21, v14;
	v5 =	vmul.f32 v22, v5  }
0x36: {  	v13 =	vadd.f32 $0.0e+00, v13;
	v0 =	vadd.f32 v2, v0;
	v2 =	vmul.f32 v17, v4;
	v4 =	vld [tilespmem:$0xF1C0]  }
0x37: {  	v49 =	vld [tilespmem:$0xF0C0];
	v52 =	vmul.f32 v22, v17;
	v53 =	vmul.f32 v20, v15  }
0x38: {  	v51 =	vld [tilespmem:$0xF0D0];
	v7 =	vmul.f32 v47, v7;
	v1 =	vadd.f32 $0.0e+00, v1;
	v13 =	vadd.f32 v16, v13  }
0x39: {  	v55 =	vld [tilespmem:$0xF0E0];
	v10 =	vmul.f32 v48, v10;
	v11 =	vadd.f32 $0.0e+00, v11;
	v0 =	vadd.f32 v2, v0  }
0x3a: {  	v54 =	vmul.f32 v47, v18;
	v1 =	vadd.f32 v3, v1;
	v13 =	vadd.f32 v43, v13  }
0x3b: {  	v3 =	vld [tilespmem:$0xF1E0];
	v50 =	vadd.f32 v14, v11;
	v0 =	vadd.f32 v6, v0;
	v8 =	vmul.f32 v4, v8  }
0x3c: {  	v9 =	vmul.f32 v49, v9;
	v2 =	vld [tilespmem:$0xF070];
	v1 =	vadd.f32 v5, v1;
	v13 =	vadd.f32 v44, v13  }
0x3d: {  	v59 =	vmul.f32 v51, v12;
	v5 =	vld [tilespmem:$0xF170];
	v0 =	vadd.f32 v8, v0;
	v8 =	vadd.f32 v52, v50  }
0x3e: {  	v56 =	vld [tilespmem:$0xF1F0];
	v61 =	vmul.f32 v55, v20;
	v1 =	vadd.f32 v7, v1;
	v13 =	vadd.f32 v45, v13  }
0x3f: {  	v57 =	vld [tilespmem:$0xF0F0];
	v6 =	vmul.f32 v51, v48;
	v4 =	vmul.f32 v49, v4;
	v8 =	vadd.f32 v54, v8  }
0x40: {  	v58 =	vmul.f32 v3, v15;
	v1 =	vadd.f32 v9, v1;
	v13 =	vadd.f32 v46, v13  }
0x41: {  	v3 =	vmul.f32 v55, v3;
	v0 =	vadd.f32 v10, v0;
	v4 =	vadd.f32 v4, v8  }
0x42: {  	v60 =	vmul.f32 v5, v2;
	v1 =	vadd.f32 v59, v1;
	v13 =	vadd.f32 v53, v13  }
0x43: {  	v2 =	vmul.f32 v56, v2;
	v0 =	vadd.f32 v58, v0;
	v4 =	vadd.f32 v6, v4  }
0x44: {  	v63 =	vld [tilespmem:$0xF200];
	v5 =	vmul.f32 v57, v5;
	v1 =	vadd.f32 v61, v1;
	v62 =	vadd.f32 v60, v13  }
0x45: {  	v0 =	vadd.f32 v2, v0;
	v2 =	vadd.f32 v3, v4;
	v3 =	vmul.f32 v57, v56  }
0x46: {  	v1 =	vadd.f32 v5, v1;
	(xrf2) =	vadd.scan.msk.f32 $0xffff, v62  }
0x47: {  	(xrf2) =	vadd.scan.msk.f32 $0xffff, v0;
	v0 =	vadd.f32 v3, v2  }
0x48: {  	(xrf2) =	vadd.scan.msk.f32 $0xffff, v1  }
0x49: {  	(xrf2) =	vadd.scan.msk.f32 $0xffff, v0;
	v0 =	vnsel vm0, $0x0, v63  }
0x4a: {  	(xrf2) =	vadd.scan.msk.f32 $0xffff, v0  }
0x4b: {  	v0 =	vsel vm1, $0x0, v63  }
0x4c: {  	(xrf2) =	vadd.scan.msk.f32 $0xffff, v0;
	_ =	sdelay $0x3  }
0x4d: {  	v0, _, _ =	vpop (xrf2)  }
0x4e: {  	v1, _, _ =	vpop (xrf2);
	(v2sf) =	vpush v0, $0xF  }
0x4f: {  	v0, _, _ =	vpop (xrf2);
	(v2sf) =	vpush v1, $0xF  }
0x50: {  	(v2sf) =	vpush v0, $0xF;
	v1, _, _ =	vpop (xrf2)  }
0x51: {  	v0, _, _ =	vpop (xrf2);
	(v2sf) =	vpush v1, $0xF  }
0x52: {  	(v2sf) =	vpush v0, $0xF  }
0x53: {  	v0, _, _ =	vpop (xrf2)  }
0x54: {  	(v2sf) =	vpush v0, $0xF;
	_ =	sdelay $0x8  }
0x55: {  	s29 =	spop (v2sf)  }
0x56: {  	s30 =	spop (v2sf)  }
0x57: {  	s31 =	spop (v2sf)  }
0x58: {  	s3 =	spop (v2sf)  }
0x59: {  	s4 =	spop (v2sf)  }
0x5a: {  	s0 =	sadd.f32 s4, s29  }
0x5b: {  	s5 =	spop (v2sf);
	s2 =	sadd.f32 s4, s31  }
0x5c: {  	s1 =	sadd.f32 s5, s30  }
0x5d: {  	s3 =	sadd.f32 s5, s3  }
0x5e: {  	v0 =	vmov s0  }
0x5f: {  	s20 =	simm.s32 $0x0;
	v1 =	vmov s2;
	v2 =	vmov s1;
	v3 =	vmov s3  }
.LBB2_2:
0x60: {  	s0 =	smul.u32 $0xA0000, s20  }
0x61: {  	s1 =	rddreg [dreg:$0x7]  }
0x62: {  	[dreg:$0xb] =	wrdreg s20;
	s0 =	sor.u32 s1, s0  }
0x63: {  	s8 =	rddreg [dreg:$0x0];
	s9 =	simm.s32 $0x0;
	s0 =	sshrl.u32 s0, $0x3  }
0x64: {  	s2 =	simm.s32 $0x1000;
	s3 =	simm.s32 $0x20000;
	s0 =	sadd.s32 s8, s0  }
0x65: {  	[tilespmem:s9], [sflag:$0x1] =	stream.strided.gather [hbm4b:s0+s2], $0x5000, s3, s2, $0x38;
	[tilespmem:$0xF280] =	vst v63  }
0x66: {  	s10 =	simm.s32 $0x0;
	s25 =	sand.u32 $0x40, s9;
	_ =	swait.ge [sflag:s21], $0x5000  }
0x67: {  	s29 =	sand.u32 $0x3FFFFF80, s10;
	s5 =	sor.u32 $0x10, s25;
	[sflag:s21] =	ssyncset.done $0x0  }
0x68: {  	s26 =	sor.u32 $0x30, s25;
	s0 =	sor.u32 s5, s29;
	[sflag:s21] =	ssyncadd.s32 $0xFFFFB000  }
0x69: {  	s11 =	sor.u32 s26, s29;
	v4 =	vld [tilespmem:s0+$0x0]  }
0x6a: {  	v5 =	vld [tilespmem:s11+$0x0]  }
0x6b: {  	s0 =	sor.u32 $0x20, s25  }
0x6c: {  	s12 =	simm.s32 $0x0;
	s13 =	sor.u32 s0, s29  }
0x6d: {  	s16 =	simm.s32 $0x40;
	s30 =	sand.u32 $0x3FFFFC00, s12;
	v6 =	vld [tilespmem:s13+$0x0]  }
0x6e: {  	s17 =	simm.s32 $0x40;
	s14 =	sor.u32 s25, s29;
	s28 =	sadd.s32 $0x5000, s30;
	vm2 =	veq.s32 v4, $0x0  }
0x6f: {  	s6 =	simm.s32 $0x200;
	s22 =	sand.u32 $0x40, s16;
	s15 =	sor.u32 s5, s28;
	v8 =	vld [tilespmem:s14+$0x0];
	vm3 =	veq.s32 v5, $0x0;
	v4 =	vsel vm2, v0, v1  }
0x70: {  	s4 =	sand.u32 $0x3FFFFF80, s17;
	s19 =	sand.u32 $0x3FFFFC00, s6;
	s18 =	sor.u32 s26, s28;
	v5 =	vsel vm3, v2, v3;
	[tilespmem:s15+$0x0] =	vst v4  }
0x71: {  	s6 =	simm.s32 $0x4;
	s23 =	sor.u32 $0x10, s22;
	s7 =	sor.u32 s22, s4;
	v4 =	vsel vm3, v0, v1;
	[tilespmem:s18+$0x80] =	vst v5  }
0x72: {  	s24 =	sor.u32 $0x20, s22;
	s10 =	sor.u32 s23, s4;
	s3 =	sor.u32 $0x30, s22;
	v7 =	vsel vm2, v2, v3;
	vm2 =	veq.s32 v6, $0x0;
	[tilespmem:s18+$0x0] =	vst v4;
	v4 =	vld [tilespmem:s7+$0x0]  }
0x73: {  	s1 =	smov.u32 s22;
	s20 =	sor.u32 s3, s4;
	s31 =	sor.u32 s0, s28;
	v6 =	vld [tilespmem:s10+$0x0];
	[tilespmem:s15+$0x80] =	vst v7;
	v5 =	vsel vm2, v2, v3  }
0x74: {  	s2 =	sadd.s32 $0x5000, s19;
	s4 =	sor.u32 s24, s4;
	s11 =	sor.u32 s25, s28;
	v7 =	vld [tilespmem:s20+$0x0];
	v10 =	vsel vm2, v0, v1;
	vm2 =	veq.s32 v8, $0x0;
	[tilespmem:s31+$0x80] =	vst v5  }
0x75: {  	s10 =	simm.s32 $0x80;
	s7 =	sor.u32 s23, s2;
	v5 =	vld [tilespmem:s4+$0x0];
	v9 =	vsel vm2, v0, v1;
	v8 =	vsel vm2, v2, v3;
	[tilespmem:s31+$0x0] =	vst v10;
	s4 =	smov.u32 s24  }
.LBB2_3:
0x76: {  	s6 =	sadd.s32 $0x4, s6  }
0x77: {  	s13 =	sand.u32 $0x40, s10;
	s14 =	sor.u32 s3, s2;
	[tilespmem:s11+$0x0] =	vst v9;
	v9 =	vmov v4;
	s15 =	sshll.u32 s6, $0x4  }
0x78: {  	s16 =	sshll.u32 s6, $0x7;
	s3 =	sor.u32 $0x30, s13;
	vm2 =	veq.s32 v6, $0x0;
	[tilespmem:s11+$0x80] =	vst v8;
	s20 =	sor.u32 $0x20, s13  }
0x79: {  	p0 =	slt.u32 s6, $0x3C;
	s11 =	sand.u32 $0x3FFFFF80, s15;
	s15 =	sor.u32 $0x10, s13;
	v4 =	vsel vm2, v0, v1;
	v8 =	vsel vm2, v2, v3;
	vm2 =	veq.s32 v7, $0x0  }
0x7a: {  	s31 =	sor.u32 s13, s11;
	s17 =	sor.u32 s15, s11;
	s18 =	sor.u32 s20, s11;
	[tilespmem:s7+$0x0] =	vst v4;
	vm3 =	veq.s32 v5, $0x0;
	v5 =	vsel vm2, v0, v1  }
.Ltmp2:
0x7b: {  	s16 =	sand.u32 $0x3FFFFC00, s16;
	s11 =	sor.u32 s3, s11;
	v7 =	vsel vm2, v2, v3;
	v4 =	vld [tilespmem:s31+$0x0];
	v10 =	vsel vm3, v0, v1;
	[tilespmem:s14+$0x0] =	vst v5;
	(pc) =	sbr.rel @p0 .LBB2_3-.Ltmp2, $4  }
0x7c: {  	s16 =	sadd.s32 $0x5000, s16;
	v6 =	vld [tilespmem:s17+$0x0];
	[tilespmem:s14+$0x80] =	vst v7;
	s14 =	smov.u32 s1;
	s1 =	smov.u32 s13  }
0x7d: {  	s13 =	sor.u32 s4, s2;
	s4 =	smov.u32 s20;
	v7 =	vld [tilespmem:s11+$0x0];
	[tilespmem:s7+$0x80] =	vst v8;
	v8 =	vsel vm3, v2, v3;
	s11 =	smov.u32 s2  }
0x7e: {  	vm2 =	veq.s32 v9, $0x0;
	s2 =	smov.u32 s16;
	v5 =	vld [tilespmem:s18+$0x0];
	[tilespmem:s13+$0x80] =	vst v8  }
0x7f: {  	s10 =	sadd.s32 $0x40, s10;
	v9 =	vsel vm2, v0, v1;
	s7 =	sor.u32 s15, s2;
	v8 =	vsel vm2, v2, v3;
	s11 =	sor.u32 s14, s11;
	[tilespmem:s13+$0x0] =	vst v10  }
0x80: {  	_ = 	snop  }
0x81: {  	[tilespmem:s11+$0x0] =	vst v9;
	vm2 =	veq.s32 v6, $0x0  }
0x82: {  	[tilespmem:s11+$0x80] =	vst v8;
	v6 =	vsel vm2, v0, v1;
	vm3 =	veq.s32 v7, $0x0  }
0x83: {  	s3 =	sor.u32 s3, s2;
	[tilespmem:s7+$0x0] =	vst v6;
	v6 =	vsel vm3, v0, v1  }
0x84: {  	v7 =	vsel vm3, v2, v3;
	[tilespmem:s3+$0x0] =	vst v6  }
0x85: {  	v6 =	vsel vm2, v2, v3;
	vm2 =	veq.s32 v5, $0x0;
	[tilespmem:s3+$0x80] =	vst v7  }
0x86: {  	s31 =	sor.u32 s4, s2;
	[tilespmem:s7+$0x80] =	vst v6;
	v5 =	vsel vm2, v2, v3  }
0x87: {  	v6 =	vsel vm2, v0, v1;
	vm2 =	veq.s32 v4, $0x0;
	[tilespmem:s31+$0x80] =	vst v5  }
0x88: {  	s1 =	sor.u32 s1, s2;
	v4 =	vsel vm2, v0, v1;
	[tilespmem:s31+$0x0] =	vst v6  }
0x89: {  	s3 =	sadd.s32 $0x400, s29;
	v5 =	vsel vm2, v2, v3;
	[tilespmem:s1+$0x0] =	vst v4  }
0x8a: {  	s4 =	sor.u32 s5, s3;
	[tilespmem:s1+$0x80] =	vst v5  }
0x8b: {  	s7 =	sor.u32 s0, s3;
	v4 =	vld [tilespmem:s4+$0x0]  }
0x8c: {  	s6 =	sor.u32 s26, s3;
	v6 =	vld [tilespmem:s7+$0x0]  }
0x8d: {  	v5 =	vld [tilespmem:s6+$0x0];
	_ =	sdelay $0x1  }
0x8e: {  	s2 =	sor.u32 s25, s28;
	s9 =	sor.u32 s26, s28  }
0x8f: {  	s17 =	simm.s32 $0x40;
	s8 =	sor.u32 s25, s3;
	s6 =	sadd.s32 $0x5100, s30;
	vm2 =	veq.s32 v4, $0x0  }
0x90: {  	s12 =	sor.u32 s5, s28;
	s20 =	sand.u32 $0x3FFFFF80, s17;
	v7 =	vld [tilespmem:s8+$0x0];
	s18 =	sor.u32 s5, s6;
	vm4 =	veq.s32 v6, $0x0;
	v4 =	vsel vm2, v0, v1  }
0x91: {  	s10 =	sor.u32 s0, s28;
	s11 =	sadd.s32 $0x400, s20;
	s28 =	sor.u32 s0, s6;
	vm3 =	veq.s32 v5, $0x0;
	v6 =	vsel vm4, v0, v1;
	[tilespmem:s18+$0x0] =	vst v4  }
0x92: {  	s14 =	sor.u32 s23, s11;
	s19 =	sor.u32 s26, s6;
	v4 =	vsel vm3, v0, v1;
	[tilespmem:s28+$0x0] =	vst v6  }
0x93: {  	s16 =	sor.u32 s24, s11;
	s29 =	sor.u32 s22, s11;
	s26 =	simm.s32 $0x200;
	v8 =	vsel vm4, v2, v3;
	[tilespmem:s19+$0x0] =	vst v4  }
0x94: {  	s3 =	simm.s32 $0x4;
	s7 =	sor.u32 $0x30, s22;
	s13 =	sand.u32 $0x3FFFFC00, s26;
	v5 =	vsel vm3, v2, v3;
	v4 =	vld [tilespmem:s29+$0x0];
	[tilespmem:s10+$0x180] =	vst v8  }
0x95: {  	s30 =	sor.u32 s7, s11;
	s31 =	sor.u32 s25, s6;
	s15 =	sadd.s32 $0x5000, s13;
	vm3 =	veq.s32 v7, $0x0;
	v7 =	vsel vm2, v2, v3;
	[tilespmem:s9+$0x180] =	vst v5;
	v5 =	vld [tilespmem:s14+$0x0]  }
0x96: {  	s6 =	simm.s32 $0x80;
	s1 =	sadd.s32 $0x5100, s13;
	s4 =	sor.u32 s22, s15;
	v6 =	vld [tilespmem:s30+$0x0];
	v9 =	vsel vm3, v0, v1;
	[tilespmem:s12+$0x180] =	vst v7  }
0x97: {  	s5 =	sor.u32 s7, s15;
	s0 =	sor.u32 s24, s15;
	s10 =	sor.u32 s23, s15;
	v7 =	vld [tilespmem:s16+$0x0];
	v8 =	vsel vm3, v2, v3;
	[tilespmem:s31+$0x0] =	vst v9  }
.LBB2_5:
0x98: {  	s3 =	sadd.s32 $0x4, s3;
	s11 =	sor.u32 s24, s1;
	s7 =	sor.u32 s7, s1  }
0x99: {  	[tilespmem:s2+$0x180] =	vst v8;
	v8 =	vmov v4;
	s2 =	smov.u32 s4;
	s13 =	smov.u32 s10;
	s14 =	sor.u32 s23, s1  }
0x9a: {  	s15 =	sand.u32 $0x40, s6;
	s4 =	sshll.u32 s3, $0x4;
	s10 =	sshll.u32 s3, $0x7;
	vm2 =	veq.s32 v5, $0x0  }
0x9b: {  	s23 =	sor.u32 $0x10, s15;
	s4 =	sand.u32 $0x3FFFFF80, s4;
	s16 =	sand.u32 $0x3FFFFC00, s10;
	v4 =	vsel vm2, v0, v1;
	vm3 =	veq.s32 v6, $0x0  }
0x9c: {  	s24 =	sor.u32 $0x20, s15;
	p0 =	slt.u32 s3, $0x3C;
	s10 =	sadd.s32 $0x400, s4;
	[tilespmem:s14+$0x0] =	vst v4;
	vm4 =	veq.s32 v7, $0x0;
	v4 =	vsel vm3, v0, v1  }
0x9d: {  	v5 =	vsel vm3, v2, v3;
	s4 =	sor.u32 s15, s10;
	s14 =	sor.u32 s23, s10;
	s17 =	sor.u32 s24, s10;
	v6 =	vsel vm4, v0, v1;
	[tilespmem:s7+$0x0] =	vst v4  }
.Ltmp3:
0x9e: {  	s18 =	sadd.s32 $0x5000, s16;
	s7 =	sor.u32 $0x30, s15;
	v4 =	vld [tilespmem:s4+$0x0];
	[tilespmem:s5+$0x180] =	vst v5;
	(pc) =	sbr.rel @p0 .LBB2_5-.Ltmp3, $4  }
0x9f: {  	v7 =	vsel vm4, v2, v3;
	s4 =	sor.u32 s15, s18;
	s5 =	sor.u32 s7, s18;
	v5 =	vld [tilespmem:s14+$0x0];
	s14 =	sor.u32 s7, s10;
	[tilespmem:s11+$0x0] =	vst v6  }
0xa0: {  	vm3 =	veq.s32 v8, $0x0;
	v8 =	vsel vm2, v2, v3;
	s10 =	sor.u32 s23, s18;
	v6 =	vld [tilespmem:s14+$0x0];
	[tilespmem:s0+$0x180] =	vst v7;
	s0 =	sor.u32 s24, s18  }
0xa1: {  	v9 =	vsel vm3, v0, v1;
	s11 =	sor.u32 s22, s1;
	s22 =	smov.u32 s15;
	v7 =	vld [tilespmem:s17+$0x0];
	[tilespmem:s13+$0x180] =	vst v8  }
0xa2: {  	s6 =	sadd.s32 $0x40, s6;
	s1 =	sadd.s32 $0x5100, s16;
	v8 =	vsel vm3, v2, v3;
	[tilespmem:s11+$0x0] =	vst v9  }
0xa3: {  	_ = 	snop  }
0xa4: {  	vm2 =	veq.s32 v5, $0x0  }
0xa5: {  	[tilespmem:s2+$0x180] =	vst v8;
	s19 =	sor.u32 s23, s1;
	v5 =	vsel vm2, v0, v1;
	vm3 =	veq.s32 v6, $0x0  }
0xa6: {  	s3 =	sor.u32 s7, s1;
	[tilespmem:s19+$0x0] =	vst v5;
	v5 =	vsel vm3, v0, v1  }
0xa7: {  	v6 =	vsel vm3, v2, v3;
	vm3 =	veq.s32 v4, $0x0;
	v4 =	vsel vm2, v2, v3;
	[tilespmem:s3+$0x0] =	vst v5  }
0xa8: {  	vm4 =	veq.s32 v7, $0x0;
	[tilespmem:s10+$0x180] =	vst v4  }
0xa9: {  	s20 =	sor.u32 s24, s1;
	v5 =	vsel vm4, v0, v1;
	[tilespmem:s5+$0x180] =	vst v6  }
0xaa: {  	s22 =	sor.u32 s22, s1;
	s23 =	simm.s32 $0x0;
	s24 =	simm.s32 $0x0;
	v6 =	vsel vm4, v2, v3;
	[tilespmem:s20+$0x0] =	vst v5  }
0xab: {  	s25 =	simm.s32 $0x0;
	p1 =	por $0x1, $0x1;
	v5 =	vsel vm3, v0, v1;
	[tilespmem:s0+$0x180] =	vst v6;
	s0 =	sand.u32 $0x3FFFFF80, s23  }
0xac: {  	p0 =	por $0x0, $0x0;
	s2 =	sand.u32 $0x40, s24;
	v4 =	vsel vm3, v2, v3;
	[tilespmem:s22+$0x0] =	vst v5;
	s26 =	sadd.s32 $0x800, s0  }
.Ltmp4:
0xad: {  	s3 =	sor.u32 $0x10, s2;
	[tilespmem:s4+$0x180] =	vst v4;
	s28 =	sor.u32 s2, s26;
	(pc) =	sbr.rel @!p1 .LBB2_7-.Ltmp4, $4  }
0xae: {  	s31 =	sand.u32 $0x3FFFFC00, s25;
	s1 =	sor.u32 $0x30, s2;
	s29 =	sor.u32 s3, s26;
	v8 =	vld [tilespmem:s28+$0x0]  }
0xaf: {  	s13 =	sor.u32 $0x20, s2;
	s6 =	sadd.s32 $0x5000, s31;
	s30 =	sor.u32 s1, s26;
	v4 =	vld [tilespmem:s29+$0x0]  }
0xb0: {  	s7 =	sor.u32 s1, s6;
	s10 =	sor.u32 s13, s6;
	s11 =	sor.u32 s13, s26;
	v5 =	vld [tilespmem:s30+$0x0]  }
0xb1: {  	s20 =	sor.u32 s2, s6;
	s15 =	sor.u32 s3, s6;
	s5 =	sadd.s32 $0x5200, s31;
	v6 =	vld [tilespmem:s11+$0x0]  }
0xb2: {  	s11 =	simm.s32 $0x4;
	s4 =	sor.u32 s13, s5;
	s6 =	sor.u32 s1, s5  }
0xb3: {  	s16 =	simm.s32 $0x40;
	s17 =	simm.s32 $0x200;
	s14 =	simm.s32 $0x40  }
0xb4: {  	p3 =	por $0x1, $0x1;
	s21 =	sor.u32 s2, s5;
	p2 =	por $0x1, $0x1  }
0xb5: {  	s28 =	sand.u32 $0x40, s14;
	s16 =	sand.u32 $0x3FFFFF80, s16;
	s17 =	sand.u32 $0x3FFFFC00, s17;
	vm2 =	veq.s32 v5, $0x0  }
0xb6: {  	s16 =	sadd.s32 $0x800, s16;
	s24 =	sor.u32 $0x10, s28;
	s25 =	sor.u32 $0x20, s28;
	v5 =	vsel vm2, v0, v1  }
.Ltmp5:
0xb7: {  	s19 =	sadd.s32 $0x5000, s17;
	s18 =	sor.u32 s28, s16;
	vm3 =	veq.s32 v6, $0x0;
	v6 =	vsel vm2, v2, v3;
	[tilespmem:s6+$0x0] =	vst v5;
	(pc) =	sbr.rel @!p3 .LBB2_9-.Ltmp5, $4  }
0xb8: {  	s26 =	sor.u32 $0x30, s28;
	s22 =	sor.u32 s24, s16;
	s29 =	sor.u32 s25, s16;
	v9 =	vld [tilespmem:s18+$0x0];
	v5 =	vsel vm3, v0, v1;
	[tilespmem:s7+$0x280] =	vst v6  }
0xb9: {  	s30 =	sor.u32 s25, s19;
	s16 =	sor.u32 s26, s16;
	s23 =	sor.u32 s26, s19;
	vm2 =	veq.s32 v4, $0x0;
	v4 =	vld [tilespmem:s22+$0x0];
	v6 =	vsel vm3, v2, v3;
	[tilespmem:s4+$0x0] =	vst v5;
	vm3 =	veq.s32 v8, $0x0  }
0xba: {  	s22 =	sor.u32 s28, s19;
	s6 =	smov.u32 s20;
	v5 =	vld [tilespmem:s16+$0x0];
	s16 =	sor.u32 s3, s5;
	[tilespmem:s10+$0x280] =	vst v6;
	v8 =	vsel vm3, v0, v1  }
0xbb: {  	v7 =	vsel vm2, v0, v1;
	v10 =	vsel vm2, v2, v3;
	s4 =	sor.u32 s24, s19;
	s5 =	sadd.s32 $0x5200, s17;
	v6 =	vld [tilespmem:s29+$0x0];
	v11 =	vsel vm3, v2, v3;
	s29 =	smov.u32 s15;
	[tilespmem:s21+$0x0] =	vst v8  }
.LBB2_10:
0xbc: {  	s11 =	sadd.s32 $0x4, s11  }
0xbd: {  	s17 =	sor.u32 s25, s5;
	s18 =	sor.u32 s26, s5;
	[tilespmem:s6+$0x280] =	vst v11;
	s6 =	smov.u32 s22  }
0xbe: {  	v8 =	vmov v9;
	s22 =	smov.u32 s29;
	s29 =	smov.u32 s4;
	s14 =	sadd.s32 $0x40, s14  }
0xbf: {  	s4 =	sshll.u32 s11, $0x4;
	s25 =	sshll.u32 s11, $0x7;
	vm2 =	veq.s32 v4, $0x0;
	[tilespmem:s16+$0x0] =	vst v7;
	p3 =	slt.u32 s11, $0x3C  }
0xc0: {  	s19 =	sand.u32 $0x40, s14;
	s4 =	sand.u32 $0x3FFFFF80, s4;
	s8 =	sand.u32 $0x3FFFFC00, s25;
	v7 =	vsel vm2, v0, v1;
	vm3 =	veq.s32 v5, $0x0;
	[tilespmem:s22+$0x280] =	vst v10  }
0xc1: {  	s9 =	sor.u32 $0x10, s19;
	s25 =	sor.u32 $0x20, s19;
	s4 =	sadd.s32 $0x800, s4;
	vm4 =	veq.s32 v6, $0x0;
	v4 =	vsel vm3, v0, v1  }
0xc2: {  	v6 =	vsel vm3, v2, v3;
	s16 =	sor.u32 s19, s4;
	s22 =	sor.u32 s9, s4;
	s12 =	sor.u32 s25, s4;
	v5 =	vsel vm4, v0, v1;
	[tilespmem:s18+$0x0] =	vst v4  }
.Ltmp6:
0xc3: {  	s26 =	sor.u32 $0x30, s19;
	v9 =	vld [tilespmem:s16+$0x0];
	s16 =	sadd.s32 $0x5000, s8;
	[tilespmem:s23+$0x280] =	vst v6;
	(pc) =	sbr.rel @p3 .LBB2_10-.Ltmp6, $4  }
0xc4: {  	s21 =	sor.u32 s26, s4;
	v6 =	vsel vm4, v2, v3;
	v4 =	vld [tilespmem:s22+$0x0];
	s18 =	sor.u32 s25, s16;
	s23 =	sor.u32 s26, s16;
	[tilespmem:s17+$0x0] =	vst v5  }
0xc5: {  	vm3 =	veq.s32 v8, $0x0;
	s22 =	sor.u32 s19, s16;
	s4 =	sor.u32 s9, s16;
	v5 =	vld [tilespmem:s21+$0x0];
	[tilespmem:s30+$0x280] =	vst v6  }
0xc6: {  	v8 =	vsel vm3, v0, v1;
	s16 =	sor.u32 s24, s5;
	v6 =	vld [tilespmem:s12+$0x0];
	s12 =	sor.u32 s28, s5;
	s28 =	smov.u32 s19  }
0xc7: {  	v10 =	vsel vm2, v2, v3;
	v11 =	vsel vm3, v2, v3;
	s24 =	smov.u32 s9;
	s30 =	smov.u32 s18;
	s5 =	sadd.s32 $0x5200, s8;
	[tilespmem:s12+$0x0] =	vst v8  }
0xc8: {  	v8 =	vmov v9;
	s21 =	simm.s32 $0x1  }
.LBB2_12:
0xc9: {  	[tilespmem:s6+$0x280] =	vst @p2 v11  }
0xca: {  	s6 =	smov.u32 @p2 s29;
	[tilespmem:s16+$0x0] =	vst @p2 v7;
	vm2 =	veq.s32 v5, $0x0  }
0xcb: {  	s8 =	sor.u32 s26, s5;
	[tilespmem:s6+$0x280] =	vst @p2 v10;
	v5 =	vsel vm2, v0, v1  }
0xcc: {  	vm3 =	veq.s32 v6, $0x0;
	v6 =	vsel vm2, v2, v3;
	[tilespmem:s8+$0x0] =	vst v5  }
0xcd: {  	s19 =	sor.u32 s25, s5;
	v5 =	vsel vm3, v0, v1;
	[tilespmem:s23+$0x280] =	vst v6  }
0xce: {  	vm2 =	veq.s32 v8, $0x0;
	v6 =	vsel vm3, v2, v3;
	[tilespmem:s19+$0x0] =	vst v5  }
0xcf: {  	s25 =	sor.u32 s28, s5;
	v5 =	vsel vm2, v0, v1;
	[tilespmem:s30+$0x280] =	vst v6  }
0xd0: {  	vm3 =	veq.s32 v4, $0x0;
	v4 =	vsel vm2, v2, v3;
	[tilespmem:s25+$0x0] =	vst v5  }
0xd1: {  	s26 =	sor.u32 s24, s5;
	v5 =	vsel vm3, v0, v1;
	[tilespmem:s22+$0x280] =	vst v4  }
0xd2: {  	s0 =	sadd.s32 $0xC00, s0;
	v4 =	vsel vm3, v2, v3;
	[tilespmem:s26+$0x0] =	vst v5  }
.Ltmp7:
0xd3: {  	s28 =	sor.u32 s2, s0;
	[tilespmem:s4+$0x280] =	vst v4;
	(pc) =	sbr.rel @!p1 .LBB2_13-.Ltmp7, $4  }
0xd4: {  	s29 =	sor.u32 s3, s0;
	v7 =	vld [tilespmem:s28+$0x0]  }
0xd5: {  	s30 =	sor.u32 s1, s0;
	v5 =	vld [tilespmem:s29+$0x0]  }
0xd6: {  	s0 =	sor.u32 s13, s0;
	v6 =	vld [tilespmem:s30+$0x0]  }
0xd7: {  	s4 =	simm.s32 $0x40;
	v4 =	vld [tilespmem:s0+$0x0];
	s0 =	sadd.s32 $0x5300, s31  }
0xd8: {  	_ = 	snop  }
0xd9: {  	s11 =	simm.s32 $0x4  }
0xda: {  	s6 =	sor.u32 s13, s0;
	s1 =	sor.u32 s1, s0;
	s8 =	simm.s32 $0x40;
	vm2 =	veq.s32 v5, $0x0  }
0xdb: {  	s9 =	simm.s32 $0x200;
	s3 =	sor.u32 s3, s0;
	s5 =	sand.u32 $0x40, s4;
	v5 =	vsel vm2, v0, v1;
	vm3 =	veq.s32 v6, $0x0  }
0xdc: {  	p1 =	por $0x1, $0x1;
	s31 =	sor.u32 s2, s0;
	s26 =	sand.u32 $0x3FFFFF80, s8;
	[tilespmem:s3+$0x0] =	vst v5;
	v5 =	vsel vm3, v0, v1;
	vm4 =	veq.s32 v4, $0x0  }
0xdd: {  	s2 =	simm.s32 $0x80;
	p0 =	por $0x1, $0x1;
	s29 =	sadd.s32 $0xC00, s26;
	v4 =	vsel vm3, v2, v3;
	vm3 =	veq.s32 v7, $0x0;
	v7 =	vsel vm2, v2, v3;
	[tilespmem:s1+$0x0] =	vst v5  }
.Ltmp8:
0xde: {  	s30 =	sor.u32 s5, s29;
	s3 =	sor.u32 $0x10, s5;
	[tilespmem:s15+$0x380] =	vst v7;
	(pc) =	sbr.rel @!p1 .LBB2_15-.Ltmp8, $4  }
0xdf: {  	s28 =	sand.u32 $0x3FFFFC00, s9;
	v8 =	vld [tilespmem:s30+$0x0];
	s12 =	sor.u32 s3, s29;
	v5 =	vsel vm4, v0, v1;
	s1 =	sor.u32 $0x30, s5;
	[tilespmem:s7+$0x380] =	vst v4  }
0xe0: {  	s13 =	sor.u32 $0x20, s5;
	s14 =	sadd.s32 $0x5000, s28;
	v10 =	vsel vm3, v0, v1;
	[tilespmem:s6+$0x0] =	vst v5;
	v5 =	vld [tilespmem:s12+$0x0];
	s9 =	sor.u32 s1, s29  }
0xe1: {  	s0 =	sadd.s32 $0x5300, s28;
	s16 =	sor.u32 s13, s29;
	s4 =	sor.u32 s5, s14;
	v4 =	vsel vm4, v2, v3;
	[tilespmem:s31+$0x0] =	vst v10;
	v6 =	vld [tilespmem:s9+$0x0]  }
0xe2: {  	v9 =	vsel vm3, v2, v3;
	s7 =	sor.u32 s1, s14;
	s6 =	sor.u32 s3, s14;
	[tilespmem:s10+$0x380] =	vst v4;
	s10 =	sor.u32 s13, s14;
	v4 =	vld [tilespmem:s16+$0x0]  }
.LBB2_16:
0xe3: {  	s11 =	sadd.s32 $0x4, s11;
	s8 =	sor.u32 s13, s0;
	s1 =	sor.u32 s1, s0  }
0xe4: {  	[tilespmem:s20+$0x380] =	vst v9;
	v7 =	vmov v8;
	s20 =	smov.u32 s4;
	s9 =	smov.u32 s6;
	s12 =	sor.u32 s3, s0  }
0xe5: {  	s14 =	sand.u32 $0x40, s2;
	s4 =	sshll.u32 s11, $0x4;
	s6 =	sshll.u32 s11, $0x7;
	vm2 =	veq.s32 v5, $0x0  }
0xe6: {  	s13 =	sor.u32 $0x20, s14;
	s3 =	sand.u32 $0x3FFFFF80, s4;
	s15 =	sand.u32 $0x3FFFFC00, s6;
	v5 =	vsel vm2, v0, v1;
	vm3 =	veq.s32 v6, $0x0  }
0xe7: {  	p1 =	slt.u32 s11, $0x3C;
	s6 =	sadd.s32 $0xC00, s3;
	s3 =	sor.u32 $0x10, s14;
	[tilespmem:s12+$0x0] =	vst v5;
	vm4 =	veq.s32 v4, $0x0;
	v4 =	vsel vm3, v0, v1  }
0xe8: {  	v5 =	vsel vm3, v2, v3;
	s4 =	sor.u32 s14, s6;
	s12 =	sor.u32 s3, s6;
	s16 =	sor.u32 s13, s6;
	v6 =	vsel vm4, v0, v1;
	[tilespmem:s1+$0x0] =	vst v4  }
.Ltmp9:
0xe9: {  	s17 =	sadd.s32 $0x5000, s15;
	s1 =	sor.u32 $0x30, s14;
	v8 =	vld [tilespmem:s4+$0x0];
	[tilespmem:s7+$0x380] =	vst v5;
	(pc) =	sbr.rel @p1 .LBB2_16-.Ltmp9, $4  }
0xea: {  	v4 =	vsel vm4, v2, v3;
	s4 =	sor.u32 s14, s17;
	s7 =	sor.u32 s1, s17;
	v5 =	vld [tilespmem:s12+$0x0];
	s12 =	sor.u32 s1, s6;
	[tilespmem:s8+$0x0] =	vst v6  }
0xeb: {  	vm3 =	veq.s32 v7, $0x0;
	v7 =	vsel vm2, v2, v3;
	s6 =	sor.u32 s3, s17;
	v6 =	vld [tilespmem:s12+$0x0];
	[tilespmem:s10+$0x380] =	vst v4;
	s10 =	sor.u32 s13, s17  }
0xec: {  	v10 =	vsel vm3, v0, v1;
	s8 =	sor.u32 s5, s0;
	s5 =	smov.u32 s14;
	v4 =	vld [tilespmem:s16+$0x0];
	[tilespmem:s9+$0x380] =	vst v7  }
0xed: {  	s2 =	sadd.s32 $0x40, s2;
	v9 =	vsel vm3, v2, v3;
	s0 =	sadd.s32 $0x5300, s15;
	[tilespmem:s8+$0x0] =	vst v10  }
0xee: {  	s11 =	smov.u32 s20  }
0xef: {  	v7 =	vmov v8;
	s20 =	smov.u32 s4;
	s15 =	smov.u32 s6;
	s2 =	smov.u32 s5  }
.LBB2_18:
0xf0: {  	vm2 =	veq.s32 v5, $0x0  }
0xf1: {  	[tilespmem:s11+$0x380] =	vst @p0 v9;
	s3 =	sor.u32 s3, s0;
	vm3 =	veq.s32 v6, $0x0;
	v5 =	vsel vm2, v0, v1  }
0xf2: {  	s1 =	sor.u32 s1, s0;
	[tilespmem:s3+$0x0] =	vst v5;
	v5 =	vsel vm3, v0, v1  }
0xf3: {  	vm4 =	veq.s32 v4, $0x0;
	v4 =	vsel vm3, v2, v3;
	[tilespmem:s1+$0x0] =	vst v5  }
0xf4: {  	s13 =	sor.u32 s13, s0;
	s14 =	sor.u32 s2, s0;
	v5 =	vsel vm4, v0, v1;
	[tilespmem:s7+$0x380] =	vst v4  }
0xf5: {  	s16 =	simm.s32 $0x0;
	s17 =	simm.s32 $0x0;
	s18 =	simm.s32 $0x0;
	v4 =	vsel vm4, v2, v3;
	[tilespmem:s13+$0x0] =	vst v5  }
0xf6: {  	p1 =	por $0x1, $0x1;
	p0 =	por $0x0, $0x0;
	s26 =	sand.u32 $0x3FFFFF80, s17;
	vm3 =	veq.s32 v7, $0x0;
	v5 =	vsel vm2, v2, v3;
	[tilespmem:s10+$0x380] =	vst v4  }
0xf7: {  	s23 =	sand.u32 $0x40, s16;
	s25 =	sand.u32 $0x3FFFFC00, s18;
	s19 =	sadd.s32 $0x1000, s26;
	v4 =	vsel vm3, v0, v1;
	[tilespmem:s15+$0x380] =	vst v5  }
0xf8: {  	s24 =	sor.u32 $0x10, s23;
	s5 =	sadd.s32 $0x7080, s25;
	s0 =	sor.u32 $0x20, s23;
	v5 =	vsel vm3, v2, v3;
	[tilespmem:s14+$0x0] =	vst v4  }
.Ltmp10:
0xf9: {  	s6 =	sadd.s32 $0x7000, s25;
	s29 =	sor.u32 s23, s19;
	[tilespmem:s20+$0x380] =	vst v5;
	(pc) =	sbr.rel @!p1 .LBB2_19-.Ltmp10, $4  }
0xfa: {  	s22 =	sor.u32 $0x30, s23;
	s30 =	sor.u32 s24, s19;
	s31 =	sor.u32 s0, s19;
	v7 =	vld [tilespmem:s29+$0x0]  }
0xfb: {  	s1 =	sor.u32 s22, s19;
	s4 =	sor.u32 s22, s5;
	s3 =	sor.u32 s22, s6;
	v4 =	vld [tilespmem:s30+$0x0]  }
0xfc: {  	s28 =	sor.u32 s0, s6;
	s2 =	sor.u32 s0, s5;
	s7 =	sor.u32 s24, s6;
	v5 =	vld [tilespmem:s1+$0x0]  }
0xfd: {  	s10 =	sor.u32 s23, s6;
	s14 =	sor.u32 s24, s5;
	s5 =	sor.u32 s23, s5;
	v6 =	vld [tilespmem:s31+$0x0]  }
0xfe: {  	_ =	sdelay $0x1  }
0xff: {  	s11 =	simm.s32 $0x4;
	s1 =	simm.s32 $0x40;
	vm2 =	veq.s32 v4, $0x0  }
0x100: {  	s13 =	simm.s32 $0x40;
	s6 =	simm.s32 $0x200;
	p3 =	por $0x1, $0x1;
	v4 =	vsel vm2, v0, v1;
	vm3 =	veq.s32 v5, $0x0  }
0x101: {  	p2 =	por $0x1, $0x1;
	s8 =	sand.u32 $0x40, s13;
	s1 =	sand.u32 $0x3FFFFF80, s1;
	[tilespmem:s7+$0x0] =	vst v4;
	v4 =	vsel vm3, v0, v1  }
0x102: {  	s6 =	sand.u32 $0x3FFFFC00, s6;
	s1 =	sadd.s32 $0x1000, s1;
	s9 =	sor.u32 $0x10, s8;
	vm4 =	veq.s32 v6, $0x0;
	v6 =	vsel vm2, v2, v3;
	[tilespmem:s3+$0x0] =	vst v4  }
0x103: {  	s12 =	sadd.s32 $0x7080, s6;
	s16 =	sor.u32 $0x20, s8;
	s17 =	sadd.s32 $0x7000, s6;
	v5 =	vsel vm4, v0, v1;
	[tilespmem:s14+$0x0] =	vst v6  }
.Ltmp11:
0x104: {  	s30 =	sor.u32 $0x30, s8;
	s29 =	sor.u32 s8, s1;
	v4 =	vsel vm4, v2, v3;
	[tilespmem:s28+$0x0] =	vst v5;
	(pc) =	sbr.rel @!p3 .LBB2_21-.Ltmp11, $4  }
0x105: {  	s15 =	sor.u32 s9, s1;
	s18 =	sor.u32 s16, s1;
	s31 =	sor.u32 s30, s1;
	v8 =	vld [tilespmem:s29+$0x0];
	v5 =	vsel vm3, v2, v3;
	vm3 =	veq.s32 v7, $0x0;
	[tilespmem:s2+$0x0] =	vst v4  }
0x106: {  	s1 =	sor.u32 s30, s12;
	s6 =	sor.u32 s9, s12;
	s7 =	sor.u32 s9, s17;
	v4 =	vld [tilespmem:s15+$0x0];
	[tilespmem:s4+$0x0] =	vst v5;
	v7 =	vsel vm3, v0, v1  }
0x107: {  	s3 =	sor.u32 s30, s17;
	s28 =	sor.u32 s16, s17;
	s15 =	sor.u32 s8, s17;
	v5 =	vld [tilespmem:s31+$0x0];
	[tilespmem:s10+$0x0] =	vst v7  }
0x108: {  	v6 =	vld [tilespmem:s18+$0x0];
	s2 =	sor.u32 s16, s12;
	s4 =	sor.u32 s8, s12;
	v9 =	vsel vm3, v2, v3;
	s20 =	rddreg [dreg:$0xb]  }
.LBB2_22:
0x109: {  	s11 =	sadd.s32 $0x4, s11  }
0x10a: {  	[tilespmem:s5+$0x0] =	vst v9;
	v7 =	vmov v8;
	s8 =	smov.u32 s15;
	s5 =	smov.u32 s4;
	s13 =	sadd.s32 $0x40, s13  }
0x10b: {  	s4 =	sshll.u32 s11, $0x4;
	s9 =	sshll.u32 s11, $0x7;
	vm2 =	veq.s32 v4, $0x0;
	p3 =	slt.u32 s11, $0x3C  }
0x10c: {  	s10 =	sand.u32 $0x40, s13;
	s4 =	sand.u32 $0x3FFFFF80, s4;
	s9 =	sand.u32 $0x3FFFFC00, s9;
	v4 =	vsel vm2, v0, v1;
	vm3 =	veq.s32 v5, $0x0  }
0x10d: {  	s14 =	sor.u32 $0x10, s10;
	s4 =	sadd.s32 $0x1000, s4;
	s12 =	sadd.s32 $0x7080, s9;
	[tilespmem:s7+$0x0] =	vst v4;
	vm4 =	veq.s32 v6, $0x0;
	v4 =	vsel vm3, v0, v1;
	v6 =	vsel vm3, v2, v3  }
0x10e: {  	s16 =	sor.u32 $0x20, s10;
	s7 =	sor.u32 s10, s4;
	s15 =	sor.u32 s14, s4;
	v5 =	vsel vm4, v0, v1;
	[tilespmem:s3+$0x0] =	vst v4  }
.Ltmp12:
0x10f: {  	s9 =	sadd.s32 $0x7000, s9;
	s3 =	sor.u32 $0x30, s10;
	v9 =	vsel vm4, v2, v3;
	v8 =	vld [tilespmem:s7+$0x0];
	[tilespmem:s28+$0x0] =	vst v5;
	(pc) =	sbr.rel @p3 .LBB2_22-.Ltmp12, $4  }
0x110: {  	s17 =	sor.u32 s16, s4;
	s4 =	sor.u32 s3, s4;
	s18 =	sor.u32 s3, s12;
	v4 =	vld [tilespmem:s15+$0x0];
	[tilespmem:s2+$0x0] =	vst v9  }
0x111: {  	vm3 =	veq.s32 v7, $0x0;
	v7 =	vsel vm2, v2, v3;
	s7 =	sor.u32 s14, s9;
	s3 =	sor.u32 s3, s9;
	s15 =	sor.u32 s10, s9;
	v5 =	vld [tilespmem:s4+$0x0];
	[tilespmem:s1+$0x0] =	vst v6  }
0x112: {  	v10 =	vsel vm3, v0, v1;
	s28 =	sor.u32 s16, s9;
	s2 =	sor.u32 s16, s12;
	v6 =	vld [tilespmem:s17+$0x0];
	[tilespmem:s6+$0x0] =	vst v7;
	s6 =	sor.u32 s14, s12  }
0x113: {  	v9 =	vsel vm3, v2, v3;
	s4 =	sor.u32 s10, s12;
	s1 =	smov.u32 s18;
	[tilespmem:s8+$0x0] =	vst v10  }
0x114: {  	s11 =	smov.u32 s5;
	s10 =	smov.u32 s15  }
0x115: {  	v7 =	vmov v8;
	s5 =	smov.u32 s4;
	s4 =	smov.u32 s1;
	s14 =	smov.u32 s6  }
.LBB2_24:
0x116: {  	vm2 =	veq.s32 v4, $0x0  }
0x117: {  	[tilespmem:s11+$0x0] =	vst @p2 v9;
	vm3 =	veq.s32 v5, $0x0;
	v4 =	vsel vm2, v0, v1  }
0x118: {  	vm4 =	veq.s32 v6, $0x0;
	[tilespmem:s7+$0x0] =	vst v4;
	v4 =	vsel vm3, v0, v1  }
0x119: {  	v5 =	vsel vm4, v0, v1;
	[tilespmem:s3+$0x0] =	vst v4  }
0x11a: {  	v4 =	vsel vm4, v2, v3;
	[tilespmem:s28+$0x0] =	vst v5  }
0x11b: {  	v5 =	vsel vm3, v2, v3;
	[tilespmem:s2+$0x0] =	vst v4  }
0x11c: {  	vm3 =	veq.s32 v7, $0x0;
	v4 =	vsel vm2, v2, v3;
	[tilespmem:s4+$0x0] =	vst v5  }
0x11d: {  	v5 =	vsel vm3, v0, v1;
	[tilespmem:s14+$0x0] =	vst v4  }
0x11e: {  	s1 =	sadd.s32 $0x1400, s26;
	v4 =	vsel vm3, v2, v3;
	[tilespmem:s10+$0x0] =	vst v5  }
.Ltmp13:
0x11f: {  	s29 =	sadd.s32 $0x7180, s25;
	s26 =	sor.u32 s23, s1;
	[tilespmem:s5+$0x0] =	vst v4;
	(pc) =	sbr.rel @!p1 .LBB2_25-.Ltmp13, $4  }
0x120: {  	s30 =	sor.u32 s24, s1;
	s31 =	sor.u32 s22, s1;
	s1 =	sor.u32 s0, s1;
	v7 =	vld [tilespmem:s26+$0x0]  }
0x121: {  	s6 =	sor.u32 s24, s29;
	s28 =	sadd.s32 $0x7100, s25;
	s4 =	sor.u32 s22, s29;
	v4 =	vld [tilespmem:s30+$0x0]  }
0x122: {  	s2 =	sor.u32 s0, s28;
	s3 =	sor.u32 s22, s28;
	s13 =	sor.u32 s24, s28;
	v5 =	vld [tilespmem:s31+$0x0]  }
0x123: {  	s0 =	sor.u32 s0, s29;
	s10 =	sor.u32 s23, s28;
	s23 =	sor.u32 s23, s29;
	v6 =	vld [tilespmem:s1+$0x0]  }
0x124: {  	_ = 	snop  }
0x125: {  	s5 =	simm.s32 $0x4  }
0x126: {  	s1 =	simm.s32 $0x40;
	s11 =	simm.s32 $0x40;
	s7 =	simm.s32 $0x200;
	vm2 =	veq.s32 v4, $0x0  }
0x127: {  	p1 =	por $0x1, $0x1;
	p0 =	por $0x1, $0x1;
	s1 =	sand.u32 $0x3FFFFF80, s1;
	v4 =	vsel vm2, v0, v1;
	vm3 =	veq.s32 v5, $0x0  }
0x128: {  	s8 =	sand.u32 $0x40, s11;
	s7 =	sand.u32 $0x3FFFFC00, s7;
	s1 =	sadd.s32 $0x1400, s1;
	[tilespmem:s13+$0x0] =	vst v4;
	v4 =	vsel vm3, v0, v1  }
0x129: {  	s9 =	sor.u32 $0x10, s8;
	s12 =	sadd.s32 $0x7180, s7;
	s16 =	sor.u32 $0x20, s8;
	vm4 =	veq.s32 v6, $0x0;
	v6 =	vsel vm2, v2, v3;
	[tilespmem:s3+$0x0] =	vst v4  }
.Ltmp14:
0x12a: {  	s17 =	sadd.s32 $0x7100, s7;
	s28 =	sor.u32 s8, s1;
	v5 =	vsel vm4, v0, v1;
	[tilespmem:s6+$0x0] =	vst v6;
	(pc) =	sbr.rel @!p1 .LBB2_27-.Ltmp14, $4  }
0x12b: {  	s29 =	sor.u32 $0x30, s8;
	s15 =	sor.u32 s9, s1;
	s7 =	sor.u32 s8, s17;
	v8 =	vld [tilespmem:s28+$0x0];
	v4 =	vsel vm4, v2, v3;
	[tilespmem:s2+$0x0] =	vst v5  }
0x12c: {  	s30 =	sor.u32 s29, s1;
	s14 =	sor.u32 s29, s12;
	s31 =	sor.u32 s16, s1;
	v5 =	vsel vm3, v2, v3;
	vm3 =	veq.s32 v7, $0x0;
	[tilespmem:s0+$0x0] =	vst v4;
	v4 =	vld [tilespmem:s15+$0x0]  }
0x12d: {  	s1 =	sor.u32 s9, s12;
	s13 =	sor.u32 s9, s17;
	s3 =	sor.u32 s29, s17;
	[tilespmem:s4+$0x0] =	vst v5;
	v5 =	vld [tilespmem:s30+$0x0];
	v7 =	vsel vm3, v0, v1  }
0x12e: {  	v6 =	vld [tilespmem:s31+$0x0];
	s6 =	sor.u32 s8, s12;
	s2 =	sor.u32 s16, s17;
	s0 =	sor.u32 s16, s12;
	v9 =	vsel vm3, v2, v3;
	[tilespmem:s10+$0x0] =	vst v7  }
.LBB2_28:
0x12f: {  	s5 =	sadd.s32 $0x4, s5  }
0x130: {  	[tilespmem:s23+$0x0] =	vst v9;
	v7 =	vmov v8;
	s4 =	smov.u32 s14;
	s23 =	smov.u32 s6;
	s11 =	sadd.s32 $0x40, s11  }
0x131: {  	s6 =	sshll.u32 s5, $0x4;
	s8 =	sshll.u32 s5, $0x7;
	vm2 =	veq.s32 v4, $0x0;
	p1 =	slt.u32 s5, $0x3C  }
0x132: {  	s9 =	sand.u32 $0x40, s11;
	s6 =	sand.u32 $0x3FFFFF80, s6;
	s8 =	sand.u32 $0x3FFFFC00, s8;
	v4 =	vsel vm2, v0, v1;
	vm3 =	veq.s32 v5, $0x0  }
0x133: {  	s12 =	sor.u32 $0x10, s9;
	s6 =	sadd.s32 $0x1400, s6;
	s10 =	sadd.s32 $0x7180, s8;
	[tilespmem:s13+$0x0] =	vst v4;
	vm4 =	veq.s32 v6, $0x0;
	v4 =	vsel vm3, v0, v1  }
0x134: {  	s15 =	sor.u32 $0x20, s9;
	v6 =	vsel vm3, v2, v3;
	s13 =	sor.u32 s9, s6;
	s14 =	sor.u32 s12, s6;
	v5 =	vsel vm4, v0, v1;
	[tilespmem:s3+$0x0] =	vst v4  }
.Ltmp15:
0x135: {  	s8 =	sadd.s32 $0x7100, s8;
	s3 =	sor.u32 $0x30, s9;
	v9 =	vsel vm4, v2, v3;
	v8 =	vld [tilespmem:s13+$0x0];
	[tilespmem:s2+$0x0] =	vst v5;
	(pc) =	sbr.rel @p1 .LBB2_28-.Ltmp15, $4  }
0x136: {  	s16 =	sor.u32 s9, s8;
	s13 =	sor.u32 s3, s6;
	v4 =	vld [tilespmem:s14+$0x0];
	s14 =	sor.u32 s3, s10;
	[tilespmem:s0+$0x0] =	vst v9  }
0x137: {  	vm3 =	veq.s32 v7, $0x0;
	v7 =	vsel vm2, v2, v3;
	s2 =	sor.u32 s15, s8;
	s0 =	sor.u32 s15, s6;
	s3 =	sor.u32 s3, s8;
	v5 =	vld [tilespmem:s13+$0x0];
	[tilespmem:s4+$0x0] =	vst v6  }
0x138: {  	v10 =	vsel vm3, v0, v1;
	s13 =	sor.u32 s12, s8;
	v6 =	vld [tilespmem:s0+$0x0];
	s0 =	sor.u32 s15, s10;
	[tilespmem:s1+$0x0] =	vst v7;
	s1 =	sor.u32 s12, s10  }
0x139: {  	s6 =	sor.u32 s9, s10;
	v9 =	vsel vm3, v2, v3;
	[tilespmem:s7+$0x0] =	vst v10;
	s7 =	smov.u32 s16  }
0x13a: {  	s5 =	smov.u32 s23;
	s4 =	smov.u32 s14  }
0x13b: {  	v7 =	vmov v8;
	s23 =	smov.u32 s6;
	s6 =	smov.u32 s1;
	s10 =	smov.u32 s7  }
.LBB2_30:
0x13c: {  	vm2 =	veq.s32 v4, $0x0  }
0x13d: {  	[tilespmem:s5+$0x0] =	vst @p0 v9;
	vm3 =	veq.s32 v5, $0x0;
	v4 =	vsel vm2, v0, v1  }
0x13e: {  	vm4 =	veq.s32 v6, $0x0;
	[tilespmem:s13+$0x0] =	vst v4;
	v4 =	vsel vm3, v0, v1  }
0x13f: {  	v5 =	vsel vm4, v0, v1;
	[tilespmem:s3+$0x0] =	vst v4  }
0x140: {  	v4 =	vsel vm4, v2, v3;
	[tilespmem:s2+$0x0] =	vst v5  }
0x141: {  	v5 =	vsel vm3, v2, v3;
	[tilespmem:s0+$0x0] =	vst v4  }
0x142: {  	s9 =	simm.s32 $0x0;
	s1 =	simm.s32 $0x0;
	vm3 =	veq.s32 v7, $0x0;
	v4 =	vsel vm2, v2, v3;
	[tilespmem:s4+$0x0] =	vst v5  }
0x143: {  	s5 =	sand.u32 $0x3FFFFF80, s1;
	v5 =	vsel vm3, v0, v1;
	s0 =	sand.u32 $0x40, s9;
	[tilespmem:s6+$0x0] =	vst v4  }
0x144: {  	s1 =	sadd.s32 $0x1800, s5;
	v4 =	vsel vm3, v2, v3;
	[tilespmem:s10+$0x0] =	vst v5;
	s22 =	sor.u32 $0x10, s0  }
0x145: {  	s24 =	sor.u32 $0x30, s0;
	[tilespmem:s23+$0x0] =	vst v4;
	s11 =	sor.u32 s22, s1  }
0x146: {  	s23 =	sor.u32 $0x20, s0;
	s13 =	sor.u32 s24, s1;
	v4 =	vld [tilespmem:s11+$0x0]  }
0x147: {  	s12 =	simm.s32 $0x0;
	s18 =	simm.s32 $0x40;
	s14 =	sor.u32 s23, s1;
	v5 =	vld [tilespmem:s13+$0x0]  }
0x148: {  	s19 =	simm.s32 $0x200;
	s7 =	simm.s32 $0x40;
	s25 =	sand.u32 $0x3FFFFC00, s12;
	v6 =	vld [tilespmem:s14+$0x0]  }
0x149: {  	s15 =	sadd.s32 $0x7280, s25;
	s16 =	sadd.s32 $0x7200, s25;
	s1 =	sor.u32 s0, s1  }
0x14a: {  	s3 =	simm.s32 $0x4;
	s8 =	sor.u32 s0, s16;
	s2 =	sor.u32 s0, s15;
	v7 =	vld [tilespmem:s1+$0x0]  }
0x14b: {  	s6 =	sor.u32 s24, s15;
	s9 =	sor.u32 s22, s16;
	s17 =	sor.u32 s24, s16;
	vm2 =	veq.s32 v4, $0x0  }
0x14c: {  	s11 =	sor.u32 s22, s15;
	s4 =	sor.u32 s23, s16;
	s12 =	sor.u32 s23, s15;
	vm3 =	veq.s32 v5, $0x0;
	v4 =	vsel vm2, v0, v1  }
0x14d: {  	s15 =	sand.u32 $0x40, s7;
	s13 =	sand.u32 $0x3FFFFC00, s19;
	s1 =	sand.u32 $0x3FFFFF80, s18;
	vm15 =	veq.s32 v6, $0x0;
	[tilespmem:s9+$0x0] =	vst v4;
	v4 =	vsel vm3, v0, v1  }
0x14e: {  	s26 =	sadd.s32 $0x7280, s13;
	s16 =	sor.u32 $0x10, s15;
	s1 =	sadd.s32 $0x1800, s1;
	v5 =	vsel vm15, v0, v1;
	[tilespmem:s17+$0x0] =	vst v4  }
0x14f: {  	s29 =	sadd.s32 $0x7200, s13;
	s30 =	sor.u32 $0x30, s15;
	s28 =	sor.u32 s15, s1;
	v8 =	vsel vm3, v2, v3;
	vm3 =	veq.s32 v7, $0x0;
	v7 =	vsel vm2, v2, v3;
	[tilespmem:s4+$0x0] =	vst v5  }
0x150: {  	s13 =	sor.u32 s15, s29;
	s10 =	sor.u32 s16, s26;
	s14 =	sor.u32 s16, s1;
	v6 =	vsel vm15, v2, v3;
	v4 =	vld [tilespmem:s28+$0x0];
	[tilespmem:s11+$0x0] =	vst v7  }
0x151: {  	s31 =	sor.u32 s30, s1;
	s17 =	sor.u32 $0x20, s15;
	v5 =	vld [tilespmem:s14+$0x0];
	s14 =	sor.u32 s16, s29;
	[tilespmem:s12+$0x0] =	vst v6  }
0x152: {  	v9 =	vsel vm3, v0, v1;
	s15 =	sor.u32 s15, s26;
	s18 =	sor.u32 s17, s1;
	s1 =	sor.u32 s30, s26;
	[tilespmem:s6+$0x0] =	vst v8;
	v6 =	vld [tilespmem:s31+$0x0]  }
0x153: {  	s6 =	sor.u32 s30, s29;
	s11 =	sor.u32 s17, s29;
	s4 =	sor.u32 s17, s26;
	v8 =	vsel vm3, v2, v3;
	[tilespmem:s8+$0x0] =	vst v9;
	v7 =	vld [tilespmem:s18+$0x0]  }
.LBB2_31:
0x154: {  	s3 =	sadd.s32 $0x4, s3  }
0x155: {  	[tilespmem:s2+$0x0] =	vst v8;
	v8 =	vmov v4;
	s8 =	smov.u32 s13;
	s2 =	smov.u32 s15;
	s7 =	sadd.s32 $0x40, s7  }
0x156: {  	s9 =	sshll.u32 s3, $0x4;
	s12 =	sshll.u32 s3, $0x7;
	vm2 =	veq.s32 v5, $0x0;
	p0 =	slt.u32 s3, $0x3C  }
0x157: {  	s15 =	sand.u32 $0x40, s7;
	s9 =	sand.u32 $0x3FFFFF80, s9;
	s12 =	sand.u32 $0x3FFFFC00, s12;
	v4 =	vsel vm2, v0, v1;
	vm3 =	veq.s32 v6, $0x0  }
0x158: {  	s17 =	sor.u32 $0x10, s15;
	s9 =	sadd.s32 $0x1800, s9;
	s16 =	sadd.s32 $0x7280, s12;
	[tilespmem:s14+$0x0] =	vst v4;
	vm4 =	veq.s32 v7, $0x0;
	v4 =	vsel vm3, v0, v1;
	v7 =	vsel vm3, v2, v3  }
0x159: {  	s18 =	sor.u32 $0x20, s15;
	s13 =	sor.u32 s15, s9;
	s14 =	sor.u32 s17, s9;
	v5 =	vsel vm4, v0, v1;
	[tilespmem:s6+$0x0] =	vst v4  }
.Ltmp16:
0x15a: {  	s12 =	sadd.s32 $0x7200, s12;
	s6 =	sor.u32 $0x30, s15;
	v6 =	vsel vm4, v2, v3;
	v4 =	vld [tilespmem:s13+$0x0];
	[tilespmem:s11+$0x0] =	vst v5;
	(pc) =	sbr.rel @p0 .LBB2_31-.Ltmp16, $4  }
0x15b: {  	s11 =	sor.u32 s18, s9;
	s9 =	sor.u32 s6, s9;
	s19 =	sor.u32 s6, s16;
	v5 =	vld [tilespmem:s14+$0x0];
	[tilespmem:s4+$0x0] =	vst v6  }
0x15c: {  	vm3 =	veq.s32 v8, $0x0;
	v8 =	vsel vm2, v2, v3;
	s13 =	sor.u32 s15, s12;
	s6 =	sor.u32 s6, s12;
	s14 =	sor.u32 s17, s12;
	v6 =	vld [tilespmem:s9+$0x0];
	[tilespmem:s1+$0x0] =	vst v7  }
0x15d: {  	v9 =	vsel vm3, v0, v1;
	s4 =	sor.u32 s18, s16;
	v7 =	vld [tilespmem:s11+$0x0];
	s11 =	sor.u32 s18, s12;
	[tilespmem:s10+$0x0] =	vst v8;
	s10 =	sor.u32 s17, s16  }
0x15e: {  	s15 =	sor.u32 s15, s16;
	s1 =	smov.u32 s19;
	v8 =	vsel vm3, v2, v3;
	[tilespmem:s8+$0x0] =	vst v9  }
0x15f: {  	_ = 	snop  }
0x160: {  	vm2 =	veq.s32 v5, $0x0  }
0x161: {  	[tilespmem:s2+$0x0] =	vst v8;
	v5 =	vsel vm2, v0, v1;
	vm3 =	veq.s32 v6, $0x0  }
0x162: {  	[tilespmem:s14+$0x0] =	vst v5;
	vm4 =	veq.s32 v7, $0x0;
	v5 =	vsel vm3, v0, v1  }
0x163: {  	v6 =	vsel vm4, v0, v1;
	[tilespmem:s6+$0x0] =	vst v5  }
0x164: {  	v5 =	vsel vm4, v2, v3;
	[tilespmem:s11+$0x0] =	vst v6  }
0x165: {  	v6 =	vsel vm3, v2, v3;
	[tilespmem:s4+$0x0] =	vst v5  }
0x166: {  	vm3 =	veq.s32 v4, $0x0;
	v4 =	vsel vm2, v2, v3;
	[tilespmem:s1+$0x0] =	vst v6  }
0x167: {  	v5 =	vsel vm3, v0, v1;
	[tilespmem:s10+$0x0] =	vst v4  }
0x168: {  	s12 =	sadd.s32 $0x1C00, s5;
	v4 =	vsel vm3, v2, v3;
	[tilespmem:s13+$0x0] =	vst v5  }
0x169: {  	s13 =	sor.u32 s22, s12;
	[tilespmem:s15+$0x0] =	vst v4  }
0x16a: {  	s3 =	sor.u32 s23, s12;
	v4 =	vld [tilespmem:s13+$0x0]  }
0x16b: {  	s14 =	sor.u32 s24, s12;
	v6 =	vld [tilespmem:s3+$0x0]  }
0x16c: {  	s16 =	sadd.s32 $0x7300, s25;
	s2 =	simm.s32 $0x4;
	s5 =	simm.s32 $0x40;
	v5 =	vld [tilespmem:s14+$0x0]  }
0x16d: {  	s8 =	sor.u32 s0, s16;
	s18 =	sor.u32 s23, s16;
	s7 =	sor.u32 s24, s16  }
0x16e: {  	s1 =	sor.u32 s0, s12;
	s4 =	sor.u32 s22, s16;
	s12 =	sand.u32 $0x40, s5  }
0x16f: {  	s15 =	sadd.s32 $0x7380, s25;
	s25 =	sor.u32 $0x10, s12;
	s29 =	sor.u32 $0x20, s12;
	v7 =	vld [tilespmem:s1+$0x0];
	vm2 =	veq.s32 v4, $0x0  }
0x170: {  	s30 =	sor.u32 $0x30, s12;
	s9 =	sor.u32 s22, s15;
	s22 =	simm.s32 $0x40;
	vm15 =	veq.s32 v6, $0x0;
	v4 =	vsel vm2, v0, v1  }
0x171: {  	s19 =	sor.u32 s23, s15;
	s23 =	simm.s32 $0x200;
	s1 =	sand.u32 $0x3FFFFF80, s22;
	vm3 =	veq.s32 v5, $0x0;
	v5 =	vsel vm15, v0, v1;
	[tilespmem:s4+$0x0] =	vst v4  }
0x172: {  	s17 =	sor.u32 s24, s15;
	s11 =	sand.u32 $0x3FFFFC00, s23;
	s1 =	sadd.s32 $0x1C00, s1;
	v4 =	vsel vm3, v0, v1;
	[tilespmem:s18+$0x0] =	vst v5  }
0x173: {  	s24 =	sadd.s32 $0x7380, s11;
	s11 =	sadd.s32 $0x7300, s11;
	s26 =	sor.u32 s12, s1;
	v6 =	vsel vm15, v2, v3;
	[tilespmem:s7+$0x0] =	vst v4  }
0x174: {  	s0 =	sor.u32 s0, s15;
	s28 =	sor.u32 s25, s1;
	s3 =	sor.u32 s12, s11;
	v8 =	vsel vm3, v2, v3;
	vm3 =	veq.s32 v7, $0x0;
	v7 =	vsel vm2, v2, v3;
	v4 =	vld [tilespmem:s26+$0x0];
	[tilespmem:s19+$0x0] =	vst v6  }
0x175: {  	s31 =	sor.u32 s30, s1;
	s10 =	sor.u32 s30, s24;
	s16 =	sor.u32 s29, s1;
	v5 =	vld [tilespmem:s28+$0x0];
	[tilespmem:s9+$0x0] =	vst v7  }
0x176: {  	s1 =	sor.u32 s29, s11;
	s6 =	sor.u32 s30, s11;
	s11 =	sor.u32 s25, s11;
	v6 =	vld [tilespmem:s31+$0x0];
	v9 =	vsel vm3, v0, v1;
	[tilespmem:s17+$0x0] =	vst v8  }
0x177: {  	s13 =	sor.u32 s12, s24;
	s4 =	sor.u32 s29, s24;
	s7 =	sor.u32 s25, s24;
	v7 =	vld [tilespmem:s16+$0x0];
	v8 =	vsel vm3, v2, v3;
	[tilespmem:s8+$0x0] =	vst v9  }
.LBB2_33:
0x178: {  	s2 =	sadd.s32 $0x4, s2  }
0x179: {  	[tilespmem:s0+$0x0] =	vst v8;
	v8 =	vmov v4;
	s8 =	smov.u32 s10;
	s0 =	smov.u32 s13;
	s5 =	sadd.s32 $0x40, s5  }
0x17a: {  	s9 =	sshll.u32 s2, $0x4;
	s10 =	sshll.u32 s2, $0x7;
	vm2 =	veq.s32 v5, $0x0;
	p0 =	slt.u32 s2, $0x3C  }
0x17b: {  	s12 =	sand.u32 $0x40, s5;
	s9 =	sand.u32 $0x3FFFFF80, s9;
	s10 =	sand.u32 $0x3FFFFC00, s10;
	v4 =	vsel vm2, v0, v1;
	vm3 =	veq.s32 v6, $0x0  }
0x17c: {  	s14 =	sor.u32 $0x10, s12;
	s9 =	sadd.s32 $0x1C00, s9;
	s13 =	sadd.s32 $0x7380, s10;
	[tilespmem:s11+$0x0] =	vst v4;
	vm4 =	veq.s32 v7, $0x0;
	v4 =	vsel vm3, v0, v1  }
0x17d: {  	s16 =	sor.u32 $0x20, s12;
	v7 =	vsel vm3, v2, v3;
	s11 =	sor.u32 s12, s9;
	s15 =	sor.u32 s14, s9;
	v5 =	vsel vm4, v0, v1;
	[tilespmem:s6+$0x0] =	vst v4  }
.Ltmp17:
0x17e: {  	s6 =	sor.u32 $0x30, s12;
	v6 =	vsel vm4, v2, v3;
	v4 =	vld [tilespmem:s11+$0x0];
	s11 =	sadd.s32 $0x7300, s10;
	[tilespmem:s1+$0x0] =	vst v5;
	(pc) =	sbr.rel @p0 .LBB2_33-.Ltmp17, $4  }
0x17f: {  	s10 =	sor.u32 s6, s13;
	s17 =	sor.u32 s12, s11;
	v5 =	vld [tilespmem:s15+$0x0];
	s15 =	sor.u32 s6, s9;
	[tilespmem:s4+$0x0] =	vst v6  }
0x180: {  	vm3 =	veq.s32 v8, $0x0;
	v8 =	vsel vm2, v2, v3;
	s4 =	sor.u32 s16, s9;
	s1 =	sor.u32 s16, s11;
	s6 =	sor.u32 s6, s11;
	v6 =	vld [tilespmem:s15+$0x0];
	[tilespmem:s8+$0x0] =	vst v7  }
0x181: {  	v9 =	vsel vm3, v0, v1;
	s11 =	sor.u32 s14, s11;
	v7 =	vld [tilespmem:s4+$0x0];
	s4 =	sor.u32 s16, s13;
	[tilespmem:s7+$0x0] =	vst v8;
	s7 =	sor.u32 s14, s13  }
0x182: {  	s13 =	sor.u32 s12, s13;
	v8 =	vsel vm3, v2, v3;
	[tilespmem:s3+$0x0] =	vst v9;
	s3 =	smov.u32 s17  }
0x183: {  	_ = 	snop  }
0x184: {  	vm2 =	veq.s32 v5, $0x0  }
0x185: {  	[tilespmem:s0+$0x0] =	vst v8;
	v5 =	vsel vm2, v0, v1;
	vm3 =	veq.s32 v6, $0x0  }
0x186: {  	[tilespmem:s11+$0x0] =	vst v5;
	vm4 =	veq.s32 v7, $0x0;
	v5 =	vsel vm3, v0, v1  }
0x187: {  	v6 =	vsel vm4, v0, v1;
	[tilespmem:s6+$0x0] =	vst v5  }
0x188: {  	v5 =	vsel vm4, v2, v3;
	[tilespmem:s1+$0x0] =	vst v6  }
0x189: {  	v6 =	vsel vm3, v2, v3;
	[tilespmem:s4+$0x0] =	vst v5  }
0x18a: {  	s11 =	simm.s32 $0x0;
	vm3 =	veq.s32 v4, $0x0;
	v4 =	vsel vm2, v2, v3;
	[tilespmem:s10+$0x0] =	vst v6;
	s10 =	simm.s32 $0x0  }
0x18b: {  	s5 =	sand.u32 $0x3FFFFF80, s11;
	v5 =	vsel vm3, v0, v1;
	[tilespmem:s7+$0x0] =	vst v4;
	s0 =	sand.u32 $0x40, s10  }
0x18c: {  	s1 =	sadd.s32 $0x2000, s5;
	v4 =	vsel vm3, v2, v3;
	[tilespmem:s3+$0x0] =	vst v5;
	s22 =	sor.u32 $0x10, s0  }
0x18d: {  	[tilespmem:s13+$0x0] =	vst v4;
	s23 =	sor.u32 $0x20, s0;
	s2 =	sor.u32 s22, s1  }
0x18e: {  	s12 =	simm.s32 $0x0;
	s24 =	sor.u32 $0x30, s0;
	s14 =	sor.u32 s23, s1;
	v4 =	vld [tilespmem:s2+$0x0]  }
0x18f: {  	s25 =	sand.u32 $0x3FFFFC00, s12;
	s13 =	sor.u32 s24, s1;
	v6 =	vld [tilespmem:s14+$0x0]  }
0x190: {  	s18 =	simm.s32 $0x40;
	s19 =	simm.s32 $0x200;
	s15 =	sadd.s32 $0x9080, s25;
	v5 =	vld [tilespmem:s13+$0x0]  }
0x191: {  	s16 =	sadd.s32 $0x9000, s25;
	s7 =	simm.s32 $0x40;
	s3 =	simm.s32 $0x4  }
0x192: {  	s8 =	sor.u32 s0, s16;
	s1 =	sor.u32 s0, s1;
	s6 =	sor.u32 s24, s15  }
0x193: {  	s9 =	sor.u32 s22, s16;
	s17 =	sor.u32 s24, s16;
	s11 =	sor.u32 s22, s15;
	v7 =	vld [tilespmem:s1+$0x0];
	vm2 =	veq.s32 v4, $0x0  }
0x194: {  	s4 =	sor.u32 s23, s16;
	s12 =	sor.u32 s23, s15;
	s2 =	sor.u32 s0, s15;
	vm15 =	veq.s32 v6, $0x0;
	v4 =	vsel vm2, v0, v1  }
0x195: {  	s15 =	sand.u32 $0x40, s7;
	s1 =	sand.u32 $0x3FFFFF80, s18;
	s13 =	sand.u32 $0x3FFFFC00, s19;
	vm3 =	veq.s32 v5, $0x0;
	v5 =	vsel vm15, v0, v1;
	[tilespmem:s9+$0x0] =	vst v4  }
0x196: {  	s1 =	sadd.s32 $0x2000, s1;
	s26 =	sadd.s32 $0x9080, s13;
	s16 =	sor.u32 $0x10, s15;
	v4 =	vsel vm3, v0, v1;
	[tilespmem:s4+$0x0] =	vst v5  }
0x197: {  	s29 =	sadd.s32 $0x9000, s13;
	s30 =	sor.u32 $0x30, s15;
	s28 =	sor.u32 s15, s1;
	v6 =	vsel vm15, v2, v3;
	[tilespmem:s17+$0x0] =	vst v4  }
0x198: {  	s14 =	sor.u32 s16, s1;
	s31 =	sor.u32 s30, s1;
	s13 =	sor.u32 s15, s29;
	v8 =	vsel vm3, v2, v3;
	vm3 =	veq.s32 v7, $0x0;
	v7 =	vsel vm2, v2, v3;
	v4 =	vld [tilespmem:s28+$0x0];
	[tilespmem:s12+$0x0] =	vst v6  }
0x199: {  	s10 =	sor.u32 s16, s26;
	v5 =	vld [tilespmem:s14+$0x0];
	s14 =	sor.u32 s16, s29;
	s17 =	sor.u32 $0x20, s15;
	[tilespmem:s11+$0x0] =	vst v7  }
0x19a: {  	v6 =	vld [tilespmem:s31+$0x0];
	v9 =	vsel vm3, v0, v1;
	s15 =	sor.u32 s15, s26;
	s18 =	sor.u32 s17, s1;
	s1 =	sor.u32 s30, s26;
	[tilespmem:s6+$0x0] =	vst v8  }
0x19b: {  	s6 =	sor.u32 s30, s29;
	s11 =	sor.u32 s17, s29;
	s4 =	sor.u32 s17, s26;
	v8 =	vsel vm3, v2, v3;
	[tilespmem:s8+$0x0] =	vst v9;
	v7 =	vld [tilespmem:s18+$0x0]  }
.LBB2_35:
0x19c: {  	s3 =	sadd.s32 $0x4, s3  }
0x19d: {  	[tilespmem:s2+$0x0] =	vst v8;
	v8 =	vmov v4;
	s8 =	smov.u32 s13;
	s2 =	smov.u32 s15;
	s7 =	sadd.s32 $0x40, s7  }
0x19e: {  	s9 =	sshll.u32 s3, $0x4;
	s12 =	sshll.u32 s3, $0x7;
	vm2 =	veq.s32 v5, $0x0;
	p0 =	slt.u32 s3, $0x3C  }
0x19f: {  	s15 =	sand.u32 $0x40, s7;
	s9 =	sand.u32 $0x3FFFFF80, s9;
	s12 =	sand.u32 $0x3FFFFC00, s12;
	v4 =	vsel vm2, v0, v1;
	vm3 =	veq.s32 v6, $0x0  }
0x1a0: {  	s17 =	sor.u32 $0x10, s15;
	s9 =	sadd.s32 $0x2000, s9;
	s16 =	sadd.s32 $0x9080, s12;
	[tilespmem:s14+$0x0] =	vst v4;
	vm4 =	veq.s32 v7, $0x0;
	v4 =	vsel vm3, v0, v1;
	v7 =	vsel vm3, v2, v3  }
0x1a1: {  	s18 =	sor.u32 $0x20, s15;
	s13 =	sor.u32 s15, s9;
	s14 =	sor.u32 s17, s9;
	v5 =	vsel vm4, v0, v1;
	[tilespmem:s6+$0x0] =	vst v4  }
.Ltmp18:
0x1a2: {  	s12 =	sadd.s32 $0x9000, s12;
	s6 =	sor.u32 $0x30, s15;
	v6 =	vsel vm4, v2, v3;
	v4 =	vld [tilespmem:s13+$0x0];
	[tilespmem:s11+$0x0] =	vst v5;
	(pc) =	sbr.rel @p0 .LBB2_35-.Ltmp18, $4  }
0x1a3: {  	s11 =	sor.u32 s18, s9;
	s9 =	sor.u32 s6, s9;
	s19 =	sor.u32 s6, s16;
	v5 =	vld [tilespmem:s14+$0x0];
	[tilespmem:s4+$0x0] =	vst v6  }
0x1a4: {  	vm3 =	veq.s32 v8, $0x0;
	v8 =	vsel vm2, v2, v3;
	s13 =	sor.u32 s15, s12;
	s6 =	sor.u32 s6, s12;
	s14 =	sor.u32 s17, s12;
	v6 =	vld [tilespmem:s9+$0x0];
	[tilespmem:s1+$0x0] =	vst v7  }
0x1a5: {  	v9 =	vsel vm3, v0, v1;
	s4 =	sor.u32 s18, s16;
	v7 =	vld [tilespmem:s11+$0x0];
	s11 =	sor.u32 s18, s12;
	[tilespmem:s10+$0x0] =	vst v8;
	s10 =	sor.u32 s17, s16  }
0x1a6: {  	s15 =	sor.u32 s15, s16;
	s1 =	smov.u32 s19;
	v8 =	vsel vm3, v2, v3;
	[tilespmem:s8+$0x0] =	vst v9  }
0x1a7: {  	_ = 	snop  }
0x1a8: {  	vm2 =	veq.s32 v5, $0x0  }
0x1a9: {  	[tilespmem:s2+$0x0] =	vst v8;
	v5 =	vsel vm2, v0, v1;
	vm3 =	veq.s32 v6, $0x0  }
0x1aa: {  	[tilespmem:s14+$0x0] =	vst v5;
	vm4 =	veq.s32 v7, $0x0;
	v5 =	vsel vm3, v0, v1  }
0x1ab: {  	v6 =	vsel vm4, v0, v1;
	[tilespmem:s6+$0x0] =	vst v5  }
0x1ac: {  	v5 =	vsel vm4, v2, v3;
	[tilespmem:s11+$0x0] =	vst v6  }
0x1ad: {  	v6 =	vsel vm3, v2, v3;
	[tilespmem:s4+$0x0] =	vst v5  }
0x1ae: {  	vm3 =	veq.s32 v4, $0x0;
	v4 =	vsel vm2, v2, v3;
	[tilespmem:s1+$0x0] =	vst v6  }
0x1af: {  	v5 =	vsel vm3, v0, v1;
	[tilespmem:s10+$0x0] =	vst v4  }
0x1b0: {  	s12 =	sadd.s32 $0x2400, s5;
	v4 =	vsel vm3, v2, v3;
	[tilespmem:s13+$0x0] =	vst v5  }
0x1b1: {  	s13 =	sor.u32 s22, s12;
	[tilespmem:s15+$0x0] =	vst v4  }
0x1b2: {  	s3 =	sor.u32 s23, s12;
	v4 =	vld [tilespmem:s13+$0x0]  }
0x1b3: {  	s14 =	sor.u32 s24, s12;
	v6 =	vld [tilespmem:s3+$0x0]  }
0x1b4: {  	s16 =	sadd.s32 $0x9100, s25;
	s2 =	simm.s32 $0x4;
	s5 =	simm.s32 $0x40;
	v5 =	vld [tilespmem:s14+$0x0]  }
0x1b5: {  	s8 =	sor.u32 s0, s16;
	s18 =	sor.u32 s23, s16;
	s7 =	sor.u32 s24, s16  }
0x1b6: {  	s1 =	sor.u32 s0, s12;
	s4 =	sor.u32 s22, s16;
	s12 =	sand.u32 $0x40, s5  }
0x1b7: {  	s15 =	sadd.s32 $0x9180, s25;
	s25 =	sor.u32 $0x10, s12;
	s29 =	sor.u32 $0x20, s12;
	v7 =	vld [tilespmem:s1+$0x0];
	vm2 =	veq.s32 v4, $0x0  }
0x1b8: {  	s30 =	sor.u32 $0x30, s12;
	s9 =	sor.u32 s22, s15;
	s22 =	simm.s32 $0x40;
	vm15 =	veq.s32 v6, $0x0;
	v4 =	vsel vm2, v0, v1  }
0x1b9: {  	s19 =	sor.u32 s23, s15;
	s23 =	simm.s32 $0x200;
	s1 =	sand.u32 $0x3FFFFF80, s22;
	vm3 =	veq.s32 v5, $0x0;
	v5 =	vsel vm15, v0, v1;
	[tilespmem:s4+$0x0] =	vst v4  }
0x1ba: {  	s17 =	sor.u32 s24, s15;
	s11 =	sand.u32 $0x3FFFFC00, s23;
	s1 =	sadd.s32 $0x2400, s1;
	v4 =	vsel vm3, v0, v1;
	[tilespmem:s18+$0x0] =	vst v5  }
0x1bb: {  	s24 =	sadd.s32 $0x9180, s11;
	s11 =	sadd.s32 $0x9100, s11;
	s26 =	sor.u32 s12, s1;
	v6 =	vsel vm15, v2, v3;
	[tilespmem:s7+$0x0] =	vst v4  }
0x1bc: {  	s0 =	sor.u32 s0, s15;
	s28 =	sor.u32 s25, s1;
	s3 =	sor.u32 s12, s11;
	v8 =	vsel vm3, v2, v3;
	vm3 =	veq.s32 v7, $0x0;
	v7 =	vsel vm2, v2, v3;
	v4 =	vld [tilespmem:s26+$0x0];
	[tilespmem:s19+$0x0] =	vst v6  }
0x1bd: {  	s31 =	sor.u32 s30, s1;
	s10 =	sor.u32 s30, s24;
	s16 =	sor.u32 s29, s1;
	v5 =	vld [tilespmem:s28+$0x0];
	[tilespmem:s9+$0x0] =	vst v7  }
0x1be: {  	s1 =	sor.u32 s29, s11;
	s6 =	sor.u32 s30, s11;
	s11 =	sor.u32 s25, s11;
	v6 =	vld [tilespmem:s31+$0x0];
	v9 =	vsel vm3, v0, v1;
	[tilespmem:s17+$0x0] =	vst v8  }
0x1bf: {  	s13 =	sor.u32 s12, s24;
	s4 =	sor.u32 s29, s24;
	s7 =	sor.u32 s25, s24;
	v7 =	vld [tilespmem:s16+$0x0];
	v8 =	vsel vm3, v2, v3;
	[tilespmem:s8+$0x0] =	vst v9  }
.LBB2_37:
0x1c0: {  	s2 =	sadd.s32 $0x4, s2  }
0x1c1: {  	[tilespmem:s0+$0x0] =	vst v8;
	v8 =	vmov v4;
	s8 =	smov.u32 s10;
	s0 =	smov.u32 s13;
	s5 =	sadd.s32 $0x40, s5  }
0x1c2: {  	s9 =	sshll.u32 s2, $0x4;
	s10 =	sshll.u32 s2, $0x7;
	vm2 =	veq.s32 v5, $0x0;
	p0 =	slt.u32 s2, $0x3C  }
0x1c3: {  	s12 =	sand.u32 $0x40, s5;
	s9 =	sand.u32 $0x3FFFFF80, s9;
	s10 =	sand.u32 $0x3FFFFC00, s10;
	v4 =	vsel vm2, v0, v1;
	vm3 =	veq.s32 v6, $0x0  }
0x1c4: {  	s14 =	sor.u32 $0x10, s12;
	s9 =	sadd.s32 $0x2400, s9;
	s13 =	sadd.s32 $0x9180, s10;
	[tilespmem:s11+$0x0] =	vst v4;
	vm4 =	veq.s32 v7, $0x0;
	v4 =	vsel vm3, v0, v1  }
0x1c5: {  	s16 =	sor.u32 $0x20, s12;
	v7 =	vsel vm3, v2, v3;
	s11 =	sor.u32 s12, s9;
	s15 =	sor.u32 s14, s9;
	v5 =	vsel vm4, v0, v1;
	[tilespmem:s6+$0x0] =	vst v4  }
.Ltmp19:
0x1c6: {  	s6 =	sor.u32 $0x30, s12;
	v6 =	vsel vm4, v2, v3;
	v4 =	vld [tilespmem:s11+$0x0];
	s11 =	sadd.s32 $0x9100, s10;
	[tilespmem:s1+$0x0] =	vst v5;
	(pc) =	sbr.rel @p0 .LBB2_37-.Ltmp19, $4  }
0x1c7: {  	s10 =	sor.u32 s6, s13;
	s17 =	sor.u32 s12, s11;
	v5 =	vld [tilespmem:s15+$0x0];
	s15 =	sor.u32 s6, s9;
	[tilespmem:s4+$0x0] =	vst v6  }
0x1c8: {  	vm3 =	veq.s32 v8, $0x0;
	v8 =	vsel vm2, v2, v3;
	s4 =	sor.u32 s16, s9;
	s1 =	sor.u32 s16, s11;
	s6 =	sor.u32 s6, s11;
	v6 =	vld [tilespmem:s15+$0x0];
	[tilespmem:s8+$0x0] =	vst v7  }
0x1c9: {  	v9 =	vsel vm3, v0, v1;
	s11 =	sor.u32 s14, s11;
	v7 =	vld [tilespmem:s4+$0x0];
	s4 =	sor.u32 s16, s13;
	[tilespmem:s7+$0x0] =	vst v8;
	s7 =	sor.u32 s14, s13  }
0x1ca: {  	s13 =	sor.u32 s12, s13;
	v8 =	vsel vm3, v2, v3;
	[tilespmem:s3+$0x0] =	vst v9;
	s3 =	smov.u32 s17  }
0x1cb: {  	_ = 	snop  }
0x1cc: {  	vm2 =	veq.s32 v5, $0x0  }
0x1cd: {  	[tilespmem:s0+$0x0] =	vst v8;
	v5 =	vsel vm2, v0, v1;
	vm3 =	veq.s32 v6, $0x0  }
0x1ce: {  	[tilespmem:s11+$0x0] =	vst v5;
	vm4 =	veq.s32 v7, $0x0;
	v5 =	vsel vm3, v0, v1  }
0x1cf: {  	v6 =	vsel vm4, v0, v1;
	[tilespmem:s6+$0x0] =	vst v5  }
0x1d0: {  	v5 =	vsel vm4, v2, v3;
	[tilespmem:s1+$0x0] =	vst v6  }
0x1d1: {  	v6 =	vsel vm3, v2, v3;
	[tilespmem:s4+$0x0] =	vst v5  }
0x1d2: {  	s11 =	simm.s32 $0x0;
	vm3 =	veq.s32 v4, $0x0;
	v4 =	vsel vm2, v2, v3;
	[tilespmem:s10+$0x0] =	vst v6;
	s10 =	simm.s32 $0x0  }
0x1d3: {  	s5 =	sand.u32 $0x3FFFFF80, s11;
	v5 =	vsel vm3, v0, v1;
	[tilespmem:s7+$0x0] =	vst v4;
	s0 =	sand.u32 $0x40, s10  }
0x1d4: {  	s1 =	sadd.s32 $0x2800, s5;
	v4 =	vsel vm3, v2, v3;
	[tilespmem:s3+$0x0] =	vst v5;
	s22 =	sor.u32 $0x10, s0  }
0x1d5: {  	[tilespmem:s13+$0x0] =	vst v4;
	s23 =	sor.u32 $0x20, s0;
	s2 =	sor.u32 s22, s1  }
0x1d6: {  	s12 =	simm.s32 $0x0;
	s24 =	sor.u32 $0x30, s0;
	s14 =	sor.u32 s23, s1;
	v4 =	vld [tilespmem:s2+$0x0]  }
0x1d7: {  	s25 =	sand.u32 $0x3FFFFC00, s12;
	s13 =	sor.u32 s24, s1;
	v6 =	vld [tilespmem:s14+$0x0]  }
0x1d8: {  	s18 =	simm.s32 $0x40;
	s19 =	simm.s32 $0x200;
	s15 =	sadd.s32 $0x9280, s25;
	v5 =	vld [tilespmem:s13+$0x0]  }
0x1d9: {  	s16 =	sadd.s32 $0x9200, s25;
	s7 =	simm.s32 $0x40;
	s3 =	simm.s32 $0x4  }
0x1da: {  	s8 =	sor.u32 s0, s16;
	s1 =	sor.u32 s0, s1;
	s6 =	sor.u32 s24, s15  }
0x1db: {  	s9 =	sor.u32 s22, s16;
	s17 =	sor.u32 s24, s16;
	s11 =	sor.u32 s22, s15;
	v7 =	vld [tilespmem:s1+$0x0];
	vm2 =	veq.s32 v4, $0x0  }
0x1dc: {  	s4 =	sor.u32 s23, s16;
	s12 =	sor.u32 s23, s15;
	s2 =	sor.u32 s0, s15;
	vm15 =	veq.s32 v6, $0x0;
	v4 =	vsel vm2, v0, v1  }
0x1dd: {  	s15 =	sand.u32 $0x40, s7;
	s1 =	sand.u32 $0x3FFFFF80, s18;
	s13 =	sand.u32 $0x3FFFFC00, s19;
	vm3 =	veq.s32 v5, $0x0;
	v5 =	vsel vm15, v0, v1;
	[tilespmem:s9+$0x0] =	vst v4  }
0x1de: {  	s1 =	sadd.s32 $0x2800, s1;
	s26 =	sadd.s32 $0x9280, s13;
	s16 =	sor.u32 $0x10, s15;
	v4 =	vsel vm3, v0, v1;
	[tilespmem:s4+$0x0] =	vst v5  }
0x1df: {  	s29 =	sadd.s32 $0x9200, s13;
	s30 =	sor.u32 $0x30, s15;
	s28 =	sor.u32 s15, s1;
	v6 =	vsel vm15, v2, v3;
	[tilespmem:s17+$0x0] =	vst v4  }
0x1e0: {  	s14 =	sor.u32 s16, s1;
	s31 =	sor.u32 s30, s1;
	s13 =	sor.u32 s15, s29;
	v8 =	vsel vm3, v2, v3;
	vm3 =	veq.s32 v7, $0x0;
	v7 =	vsel vm2, v2, v3;
	v4 =	vld [tilespmem:s28+$0x0];
	[tilespmem:s12+$0x0] =	vst v6  }
0x1e1: {  	s10 =	sor.u32 s16, s26;
	v5 =	vld [tilespmem:s14+$0x0];
	s14 =	sor.u32 s16, s29;
	s17 =	sor.u32 $0x20, s15;
	[tilespmem:s11+$0x0] =	vst v7  }
0x1e2: {  	v6 =	vld [tilespmem:s31+$0x0];
	v9 =	vsel vm3, v0, v1;
	s15 =	sor.u32 s15, s26;
	s18 =	sor.u32 s17, s1;
	s1 =	sor.u32 s30, s26;
	[tilespmem:s6+$0x0] =	vst v8  }
0x1e3: {  	s6 =	sor.u32 s30, s29;
	s11 =	sor.u32 s17, s29;
	s4 =	sor.u32 s17, s26;
	v8 =	vsel vm3, v2, v3;
	[tilespmem:s8+$0x0] =	vst v9;
	v7 =	vld [tilespmem:s18+$0x0]  }
.LBB2_39:
0x1e4: {  	s3 =	sadd.s32 $0x4, s3  }
0x1e5: {  	[tilespmem:s2+$0x0] =	vst v8;
	v8 =	vmov v4;
	s8 =	smov.u32 s13;
	s2 =	smov.u32 s15;
	s7 =	sadd.s32 $0x40, s7  }
0x1e6: {  	s9 =	sshll.u32 s3, $0x4;
	s12 =	sshll.u32 s3, $0x7;
	vm2 =	veq.s32 v5, $0x0;
	p0 =	slt.u32 s3, $0x3C  }
0x1e7: {  	s15 =	sand.u32 $0x40, s7;
	s9 =	sand.u32 $0x3FFFFF80, s9;
	s12 =	sand.u32 $0x3FFFFC00, s12;
	v4 =	vsel vm2, v0, v1;
	vm3 =	veq.s32 v6, $0x0  }
0x1e8: {  	s17 =	sor.u32 $0x10, s15;
	s9 =	sadd.s32 $0x2800, s9;
	s16 =	sadd.s32 $0x9280, s12;
	[tilespmem:s14+$0x0] =	vst v4;
	vm4 =	veq.s32 v7, $0x0;
	v4 =	vsel vm3, v0, v1;
	v7 =	vsel vm3, v2, v3  }
0x1e9: {  	s18 =	sor.u32 $0x20, s15;
	s13 =	sor.u32 s15, s9;
	s14 =	sor.u32 s17, s9;
	v5 =	vsel vm4, v0, v1;
	[tilespmem:s6+$0x0] =	vst v4  }
.Ltmp20:
0x1ea: {  	s12 =	sadd.s32 $0x9200, s12;
	s6 =	sor.u32 $0x30, s15;
	v6 =	vsel vm4, v2, v3;
	v4 =	vld [tilespmem:s13+$0x0];
	[tilespmem:s11+$0x0] =	vst v5;
	(pc) =	sbr.rel @p0 .LBB2_39-.Ltmp20, $4  }
0x1eb: {  	s11 =	sor.u32 s18, s9;
	s9 =	sor.u32 s6, s9;
	s19 =	sor.u32 s6, s16;
	v5 =	vld [tilespmem:s14+$0x0];
	[tilespmem:s4+$0x0] =	vst v6  }
0x1ec: {  	vm3 =	veq.s32 v8, $0x0;
	v8 =	vsel vm2, v2, v3;
	s13 =	sor.u32 s15, s12;
	s6 =	sor.u32 s6, s12;
	s14 =	sor.u32 s17, s12;
	v6 =	vld [tilespmem:s9+$0x0];
	[tilespmem:s1+$0x0] =	vst v7  }
0x1ed: {  	v9 =	vsel vm3, v0, v1;
	s4 =	sor.u32 s18, s16;
	v7 =	vld [tilespmem:s11+$0x0];
	s11 =	sor.u32 s18, s12;
	[tilespmem:s10+$0x0] =	vst v8;
	s10 =	sor.u32 s17, s16  }
0x1ee: {  	s15 =	sor.u32 s15, s16;
	s1 =	smov.u32 s19;
	v8 =	vsel vm3, v2, v3;
	[tilespmem:s8+$0x0] =	vst v9  }
0x1ef: {  	_ = 	snop  }
0x1f0: {  	vm2 =	veq.s32 v5, $0x0  }
0x1f1: {  	[tilespmem:s2+$0x0] =	vst v8;
	v5 =	vsel vm2, v0, v1;
	vm3 =	veq.s32 v6, $0x0  }
0x1f2: {  	[tilespmem:s14+$0x0] =	vst v5;
	vm4 =	veq.s32 v7, $0x0;
	v5 =	vsel vm3, v0, v1  }
0x1f3: {  	v6 =	vsel vm4, v0, v1;
	[tilespmem:s6+$0x0] =	vst v5  }
0x1f4: {  	v5 =	vsel vm4, v2, v3;
	[tilespmem:s11+$0x0] =	vst v6  }
0x1f5: {  	v6 =	vsel vm3, v2, v3;
	[tilespmem:s4+$0x0] =	vst v5  }
0x1f6: {  	vm3 =	veq.s32 v4, $0x0;
	v4 =	vsel vm2, v2, v3;
	[tilespmem:s1+$0x0] =	vst v6  }
0x1f7: {  	v5 =	vsel vm3, v0, v1;
	[tilespmem:s10+$0x0] =	vst v4  }
0x1f8: {  	s12 =	sadd.s32 $0x2C00, s5;
	v4 =	vsel vm3, v2, v3;
	[tilespmem:s13+$0x0] =	vst v5  }
0x1f9: {  	s13 =	sor.u32 s22, s12;
	[tilespmem:s15+$0x0] =	vst v4  }
0x1fa: {  	s3 =	sor.u32 s23, s12;
	v4 =	vld [tilespmem:s13+$0x0]  }
0x1fb: {  	s14 =	sor.u32 s24, s12;
	v6 =	vld [tilespmem:s3+$0x0]  }
0x1fc: {  	s16 =	sadd.s32 $0x9300, s25;
	s2 =	simm.s32 $0x4;
	s5 =	simm.s32 $0x40;
	v5 =	vld [tilespmem:s14+$0x0]  }
0x1fd: {  	s8 =	sor.u32 s0, s16;
	s18 =	sor.u32 s23, s16;
	s7 =	sor.u32 s24, s16  }
0x1fe: {  	s1 =	sor.u32 s0, s12;
	s4 =	sor.u32 s22, s16;
	s12 =	sand.u32 $0x40, s5  }
0x1ff: {  	s15 =	sadd.s32 $0x9380, s25;
	s25 =	sor.u32 $0x10, s12;
	s29 =	sor.u32 $0x20, s12;
	v7 =	vld [tilespmem:s1+$0x0];
	vm2 =	veq.s32 v4, $0x0  }
0x200: {  	s30 =	sor.u32 $0x30, s12;
	s9 =	sor.u32 s22, s15;
	s22 =	simm.s32 $0x40;
	vm15 =	veq.s32 v6, $0x0;
	v4 =	vsel vm2, v0, v1  }
0x201: {  	s19 =	sor.u32 s23, s15;
	s23 =	simm.s32 $0x200;
	s1 =	sand.u32 $0x3FFFFF80, s22;
	vm3 =	veq.s32 v5, $0x0;
	v5 =	vsel vm15, v0, v1;
	[tilespmem:s4+$0x0] =	vst v4  }
0x202: {  	s17 =	sor.u32 s24, s15;
	s11 =	sand.u32 $0x3FFFFC00, s23;
	s1 =	sadd.s32 $0x2C00, s1;
	v4 =	vsel vm3, v0, v1;
	[tilespmem:s18+$0x0] =	vst v5  }
0x203: {  	s24 =	sadd.s32 $0x9380, s11;
	s11 =	sadd.s32 $0x9300, s11;
	s26 =	sor.u32 s12, s1;
	v6 =	vsel vm15, v2, v3;
	[tilespmem:s7+$0x0] =	vst v4  }
0x204: {  	s0 =	sor.u32 s0, s15;
	s28 =	sor.u32 s25, s1;
	s3 =	sor.u32 s12, s11;
	v8 =	vsel vm3, v2, v3;
	vm3 =	veq.s32 v7, $0x0;
	v7 =	vsel vm2, v2, v3;
	v4 =	vld [tilespmem:s26+$0x0];
	[tilespmem:s19+$0x0] =	vst v6  }
0x205: {  	s31 =	sor.u32 s30, s1;
	s10 =	sor.u32 s30, s24;
	s16 =	sor.u32 s29, s1;
	v5 =	vld [tilespmem:s28+$0x0];
	[tilespmem:s9+$0x0] =	vst v7  }
0x206: {  	s1 =	sor.u32 s29, s11;
	s6 =	sor.u32 s30, s11;
	s11 =	sor.u32 s25, s11;
	v6 =	vld [tilespmem:s31+$0x0];
	v9 =	vsel vm3, v0, v1;
	[tilespmem:s17+$0x0] =	vst v8  }
0x207: {  	s13 =	sor.u32 s12, s24;
	s4 =	sor.u32 s29, s24;
	s7 =	sor.u32 s25, s24;
	v7 =	vld [tilespmem:s16+$0x0];
	v8 =	vsel vm3, v2, v3;
	[tilespmem:s8+$0x0] =	vst v9  }
.LBB2_41:
0x208: {  	s2 =	sadd.s32 $0x4, s2  }
0x209: {  	[tilespmem:s0+$0x0] =	vst v8;
	v8 =	vmov v4;
	s8 =	smov.u32 s10;
	s0 =	smov.u32 s13;
	s5 =	sadd.s32 $0x40, s5  }
0x20a: {  	s9 =	sshll.u32 s2, $0x4;
	s10 =	sshll.u32 s2, $0x7;
	vm2 =	veq.s32 v5, $0x0;
	p0 =	slt.u32 s2, $0x3C  }
0x20b: {  	s12 =	sand.u32 $0x40, s5;
	s9 =	sand.u32 $0x3FFFFF80, s9;
	s10 =	sand.u32 $0x3FFFFC00, s10;
	v4 =	vsel vm2, v0, v1;
	vm3 =	veq.s32 v6, $0x0  }
0x20c: {  	s14 =	sor.u32 $0x10, s12;
	s9 =	sadd.s32 $0x2C00, s9;
	s13 =	sadd.s32 $0x9380, s10;
	[tilespmem:s11+$0x0] =	vst v4;
	vm4 =	veq.s32 v7, $0x0;
	v4 =	vsel vm3, v0, v1  }
0x20d: {  	s16 =	sor.u32 $0x20, s12;
	v7 =	vsel vm3, v2, v3;
	s11 =	sor.u32 s12, s9;
	s15 =	sor.u32 s14, s9;
	v5 =	vsel vm4, v0, v1;
	[tilespmem:s6+$0x0] =	vst v4  }
.Ltmp21:
0x20e: {  	s6 =	sor.u32 $0x30, s12;
	v6 =	vsel vm4, v2, v3;
	v4 =	vld [tilespmem:s11+$0x0];
	s11 =	sadd.s32 $0x9300, s10;
	[tilespmem:s1+$0x0] =	vst v5;
	(pc) =	sbr.rel @p0 .LBB2_41-.Ltmp21, $4  }
0x20f: {  	s10 =	sor.u32 s6, s13;
	s17 =	sor.u32 s12, s11;
	v5 =	vld [tilespmem:s15+$0x0];
	s15 =	sor.u32 s6, s9;
	[tilespmem:s4+$0x0] =	vst v6  }
0x210: {  	vm3 =	veq.s32 v8, $0x0;
	v8 =	vsel vm2, v2, v3;
	s4 =	sor.u32 s16, s9;
	s1 =	sor.u32 s16, s11;
	s6 =	sor.u32 s6, s11;
	v6 =	vld [tilespmem:s15+$0x0];
	[tilespmem:s8+$0x0] =	vst v7  }
0x211: {  	v9 =	vsel vm3, v0, v1;
	s11 =	sor.u32 s14, s11;
	v7 =	vld [tilespmem:s4+$0x0];
	s4 =	sor.u32 s16, s13;
	[tilespmem:s7+$0x0] =	vst v8;
	s7 =	sor.u32 s14, s13  }
0x212: {  	s13 =	sor.u32 s12, s13;
	v8 =	vsel vm3, v2, v3;
	[tilespmem:s3+$0x0] =	vst v9;
	s3 =	smov.u32 s17  }
0x213: {  	_ = 	snop  }
0x214: {  	vm2 =	veq.s32 v5, $0x0  }
0x215: {  	[tilespmem:s0+$0x0] =	vst v8;
	v5 =	vsel vm2, v0, v1;
	vm3 =	veq.s32 v6, $0x0  }
0x216: {  	[tilespmem:s11+$0x0] =	vst v5;
	vm4 =	veq.s32 v7, $0x0;
	v5 =	vsel vm3, v0, v1  }
0x217: {  	v6 =	vsel vm4, v0, v1;
	[tilespmem:s6+$0x0] =	vst v5  }
0x218: {  	v5 =	vsel vm4, v2, v3;
	[tilespmem:s1+$0x0] =	vst v6  }
0x219: {  	v6 =	vsel vm3, v2, v3;
	[tilespmem:s4+$0x0] =	vst v5  }
0x21a: {  	s11 =	simm.s32 $0x0;
	vm3 =	veq.s32 v4, $0x0;
	v4 =	vsel vm2, v2, v3;
	[tilespmem:s10+$0x0] =	vst v6;
	s10 =	simm.s32 $0x0  }
0x21b: {  	s5 =	sand.u32 $0x3FFFFF80, s11;
	v5 =	vsel vm3, v0, v1;
	[tilespmem:s7+$0x0] =	vst v4;
	s0 =	sand.u32 $0x40, s10  }
0x21c: {  	s1 =	sadd.s32 $0x3000, s5;
	v4 =	vsel vm3, v2, v3;
	[tilespmem:s3+$0x0] =	vst v5;
	s22 =	sor.u32 $0x10, s0  }
0x21d: {  	[tilespmem:s13+$0x0] =	vst v4;
	s23 =	sor.u32 $0x20, s0;
	s2 =	sor.u32 s22, s1  }
0x21e: {  	s12 =	simm.s32 $0x0;
	s24 =	sor.u32 $0x30, s0;
	s14 =	sor.u32 s23, s1;
	v4 =	vld [tilespmem:s2+$0x0]  }
0x21f: {  	s25 =	sand.u32 $0x3FFFFC00, s12;
	s13 =	sor.u32 s24, s1;
	v6 =	vld [tilespmem:s14+$0x0]  }
0x220: {  	s18 =	simm.s32 $0x40;
	s19 =	simm.s32 $0x200;
	s15 =	sadd.s32 $0xB080, s25;
	v5 =	vld [tilespmem:s13+$0x0]  }
0x221: {  	s16 =	sadd.s32 $0xB000, s25;
	s7 =	simm.s32 $0x40;
	s3 =	simm.s32 $0x4  }
0x222: {  	s8 =	sor.u32 s0, s16;
	s1 =	sor.u32 s0, s1;
	s6 =	sor.u32 s24, s15  }
0x223: {  	s9 =	sor.u32 s22, s16;
	s17 =	sor.u32 s24, s16;
	s11 =	sor.u32 s22, s15;
	v7 =	vld [tilespmem:s1+$0x0];
	vm2 =	veq.s32 v4, $0x0  }
0x224: {  	s4 =	sor.u32 s23, s16;
	s12 =	sor.u32 s23, s15;
	s2 =	sor.u32 s0, s15;
	vm15 =	veq.s32 v6, $0x0;
	v4 =	vsel vm2, v0, v1  }
0x225: {  	s15 =	sand.u32 $0x40, s7;
	s1 =	sand.u32 $0x3FFFFF80, s18;
	s13 =	sand.u32 $0x3FFFFC00, s19;
	vm3 =	veq.s32 v5, $0x0;
	v5 =	vsel vm15, v0, v1;
	[tilespmem:s9+$0x0] =	vst v4  }
0x226: {  	s1 =	sadd.s32 $0x3000, s1;
	s26 =	sadd.s32 $0xB080, s13;
	s16 =	sor.u32 $0x10, s15;
	v4 =	vsel vm3, v0, v1;
	[tilespmem:s4+$0x0] =	vst v5  }
0x227: {  	s29 =	sadd.s32 $0xB000, s13;
	s30 =	sor.u32 $0x30, s15;
	s28 =	sor.u32 s15, s1;
	v6 =	vsel vm15, v2, v3;
	[tilespmem:s17+$0x0] =	vst v4  }
0x228: {  	s14 =	sor.u32 s16, s1;
	s31 =	sor.u32 s30, s1;
	s13 =	sor.u32 s15, s29;
	v8 =	vsel vm3, v2, v3;
	vm3 =	veq.s32 v7, $0x0;
	v7 =	vsel vm2, v2, v3;
	v4 =	vld [tilespmem:s28+$0x0];
	[tilespmem:s12+$0x0] =	vst v6  }
0x229: {  	s10 =	sor.u32 s16, s26;
	v5 =	vld [tilespmem:s14+$0x0];
	s14 =	sor.u32 s16, s29;
	s17 =	sor.u32 $0x20, s15;
	[tilespmem:s11+$0x0] =	vst v7  }
0x22a: {  	v6 =	vld [tilespmem:s31+$0x0];
	v9 =	vsel vm3, v0, v1;
	s15 =	sor.u32 s15, s26;
	s18 =	sor.u32 s17, s1;
	s1 =	sor.u32 s30, s26;
	[tilespmem:s6+$0x0] =	vst v8  }
0x22b: {  	s6 =	sor.u32 s30, s29;
	s11 =	sor.u32 s17, s29;
	s4 =	sor.u32 s17, s26;
	v8 =	vsel vm3, v2, v3;
	[tilespmem:s8+$0x0] =	vst v9;
	v7 =	vld [tilespmem:s18+$0x0]  }
.LBB2_43:
0x22c: {  	s3 =	sadd.s32 $0x4, s3  }
0x22d: {  	[tilespmem:s2+$0x0] =	vst v8;
	v8 =	vmov v4;
	s8 =	smov.u32 s13;
	s2 =	smov.u32 s15;
	s7 =	sadd.s32 $0x40, s7  }
0x22e: {  	s9 =	sshll.u32 s3, $0x4;
	s12 =	sshll.u32 s3, $0x7;
	vm2 =	veq.s32 v5, $0x0;
	p0 =	slt.u32 s3, $0x3C  }
0x22f: {  	s15 =	sand.u32 $0x40, s7;
	s9 =	sand.u32 $0x3FFFFF80, s9;
	s12 =	sand.u32 $0x3FFFFC00, s12;
	v4 =	vsel vm2, v0, v1;
	vm3 =	veq.s32 v6, $0x0  }
0x230: {  	s17 =	sor.u32 $0x10, s15;
	s9 =	sadd.s32 $0x3000, s9;
	s16 =	sadd.s32 $0xB080, s12;
	[tilespmem:s14+$0x0] =	vst v4;
	vm4 =	veq.s32 v7, $0x0;
	v4 =	vsel vm3, v0, v1;
	v7 =	vsel vm3, v2, v3  }
0x231: {  	s18 =	sor.u32 $0x20, s15;
	s13 =	sor.u32 s15, s9;
	s14 =	sor.u32 s17, s9;
	v5 =	vsel vm4, v0, v1;
	[tilespmem:s6+$0x0] =	vst v4  }
.Ltmp22:
0x232: {  	s12 =	sadd.s32 $0xB000, s12;
	s6 =	sor.u32 $0x30, s15;
	v6 =	vsel vm4, v2, v3;
	v4 =	vld [tilespmem:s13+$0x0];
	[tilespmem:s11+$0x0] =	vst v5;
	(pc) =	sbr.rel @p0 .LBB2_43-.Ltmp22, $4  }
0x233: {  	s11 =	sor.u32 s18, s9;
	s9 =	sor.u32 s6, s9;
	s19 =	sor.u32 s6, s16;
	v5 =	vld [tilespmem:s14+$0x0];
	[tilespmem:s4+$0x0] =	vst v6  }
0x234: {  	vm3 =	veq.s32 v8, $0x0;
	v8 =	vsel vm2, v2, v3;
	s13 =	sor.u32 s15, s12;
	s6 =	sor.u32 s6, s12;
	s14 =	sor.u32 s17, s12;
	v6 =	vld [tilespmem:s9+$0x0];
	[tilespmem:s1+$0x0] =	vst v7  }
0x235: {  	v9 =	vsel vm3, v0, v1;
	s4 =	sor.u32 s18, s16;
	v7 =	vld [tilespmem:s11+$0x0];
	s11 =	sor.u32 s18, s12;
	[tilespmem:s10+$0x0] =	vst v8;
	s10 =	sor.u32 s17, s16  }
0x236: {  	s15 =	sor.u32 s15, s16;
	s1 =	smov.u32 s19;
	v8 =	vsel vm3, v2, v3;
	[tilespmem:s8+$0x0] =	vst v9  }
0x237: {  	_ = 	snop  }
0x238: {  	vm2 =	veq.s32 v5, $0x0  }
0x239: {  	[tilespmem:s2+$0x0] =	vst v8;
	v5 =	vsel vm2, v0, v1;
	vm3 =	veq.s32 v6, $0x0  }
0x23a: {  	[tilespmem:s14+$0x0] =	vst v5;
	vm4 =	veq.s32 v7, $0x0;
	v5 =	vsel vm3, v0, v1  }
0x23b: {  	v6 =	vsel vm4, v0, v1;
	[tilespmem:s6+$0x0] =	vst v5  }
0x23c: {  	v5 =	vsel vm4, v2, v3;
	[tilespmem:s11+$0x0] =	vst v6  }
0x23d: {  	v6 =	vsel vm3, v2, v3;
	[tilespmem:s4+$0x0] =	vst v5  }
0x23e: {  	vm3 =	veq.s32 v4, $0x0;
	v4 =	vsel vm2, v2, v3;
	[tilespmem:s1+$0x0] =	vst v6  }
0x23f: {  	v5 =	vsel vm3, v0, v1;
	[tilespmem:s10+$0x0] =	vst v4  }
0x240: {  	s12 =	sadd.s32 $0x3400, s5;
	v4 =	vsel vm3, v2, v3;
	[tilespmem:s13+$0x0] =	vst v5  }
0x241: {  	s13 =	sor.u32 s22, s12;
	[tilespmem:s15+$0x0] =	vst v4  }
0x242: {  	s3 =	sor.u32 s23, s12;
	v4 =	vld [tilespmem:s13+$0x0]  }
0x243: {  	s14 =	sor.u32 s24, s12;
	v6 =	vld [tilespmem:s3+$0x0]  }
0x244: {  	s16 =	sadd.s32 $0xB100, s25;
	s2 =	simm.s32 $0x4;
	s5 =	simm.s32 $0x40;
	v5 =	vld [tilespmem:s14+$0x0]  }
0x245: {  	s8 =	sor.u32 s0, s16;
	s18 =	sor.u32 s23, s16;
	s7 =	sor.u32 s24, s16  }
0x246: {  	s1 =	sor.u32 s0, s12;
	s4 =	sor.u32 s22, s16;
	s12 =	sand.u32 $0x40, s5  }
0x247: {  	s15 =	sadd.s32 $0xB180, s25;
	s25 =	sor.u32 $0x10, s12;
	s29 =	sor.u32 $0x20, s12;
	v7 =	vld [tilespmem:s1+$0x0];
	vm2 =	veq.s32 v4, $0x0  }
0x248: {  	s30 =	sor.u32 $0x30, s12;
	s9 =	sor.u32 s22, s15;
	s22 =	simm.s32 $0x40;
	vm15 =	veq.s32 v6, $0x0;
	v4 =	vsel vm2, v0, v1  }
0x249: {  	s19 =	sor.u32 s23, s15;
	s23 =	simm.s32 $0x200;
	s1 =	sand.u32 $0x3FFFFF80, s22;
	vm3 =	veq.s32 v5, $0x0;
	v5 =	vsel vm15, v0, v1;
	[tilespmem:s4+$0x0] =	vst v4  }
0x24a: {  	s17 =	sor.u32 s24, s15;
	s11 =	sand.u32 $0x3FFFFC00, s23;
	s1 =	sadd.s32 $0x3400, s1;
	v4 =	vsel vm3, v0, v1;
	[tilespmem:s18+$0x0] =	vst v5  }
0x24b: {  	s24 =	sadd.s32 $0xB180, s11;
	s11 =	sadd.s32 $0xB100, s11;
	s26 =	sor.u32 s12, s1;
	v6 =	vsel vm15, v2, v3;
	[tilespmem:s7+$0x0] =	vst v4  }
0x24c: {  	s0 =	sor.u32 s0, s15;
	s28 =	sor.u32 s25, s1;
	s3 =	sor.u32 s12, s11;
	v8 =	vsel vm3, v2, v3;
	vm3 =	veq.s32 v7, $0x0;
	v7 =	vsel vm2, v2, v3;
	v4 =	vld [tilespmem:s26+$0x0];
	[tilespmem:s19+$0x0] =	vst v6  }
0x24d: {  	s31 =	sor.u32 s30, s1;
	s10 =	sor.u32 s30, s24;
	s16 =	sor.u32 s29, s1;
	v5 =	vld [tilespmem:s28+$0x0];
	[tilespmem:s9+$0x0] =	vst v7  }
0x24e: {  	s1 =	sor.u32 s29, s11;
	s6 =	sor.u32 s30, s11;
	s11 =	sor.u32 s25, s11;
	v6 =	vld [tilespmem:s31+$0x0];
	v9 =	vsel vm3, v0, v1;
	[tilespmem:s17+$0x0] =	vst v8  }
0x24f: {  	s13 =	sor.u32 s12, s24;
	s4 =	sor.u32 s29, s24;
	s7 =	sor.u32 s25, s24;
	v7 =	vld [tilespmem:s16+$0x0];
	v8 =	vsel vm3, v2, v3;
	[tilespmem:s8+$0x0] =	vst v9  }
.LBB2_45:
0x250: {  	s2 =	sadd.s32 $0x4, s2  }
0x251: {  	[tilespmem:s0+$0x0] =	vst v8;
	v8 =	vmov v4;
	s8 =	smov.u32 s10;
	s0 =	smov.u32 s13;
	s5 =	sadd.s32 $0x40, s5  }
0x252: {  	s9 =	sshll.u32 s2, $0x4;
	s10 =	sshll.u32 s2, $0x7;
	vm2 =	veq.s32 v5, $0x0;
	p0 =	slt.u32 s2, $0x3C  }
0x253: {  	s12 =	sand.u32 $0x40, s5;
	s9 =	sand.u32 $0x3FFFFF80, s9;
	s10 =	sand.u32 $0x3FFFFC00, s10;
	v4 =	vsel vm2, v0, v1;
	vm3 =	veq.s32 v6, $0x0  }
0x254: {  	s14 =	sor.u32 $0x10, s12;
	s9 =	sadd.s32 $0x3400, s9;
	s13 =	sadd.s32 $0xB180, s10;
	[tilespmem:s11+$0x0] =	vst v4;
	vm4 =	veq.s32 v7, $0x0;
	v4 =	vsel vm3, v0, v1  }
0x255: {  	s16 =	sor.u32 $0x20, s12;
	v7 =	vsel vm3, v2, v3;
	s11 =	sor.u32 s12, s9;
	s15 =	sor.u32 s14, s9;
	v5 =	vsel vm4, v0, v1;
	[tilespmem:s6+$0x0] =	vst v4  }
.Ltmp23:
0x256: {  	s6 =	sor.u32 $0x30, s12;
	v6 =	vsel vm4, v2, v3;
	v4 =	vld [tilespmem:s11+$0x0];
	s11 =	sadd.s32 $0xB100, s10;
	[tilespmem:s1+$0x0] =	vst v5;
	(pc) =	sbr.rel @p0 .LBB2_45-.Ltmp23, $4  }
0x257: {  	s10 =	sor.u32 s6, s13;
	s17 =	sor.u32 s12, s11;
	v5 =	vld [tilespmem:s15+$0x0];
	s15 =	sor.u32 s6, s9;
	[tilespmem:s4+$0x0] =	vst v6  }
0x258: {  	vm3 =	veq.s32 v8, $0x0;
	v8 =	vsel vm2, v2, v3;
	s4 =	sor.u32 s16, s9;
	s1 =	sor.u32 s16, s11;
	s6 =	sor.u32 s6, s11;
	v6 =	vld [tilespmem:s15+$0x0];
	[tilespmem:s8+$0x0] =	vst v7  }
0x259: {  	v9 =	vsel vm3, v0, v1;
	s11 =	sor.u32 s14, s11;
	v7 =	vld [tilespmem:s4+$0x0];
	s4 =	sor.u32 s16, s13;
	[tilespmem:s7+$0x0] =	vst v8;
	s7 =	sor.u32 s14, s13  }
0x25a: {  	s13 =	sor.u32 s12, s13;
	v8 =	vsel vm3, v2, v3;
	[tilespmem:s3+$0x0] =	vst v9;
	s3 =	smov.u32 s17  }
0x25b: {  	_ = 	snop  }
0x25c: {  	vm2 =	veq.s32 v5, $0x0  }
0x25d: {  	[tilespmem:s0+$0x0] =	vst v8;
	v5 =	vsel vm2, v0, v1;
	vm3 =	veq.s32 v6, $0x0  }
0x25e: {  	[tilespmem:s11+$0x0] =	vst v5;
	vm4 =	veq.s32 v7, $0x0;
	v5 =	vsel vm3, v0, v1  }
0x25f: {  	v6 =	vsel vm4, v0, v1;
	[tilespmem:s6+$0x0] =	vst v5  }
0x260: {  	v5 =	vsel vm4, v2, v3;
	[tilespmem:s1+$0x0] =	vst v6  }
0x261: {  	v6 =	vsel vm3, v2, v3;
	[tilespmem:s4+$0x0] =	vst v5  }
0x262: {  	s11 =	simm.s32 $0x0;
	vm3 =	veq.s32 v4, $0x0;
	v4 =	vsel vm2, v2, v3;
	[tilespmem:s10+$0x0] =	vst v6;
	s10 =	simm.s32 $0x0  }
0x263: {  	s5 =	sand.u32 $0x3FFFFF80, s11;
	v5 =	vsel vm3, v0, v1;
	[tilespmem:s7+$0x0] =	vst v4;
	s0 =	sand.u32 $0x40, s10  }
0x264: {  	s1 =	sadd.s32 $0x3800, s5;
	v4 =	vsel vm3, v2, v3;
	[tilespmem:s3+$0x0] =	vst v5;
	s22 =	sor.u32 $0x10, s0  }
0x265: {  	[tilespmem:s13+$0x0] =	vst v4;
	s23 =	sor.u32 $0x20, s0;
	s2 =	sor.u32 s22, s1  }
0x266: {  	s12 =	simm.s32 $0x0;
	s24 =	sor.u32 $0x30, s0;
	s14 =	sor.u32 s23, s1;
	v4 =	vld [tilespmem:s2+$0x0]  }
0x267: {  	s25 =	sand.u32 $0x3FFFFC00, s12;
	s13 =	sor.u32 s24, s1;
	v6 =	vld [tilespmem:s14+$0x0]  }
0x268: {  	s18 =	simm.s32 $0x40;
	s19 =	simm.s32 $0x200;
	s15 =	sadd.s32 $0xB280, s25;
	v5 =	vld [tilespmem:s13+$0x0]  }
0x269: {  	s16 =	sadd.s32 $0xB200, s25;
	s7 =	simm.s32 $0x40;
	s3 =	simm.s32 $0x4  }
0x26a: {  	s8 =	sor.u32 s0, s16;
	s1 =	sor.u32 s0, s1;
	s6 =	sor.u32 s24, s15  }
0x26b: {  	s9 =	sor.u32 s22, s16;
	s17 =	sor.u32 s24, s16;
	s11 =	sor.u32 s22, s15;
	v7 =	vld [tilespmem:s1+$0x0];
	vm2 =	veq.s32 v4, $0x0  }
0x26c: {  	s4 =	sor.u32 s23, s16;
	s12 =	sor.u32 s23, s15;
	s2 =	sor.u32 s0, s15;
	vm15 =	veq.s32 v6, $0x0;
	v4 =	vsel vm2, v0, v1  }
0x26d: {  	s15 =	sand.u32 $0x40, s7;
	s1 =	sand.u32 $0x3FFFFF80, s18;
	s13 =	sand.u32 $0x3FFFFC00, s19;
	vm3 =	veq.s32 v5, $0x0;
	v5 =	vsel vm15, v0, v1;
	[tilespmem:s9+$0x0] =	vst v4  }
0x26e: {  	s1 =	sadd.s32 $0x3800, s1;
	s26 =	sadd.s32 $0xB280, s13;
	s16 =	sor.u32 $0x10, s15;
	v4 =	vsel vm3, v0, v1;
	[tilespmem:s4+$0x0] =	vst v5  }
0x26f: {  	s29 =	sadd.s32 $0xB200, s13;
	s30 =	sor.u32 $0x30, s15;
	s28 =	sor.u32 s15, s1;
	v6 =	vsel vm15, v2, v3;
	[tilespmem:s17+$0x0] =	vst v4  }
0x270: {  	s14 =	sor.u32 s16, s1;
	s31 =	sor.u32 s30, s1;
	s13 =	sor.u32 s15, s29;
	v8 =	vsel vm3, v2, v3;
	vm3 =	veq.s32 v7, $0x0;
	v7 =	vsel vm2, v2, v3;
	v4 =	vld [tilespmem:s28+$0x0];
	[tilespmem:s12+$0x0] =	vst v6  }
0x271: {  	s10 =	sor.u32 s16, s26;
	v5 =	vld [tilespmem:s14+$0x0];
	s14 =	sor.u32 s16, s29;
	s17 =	sor.u32 $0x20, s15;
	[tilespmem:s11+$0x0] =	vst v7  }
0x272: {  	v6 =	vld [tilespmem:s31+$0x0];
	v9 =	vsel vm3, v0, v1;
	s15 =	sor.u32 s15, s26;
	s18 =	sor.u32 s17, s1;
	s1 =	sor.u32 s30, s26;
	[tilespmem:s6+$0x0] =	vst v8  }
0x273: {  	s6 =	sor.u32 s30, s29;
	s11 =	sor.u32 s17, s29;
	s4 =	sor.u32 s17, s26;
	v8 =	vsel vm3, v2, v3;
	[tilespmem:s8+$0x0] =	vst v9;
	v7 =	vld [tilespmem:s18+$0x0]  }
.LBB2_47:
0x274: {  	s3 =	sadd.s32 $0x4, s3  }
0x275: {  	[tilespmem:s2+$0x0] =	vst v8;
	v8 =	vmov v4;
	s8 =	smov.u32 s13;
	s2 =	smov.u32 s15;
	s7 =	sadd.s32 $0x40, s7  }
0x276: {  	s9 =	sshll.u32 s3, $0x4;
	s12 =	sshll.u32 s3, $0x7;
	vm2 =	veq.s32 v5, $0x0;
	p0 =	slt.u32 s3, $0x3C  }
0x277: {  	s15 =	sand.u32 $0x40, s7;
	s9 =	sand.u32 $0x3FFFFF80, s9;
	s12 =	sand.u32 $0x3FFFFC00, s12;
	v4 =	vsel vm2, v0, v1;
	vm3 =	veq.s32 v6, $0x0  }
0x278: {  	s17 =	sor.u32 $0x10, s15;
	s9 =	sadd.s32 $0x3800, s9;
	s16 =	sadd.s32 $0xB280, s12;
	[tilespmem:s14+$0x0] =	vst v4;
	vm4 =	veq.s32 v7, $0x0;
	v4 =	vsel vm3, v0, v1;
	v7 =	vsel vm3, v2, v3  }
0x279: {  	s18 =	sor.u32 $0x20, s15;
	s13 =	sor.u32 s15, s9;
	s14 =	sor.u32 s17, s9;
	v5 =	vsel vm4, v0, v1;
	[tilespmem:s6+$0x0] =	vst v4  }
.Ltmp24:
0x27a: {  	s12 =	sadd.s32 $0xB200, s12;
	s6 =	sor.u32 $0x30, s15;
	v6 =	vsel vm4, v2, v3;
	v4 =	vld [tilespmem:s13+$0x0];
	[tilespmem:s11+$0x0] =	vst v5;
	(pc) =	sbr.rel @p0 .LBB2_47-.Ltmp24, $4  }
0x27b: {  	s11 =	sor.u32 s18, s9;
	s9 =	sor.u32 s6, s9;
	s19 =	sor.u32 s6, s16;
	v5 =	vld [tilespmem:s14+$0x0];
	[tilespmem:s4+$0x0] =	vst v6  }
0x27c: {  	vm3 =	veq.s32 v8, $0x0;
	v8 =	vsel vm2, v2, v3;
	s13 =	sor.u32 s15, s12;
	s6 =	sor.u32 s6, s12;
	s14 =	sor.u32 s17, s12;
	v6 =	vld [tilespmem:s9+$0x0];
	[tilespmem:s1+$0x0] =	vst v7  }
0x27d: {  	v9 =	vsel vm3, v0, v1;
	s4 =	sor.u32 s18, s16;
	v7 =	vld [tilespmem:s11+$0x0];
	s11 =	sor.u32 s18, s12;
	[tilespmem:s10+$0x0] =	vst v8;
	s10 =	sor.u32 s17, s16  }
0x27e: {  	s15 =	sor.u32 s15, s16;
	s1 =	smov.u32 s19;
	v8 =	vsel vm3, v2, v3;
	[tilespmem:s8+$0x0] =	vst v9  }
0x27f: {  	_ = 	snop  }
0x280: {  	vm2 =	veq.s32 v5, $0x0  }
0x281: {  	[tilespmem:s2+$0x0] =	vst v8;
	v5 =	vsel vm2, v0, v1;
	vm3 =	veq.s32 v6, $0x0  }
0x282: {  	[tilespmem:s14+$0x0] =	vst v5;
	vm4 =	veq.s32 v7, $0x0;
	v5 =	vsel vm3, v0, v1  }
0x283: {  	v6 =	vsel vm4, v0, v1;
	[tilespmem:s6+$0x0] =	vst v5  }
0x284: {  	v5 =	vsel vm4, v2, v3;
	[tilespmem:s11+$0x0] =	vst v6  }
0x285: {  	v6 =	vsel vm3, v2, v3;
	[tilespmem:s4+$0x0] =	vst v5  }
0x286: {  	vm3 =	veq.s32 v4, $0x0;
	v4 =	vsel vm2, v2, v3;
	[tilespmem:s1+$0x0] =	vst v6  }
0x287: {  	v5 =	vsel vm3, v0, v1;
	[tilespmem:s10+$0x0] =	vst v4  }
0x288: {  	s12 =	sadd.s32 $0x3C00, s5;
	v4 =	vsel vm3, v2, v3;
	[tilespmem:s13+$0x0] =	vst v5  }
0x289: {  	s13 =	sor.u32 s22, s12;
	[tilespmem:s15+$0x0] =	vst v4  }
0x28a: {  	s3 =	sor.u32 s23, s12;
	v4 =	vld [tilespmem:s13+$0x0]  }
0x28b: {  	s14 =	sor.u32 s24, s12;
	v6 =	vld [tilespmem:s3+$0x0]  }
0x28c: {  	s16 =	sadd.s32 $0xB300, s25;
	s2 =	simm.s32 $0x4;
	s5 =	simm.s32 $0x40;
	v5 =	vld [tilespmem:s14+$0x0]  }
0x28d: {  	s8 =	sor.u32 s0, s16;
	s18 =	sor.u32 s23, s16;
	s7 =	sor.u32 s24, s16  }
0x28e: {  	s1 =	sor.u32 s0, s12;
	s4 =	sor.u32 s22, s16;
	s12 =	sand.u32 $0x40, s5  }
0x28f: {  	s15 =	sadd.s32 $0xB380, s25;
	s25 =	sor.u32 $0x10, s12;
	s29 =	sor.u32 $0x20, s12;
	v7 =	vld [tilespmem:s1+$0x0];
	vm2 =	veq.s32 v4, $0x0  }
0x290: {  	s30 =	sor.u32 $0x30, s12;
	s9 =	sor.u32 s22, s15;
	s22 =	simm.s32 $0x40;
	vm15 =	veq.s32 v6, $0x0;
	v4 =	vsel vm2, v0, v1  }
0x291: {  	s19 =	sor.u32 s23, s15;
	s23 =	simm.s32 $0x200;
	s1 =	sand.u32 $0x3FFFFF80, s22;
	vm3 =	veq.s32 v5, $0x0;
	v5 =	vsel vm15, v0, v1;
	[tilespmem:s4+$0x0] =	vst v4  }
0x292: {  	s17 =	sor.u32 s24, s15;
	s11 =	sand.u32 $0x3FFFFC00, s23;
	s1 =	sadd.s32 $0x3C00, s1;
	v4 =	vsel vm3, v0, v1;
	[tilespmem:s18+$0x0] =	vst v5  }
0x293: {  	s24 =	sadd.s32 $0xB380, s11;
	s11 =	sadd.s32 $0xB300, s11;
	s26 =	sor.u32 s12, s1;
	v6 =	vsel vm15, v2, v3;
	[tilespmem:s7+$0x0] =	vst v4  }
0x294: {  	s0 =	sor.u32 s0, s15;
	s28 =	sor.u32 s25, s1;
	s3 =	sor.u32 s12, s11;
	v8 =	vsel vm3, v2, v3;
	vm3 =	veq.s32 v7, $0x0;
	v7 =	vsel vm2, v2, v3;
	v4 =	vld [tilespmem:s26+$0x0];
	[tilespmem:s19+$0x0] =	vst v6  }
0x295: {  	s31 =	sor.u32 s30, s1;
	s10 =	sor.u32 s30, s24;
	s16 =	sor.u32 s29, s1;
	v5 =	vld [tilespmem:s28+$0x0];
	[tilespmem:s9+$0x0] =	vst v7  }
0x296: {  	s1 =	sor.u32 s29, s11;
	s6 =	sor.u32 s30, s11;
	s11 =	sor.u32 s25, s11;
	v6 =	vld [tilespmem:s31+$0x0];
	v9 =	vsel vm3, v0, v1;
	[tilespmem:s17+$0x0] =	vst v8  }
0x297: {  	s13 =	sor.u32 s12, s24;
	s4 =	sor.u32 s29, s24;
	s7 =	sor.u32 s25, s24;
	v7 =	vld [tilespmem:s16+$0x0];
	v8 =	vsel vm3, v2, v3;
	[tilespmem:s8+$0x0] =	vst v9  }
.LBB2_49:
0x298: {  	s2 =	sadd.s32 $0x4, s2  }
0x299: {  	[tilespmem:s0+$0x0] =	vst v8;
	v8 =	vmov v4;
	s8 =	smov.u32 s10;
	s0 =	smov.u32 s13;
	s5 =	sadd.s32 $0x40, s5  }
0x29a: {  	s9 =	sshll.u32 s2, $0x4;
	s10 =	sshll.u32 s2, $0x7;
	vm2 =	veq.s32 v5, $0x0;
	p0 =	slt.u32 s2, $0x3C  }
0x29b: {  	s12 =	sand.u32 $0x40, s5;
	s9 =	sand.u32 $0x3FFFFF80, s9;
	s10 =	sand.u32 $0x3FFFFC00, s10;
	v4 =	vsel vm2, v0, v1;
	vm3 =	veq.s32 v6, $0x0  }
0x29c: {  	s14 =	sor.u32 $0x10, s12;
	s9 =	sadd.s32 $0x3C00, s9;
	s13 =	sadd.s32 $0xB380, s10;
	[tilespmem:s11+$0x0] =	vst v4;
	vm4 =	veq.s32 v7, $0x0;
	v4 =	vsel vm3, v0, v1  }
0x29d: {  	s16 =	sor.u32 $0x20, s12;
	v7 =	vsel vm3, v2, v3;
	s11 =	sor.u32 s12, s9;
	s15 =	sor.u32 s14, s9;
	v5 =	vsel vm4, v0, v1;
	[tilespmem:s6+$0x0] =	vst v4  }
.Ltmp25:
0x29e: {  	s6 =	sor.u32 $0x30, s12;
	v6 =	vsel vm4, v2, v3;
	v4 =	vld [tilespmem:s11+$0x0];
	s11 =	sadd.s32 $0xB300, s10;
	[tilespmem:s1+$0x0] =	vst v5;
	(pc) =	sbr.rel @p0 .LBB2_49-.Ltmp25, $4  }
0x29f: {  	s10 =	sor.u32 s6, s13;
	s17 =	sor.u32 s12, s11;
	v5 =	vld [tilespmem:s15+$0x0];
	s15 =	sor.u32 s6, s9;
	[tilespmem:s4+$0x0] =	vst v6  }
0x2a0: {  	vm3 =	veq.s32 v8, $0x0;
	v8 =	vsel vm2, v2, v3;
	s4 =	sor.u32 s16, s9;
	s1 =	sor.u32 s16, s11;
	s6 =	sor.u32 s6, s11;
	v6 =	vld [tilespmem:s15+$0x0];
	[tilespmem:s8+$0x0] =	vst v7  }
0x2a1: {  	v9 =	vsel vm3, v0, v1;
	s11 =	sor.u32 s14, s11;
	v7 =	vld [tilespmem:s4+$0x0];
	s4 =	sor.u32 s16, s13;
	[tilespmem:s7+$0x0] =	vst v8;
	s7 =	sor.u32 s14, s13  }
0x2a2: {  	s13 =	sor.u32 s12, s13;
	v8 =	vsel vm3, v2, v3;
	[tilespmem:s3+$0x0] =	vst v9;
	s3 =	smov.u32 s17  }
0x2a3: {  	_ = 	snop  }
0x2a4: {  	vm2 =	veq.s32 v5, $0x0  }
0x2a5: {  	[tilespmem:s0+$0x0] =	vst v8;
	v5 =	vsel vm2, v0, v1;
	vm3 =	veq.s32 v6, $0x0  }
0x2a6: {  	[tilespmem:s11+$0x0] =	vst v5;
	vm4 =	veq.s32 v7, $0x0;
	v5 =	vsel vm3, v0, v1  }
0x2a7: {  	v6 =	vsel vm4, v0, v1;
	[tilespmem:s6+$0x0] =	vst v5  }
0x2a8: {  	v5 =	vsel vm4, v2, v3;
	[tilespmem:s1+$0x0] =	vst v6  }
0x2a9: {  	v6 =	vsel vm3, v2, v3;
	[tilespmem:s4+$0x0] =	vst v5  }
0x2aa: {  	s11 =	simm.s32 $0x0;
	vm3 =	veq.s32 v4, $0x0;
	v4 =	vsel vm2, v2, v3;
	[tilespmem:s10+$0x0] =	vst v6;
	s10 =	simm.s32 $0x0  }
0x2ab: {  	s5 =	sand.u32 $0x3FFFFF80, s11;
	v5 =	vsel vm3, v0, v1;
	[tilespmem:s7+$0x0] =	vst v4;
	s0 =	sand.u32 $0x40, s10  }
0x2ac: {  	s1 =	sadd.s32 $0x4000, s5;
	v4 =	vsel vm3, v2, v3;
	[tilespmem:s3+$0x0] =	vst v5;
	s22 =	sor.u32 $0x10, s0  }
0x2ad: {  	[tilespmem:s13+$0x0] =	vst v4;
	s23 =	sor.u32 $0x20, s0;
	s2 =	sor.u32 s22, s1  }
0x2ae: {  	s12 =	simm.s32 $0x0;
	s24 =	sor.u32 $0x30, s0;
	s14 =	sor.u32 s23, s1;
	v4 =	vld [tilespmem:s2+$0x0]  }
0x2af: {  	s25 =	sand.u32 $0x3FFFFC00, s12;
	s13 =	sor.u32 s24, s1;
	v6 =	vld [tilespmem:s14+$0x0]  }
0x2b0: {  	s18 =	simm.s32 $0x40;
	s19 =	simm.s32 $0x200;
	s15 =	sadd.s32 $0xD080, s25;
	v5 =	vld [tilespmem:s13+$0x0]  }
0x2b1: {  	s16 =	sadd.s32 $0xD000, s25;
	s7 =	simm.s32 $0x40;
	s3 =	simm.s32 $0x4  }
0x2b2: {  	s8 =	sor.u32 s0, s16;
	s1 =	sor.u32 s0, s1;
	s6 =	sor.u32 s24, s15  }
0x2b3: {  	s9 =	sor.u32 s22, s16;
	s17 =	sor.u32 s24, s16;
	s11 =	sor.u32 s22, s15;
	v7 =	vld [tilespmem:s1+$0x0];
	vm2 =	veq.s32 v4, $0x0  }
0x2b4: {  	s4 =	sor.u32 s23, s16;
	s12 =	sor.u32 s23, s15;
	s2 =	sor.u32 s0, s15;
	vm15 =	veq.s32 v6, $0x0;
	v4 =	vsel vm2, v0, v1  }
0x2b5: {  	s15 =	sand.u32 $0x40, s7;
	s1 =	sand.u32 $0x3FFFFF80, s18;
	s13 =	sand.u32 $0x3FFFFC00, s19;
	vm3 =	veq.s32 v5, $0x0;
	v5 =	vsel vm15, v0, v1;
	[tilespmem:s9+$0x0] =	vst v4  }
0x2b6: {  	s1 =	sadd.s32 $0x4000, s1;
	s26 =	sadd.s32 $0xD080, s13;
	s16 =	sor.u32 $0x10, s15;
	v4 =	vsel vm3, v0, v1;
	[tilespmem:s4+$0x0] =	vst v5  }
0x2b7: {  	s29 =	sadd.s32 $0xD000, s13;
	s30 =	sor.u32 $0x30, s15;
	s28 =	sor.u32 s15, s1;
	v6 =	vsel vm15, v2, v3;
	[tilespmem:s17+$0x0] =	vst v4  }
0x2b8: {  	s14 =	sor.u32 s16, s1;
	s31 =	sor.u32 s30, s1;
	s13 =	sor.u32 s15, s29;
	v8 =	vsel vm3, v2, v3;
	vm3 =	veq.s32 v7, $0x0;
	v7 =	vsel vm2, v2, v3;
	v4 =	vld [tilespmem:s28+$0x0];
	[tilespmem:s12+$0x0] =	vst v6  }
0x2b9: {  	s10 =	sor.u32 s16, s26;
	v5 =	vld [tilespmem:s14+$0x0];
	s14 =	sor.u32 s16, s29;
	s17 =	sor.u32 $0x20, s15;
	[tilespmem:s11+$0x0] =	vst v7  }
0x2ba: {  	v6 =	vld [tilespmem:s31+$0x0];
	v9 =	vsel vm3, v0, v1;
	s15 =	sor.u32 s15, s26;
	s18 =	sor.u32 s17, s1;
	s1 =	sor.u32 s30, s26;
	[tilespmem:s6+$0x0] =	vst v8  }
0x2bb: {  	s6 =	sor.u32 s30, s29;
	s11 =	sor.u32 s17, s29;
	s4 =	sor.u32 s17, s26;
	v8 =	vsel vm3, v2, v3;
	[tilespmem:s8+$0x0] =	vst v9;
	v7 =	vld [tilespmem:s18+$0x0]  }
.LBB2_51:
0x2bc: {  	s3 =	sadd.s32 $0x4, s3  }
0x2bd: {  	[tilespmem:s2+$0x0] =	vst v8;
	v8 =	vmov v4;
	s8 =	smov.u32 s13;
	s2 =	smov.u32 s15;
	s7 =	sadd.s32 $0x40, s7  }
0x2be: {  	s9 =	sshll.u32 s3, $0x4;
	s12 =	sshll.u32 s3, $0x7;
	vm2 =	veq.s32 v5, $0x0;
	p0 =	slt.u32 s3, $0x3C  }
0x2bf: {  	s15 =	sand.u32 $0x40, s7;
	s9 =	sand.u32 $0x3FFFFF80, s9;
	s12 =	sand.u32 $0x3FFFFC00, s12;
	v4 =	vsel vm2, v0, v1;
	vm3 =	veq.s32 v6, $0x0  }
0x2c0: {  	s17 =	sor.u32 $0x10, s15;
	s9 =	sadd.s32 $0x4000, s9;
	s16 =	sadd.s32 $0xD080, s12;
	[tilespmem:s14+$0x0] =	vst v4;
	vm4 =	veq.s32 v7, $0x0;
	v4 =	vsel vm3, v0, v1;
	v7 =	vsel vm3, v2, v3  }
0x2c1: {  	s18 =	sor.u32 $0x20, s15;
	s13 =	sor.u32 s15, s9;
	s14 =	sor.u32 s17, s9;
	v5 =	vsel vm4, v0, v1;
	[tilespmem:s6+$0x0] =	vst v4  }
.Ltmp26:
0x2c2: {  	s12 =	sadd.s32 $0xD000, s12;
	s6 =	sor.u32 $0x30, s15;
	v6 =	vsel vm4, v2, v3;
	v4 =	vld [tilespmem:s13+$0x0];
	[tilespmem:s11+$0x0] =	vst v5;
	(pc) =	sbr.rel @p0 .LBB2_51-.Ltmp26, $4  }
0x2c3: {  	s11 =	sor.u32 s18, s9;
	s9 =	sor.u32 s6, s9;
	s19 =	sor.u32 s6, s16;
	v5 =	vld [tilespmem:s14+$0x0];
	[tilespmem:s4+$0x0] =	vst v6  }
0x2c4: {  	vm3 =	veq.s32 v8, $0x0;
	v8 =	vsel vm2, v2, v3;
	s13 =	sor.u32 s15, s12;
	s6 =	sor.u32 s6, s12;
	s14 =	sor.u32 s17, s12;
	v6 =	vld [tilespmem:s9+$0x0];
	[tilespmem:s1+$0x0] =	vst v7  }
0x2c5: {  	v9 =	vsel vm3, v0, v1;
	s4 =	sor.u32 s18, s16;
	v7 =	vld [tilespmem:s11+$0x0];
	s11 =	sor.u32 s18, s12;
	[tilespmem:s10+$0x0] =	vst v8;
	s10 =	sor.u32 s17, s16  }
0x2c6: {  	s15 =	sor.u32 s15, s16;
	s1 =	smov.u32 s19;
	v8 =	vsel vm3, v2, v3;
	[tilespmem:s8+$0x0] =	vst v9  }
0x2c7: {  	_ = 	snop  }
0x2c8: {  	vm2 =	veq.s32 v5, $0x0  }
0x2c9: {  	[tilespmem:s2+$0x0] =	vst v8;
	v5 =	vsel vm2, v0, v1;
	vm3 =	veq.s32 v6, $0x0  }
0x2ca: {  	[tilespmem:s14+$0x0] =	vst v5;
	vm4 =	veq.s32 v7, $0x0;
	v5 =	vsel vm3, v0, v1  }
0x2cb: {  	v6 =	vsel vm4, v0, v1;
	[tilespmem:s6+$0x0] =	vst v5  }
0x2cc: {  	v5 =	vsel vm4, v2, v3;
	[tilespmem:s11+$0x0] =	vst v6  }
0x2cd: {  	v6 =	vsel vm3, v2, v3;
	[tilespmem:s4+$0x0] =	vst v5  }
0x2ce: {  	vm3 =	veq.s32 v4, $0x0;
	v4 =	vsel vm2, v2, v3;
	[tilespmem:s1+$0x0] =	vst v6  }
0x2cf: {  	v5 =	vsel vm3, v0, v1;
	[tilespmem:s10+$0x0] =	vst v4  }
0x2d0: {  	s12 =	sadd.s32 $0x4400, s5;
	v4 =	vsel vm3, v2, v3;
	[tilespmem:s13+$0x0] =	vst v5  }
0x2d1: {  	s13 =	sor.u32 s22, s12;
	[tilespmem:s15+$0x0] =	vst v4  }
0x2d2: {  	s3 =	sor.u32 s23, s12;
	v4 =	vld [tilespmem:s13+$0x0]  }
0x2d3: {  	s14 =	sor.u32 s24, s12;
	v6 =	vld [tilespmem:s3+$0x0]  }
0x2d4: {  	s16 =	sadd.s32 $0xD100, s25;
	s2 =	simm.s32 $0x4;
	s5 =	simm.s32 $0x40;
	v5 =	vld [tilespmem:s14+$0x0]  }
0x2d5: {  	s8 =	sor.u32 s0, s16;
	s18 =	sor.u32 s23, s16;
	s7 =	sor.u32 s24, s16  }
0x2d6: {  	s1 =	sor.u32 s0, s12;
	s4 =	sor.u32 s22, s16;
	s12 =	sand.u32 $0x40, s5  }
0x2d7: {  	s15 =	sadd.s32 $0xD180, s25;
	s25 =	sor.u32 $0x10, s12;
	s29 =	sor.u32 $0x20, s12;
	v7 =	vld [tilespmem:s1+$0x0];
	vm2 =	veq.s32 v4, $0x0  }
0x2d8: {  	s30 =	sor.u32 $0x30, s12;
	s9 =	sor.u32 s22, s15;
	s22 =	simm.s32 $0x40;
	vm15 =	veq.s32 v6, $0x0;
	v4 =	vsel vm2, v0, v1  }
0x2d9: {  	s19 =	sor.u32 s23, s15;
	s23 =	simm.s32 $0x200;
	s1 =	sand.u32 $0x3FFFFF80, s22;
	vm3 =	veq.s32 v5, $0x0;
	v5 =	vsel vm15, v0, v1;
	[tilespmem:s4+$0x0] =	vst v4  }
0x2da: {  	s17 =	sor.u32 s24, s15;
	s11 =	sand.u32 $0x3FFFFC00, s23;
	s1 =	sadd.s32 $0x4400, s1;
	v4 =	vsel vm3, v0, v1;
	[tilespmem:s18+$0x0] =	vst v5  }
0x2db: {  	s24 =	sadd.s32 $0xD180, s11;
	s11 =	sadd.s32 $0xD100, s11;
	s26 =	sor.u32 s12, s1;
	v6 =	vsel vm15, v2, v3;
	[tilespmem:s7+$0x0] =	vst v4  }
0x2dc: {  	s0 =	sor.u32 s0, s15;
	s28 =	sor.u32 s25, s1;
	s3 =	sor.u32 s12, s11;
	v8 =	vsel vm3, v2, v3;
	vm3 =	veq.s32 v7, $0x0;
	v7 =	vsel vm2, v2, v3;
	v4 =	vld [tilespmem:s26+$0x0];
	[tilespmem:s19+$0x0] =	vst v6  }
0x2dd: {  	s31 =	sor.u32 s30, s1;
	s10 =	sor.u32 s30, s24;
	s16 =	sor.u32 s29, s1;
	v5 =	vld [tilespmem:s28+$0x0];
	[tilespmem:s9+$0x0] =	vst v7  }
0x2de: {  	s1 =	sor.u32 s29, s11;
	s6 =	sor.u32 s30, s11;
	s11 =	sor.u32 s25, s11;
	v6 =	vld [tilespmem:s31+$0x0];
	v9 =	vsel vm3, v0, v1;
	[tilespmem:s17+$0x0] =	vst v8  }
0x2df: {  	s13 =	sor.u32 s12, s24;
	s4 =	sor.u32 s29, s24;
	s7 =	sor.u32 s25, s24;
	v7 =	vld [tilespmem:s16+$0x0];
	v8 =	vsel vm3, v2, v3;
	[tilespmem:s8+$0x0] =	vst v9  }
.LBB2_53:
0x2e0: {  	s2 =	sadd.s32 $0x4, s2  }
0x2e1: {  	[tilespmem:s0+$0x0] =	vst v8;
	v8 =	vmov v4;
	s8 =	smov.u32 s10;
	s0 =	smov.u32 s13;
	s5 =	sadd.s32 $0x40, s5  }
0x2e2: {  	s9 =	sshll.u32 s2, $0x4;
	s10 =	sshll.u32 s2, $0x7;
	vm2 =	veq.s32 v5, $0x0;
	p0 =	slt.u32 s2, $0x3C  }
0x2e3: {  	s12 =	sand.u32 $0x40, s5;
	s9 =	sand.u32 $0x3FFFFF80, s9;
	s10 =	sand.u32 $0x3FFFFC00, s10;
	v4 =	vsel vm2, v0, v1;
	vm3 =	veq.s32 v6, $0x0  }
0x2e4: {  	s14 =	sor.u32 $0x10, s12;
	s9 =	sadd.s32 $0x4400, s9;
	s13 =	sadd.s32 $0xD180, s10;
	[tilespmem:s11+$0x0] =	vst v4;
	vm4 =	veq.s32 v7, $0x0;
	v4 =	vsel vm3, v0, v1  }
0x2e5: {  	s16 =	sor.u32 $0x20, s12;
	v7 =	vsel vm3, v2, v3;
	s11 =	sor.u32 s12, s9;
	s15 =	sor.u32 s14, s9;
	v5 =	vsel vm4, v0, v1;
	[tilespmem:s6+$0x0] =	vst v4  }
.Ltmp27:
0x2e6: {  	s6 =	sor.u32 $0x30, s12;
	v6 =	vsel vm4, v2, v3;
	v4 =	vld [tilespmem:s11+$0x0];
	s11 =	sadd.s32 $0xD100, s10;
	[tilespmem:s1+$0x0] =	vst v5;
	(pc) =	sbr.rel @p0 .LBB2_53-.Ltmp27, $4  }
0x2e7: {  	s10 =	sor.u32 s6, s13;
	s17 =	sor.u32 s12, s11;
	v5 =	vld [tilespmem:s15+$0x0];
	s15 =	sor.u32 s6, s9;
	[tilespmem:s4+$0x0] =	vst v6  }
0x2e8: {  	vm3 =	veq.s32 v8, $0x0;
	v8 =	vsel vm2, v2, v3;
	s4 =	sor.u32 s16, s9;
	s1 =	sor.u32 s16, s11;
	s6 =	sor.u32 s6, s11;
	v6 =	vld [tilespmem:s15+$0x0];
	[tilespmem:s8+$0x0] =	vst v7  }
0x2e9: {  	v9 =	vsel vm3, v0, v1;
	s11 =	sor.u32 s14, s11;
	v7 =	vld [tilespmem:s4+$0x0];
	s4 =	sor.u32 s16, s13;
	[tilespmem:s7+$0x0] =	vst v8;
	s7 =	sor.u32 s14, s13  }
0x2ea: {  	s13 =	sor.u32 s12, s13;
	v8 =	vsel vm3, v2, v3;
	[tilespmem:s3+$0x0] =	vst v9;
	s3 =	smov.u32 s17  }
0x2eb: {  	_ = 	snop  }
0x2ec: {  	vm2 =	veq.s32 v5, $0x0  }
0x2ed: {  	[tilespmem:s0+$0x0] =	vst v8;
	v5 =	vsel vm2, v0, v1;
	vm3 =	veq.s32 v6, $0x0  }
0x2ee: {  	[tilespmem:s11+$0x0] =	vst v5;
	vm4 =	veq.s32 v7, $0x0;
	v5 =	vsel vm3, v0, v1  }
0x2ef: {  	v6 =	vsel vm4, v0, v1;
	[tilespmem:s6+$0x0] =	vst v5  }
0x2f0: {  	v5 =	vsel vm4, v2, v3;
	[tilespmem:s1+$0x0] =	vst v6  }
0x2f1: {  	v6 =	vsel vm3, v2, v3;
	[tilespmem:s4+$0x0] =	vst v5  }
0x2f2: {  	s11 =	simm.s32 $0x0;
	vm3 =	veq.s32 v4, $0x0;
	v4 =	vsel vm2, v2, v3;
	[tilespmem:s10+$0x0] =	vst v6;
	s10 =	simm.s32 $0x0  }
0x2f3: {  	s5 =	sand.u32 $0x3FFFFF80, s11;
	v5 =	vsel vm3, v0, v1;
	[tilespmem:s7+$0x0] =	vst v4;
	s0 =	sand.u32 $0x40, s10  }
0x2f4: {  	s1 =	sadd.s32 $0x4800, s5;
	v4 =	vsel vm3, v2, v3;
	[tilespmem:s3+$0x0] =	vst v5;
	s22 =	sor.u32 $0x10, s0  }
0x2f5: {  	[tilespmem:s13+$0x0] =	vst v4;
	s23 =	sor.u32 $0x20, s0;
	s2 =	sor.u32 s22, s1  }
0x2f6: {  	s12 =	simm.s32 $0x0;
	s24 =	sor.u32 $0x30, s0;
	s14 =	sor.u32 s23, s1;
	v4 =	vld [tilespmem:s2+$0x0]  }
0x2f7: {  	s25 =	sand.u32 $0x3FFFFC00, s12;
	s13 =	sor.u32 s24, s1;
	v6 =	vld [tilespmem:s14+$0x0]  }
0x2f8: {  	s18 =	simm.s32 $0x40;
	s19 =	simm.s32 $0x200;
	s15 =	sadd.s32 $0xD280, s25;
	v5 =	vld [tilespmem:s13+$0x0]  }
0x2f9: {  	s16 =	sadd.s32 $0xD200, s25;
	s7 =	simm.s32 $0x40;
	s3 =	simm.s32 $0x4  }
0x2fa: {  	s8 =	sor.u32 s0, s16;
	s1 =	sor.u32 s0, s1;
	s6 =	sor.u32 s24, s15  }
0x2fb: {  	s9 =	sor.u32 s22, s16;
	s17 =	sor.u32 s24, s16;
	s11 =	sor.u32 s22, s15;
	v7 =	vld [tilespmem:s1+$0x0];
	vm2 =	veq.s32 v4, $0x0  }
0x2fc: {  	s4 =	sor.u32 s23, s16;
	s12 =	sor.u32 s23, s15;
	s2 =	sor.u32 s0, s15;
	vm15 =	veq.s32 v6, $0x0;
	v4 =	vsel vm2, v0, v1  }
0x2fd: {  	s15 =	sand.u32 $0x40, s7;
	s1 =	sand.u32 $0x3FFFFF80, s18;
	s13 =	sand.u32 $0x3FFFFC00, s19;
	vm3 =	veq.s32 v5, $0x0;
	v5 =	vsel vm15, v0, v1;
	[tilespmem:s9+$0x0] =	vst v4  }
0x2fe: {  	s1 =	sadd.s32 $0x4800, s1;
	s26 =	sadd.s32 $0xD280, s13;
	s16 =	sor.u32 $0x10, s15;
	v4 =	vsel vm3, v0, v1;
	[tilespmem:s4+$0x0] =	vst v5  }
0x2ff: {  	s29 =	sadd.s32 $0xD200, s13;
	s30 =	sor.u32 $0x30, s15;
	s28 =	sor.u32 s15, s1;
	v6 =	vsel vm15, v2, v3;
	[tilespmem:s17+$0x0] =	vst v4  }
0x300: {  	s14 =	sor.u32 s16, s1;
	s31 =	sor.u32 s30, s1;
	s13 =	sor.u32 s15, s29;
	v8 =	vsel vm3, v2, v3;
	vm3 =	veq.s32 v7, $0x0;
	v7 =	vsel vm2, v2, v3;
	v4 =	vld [tilespmem:s28+$0x0];
	[tilespmem:s12+$0x0] =	vst v6  }
0x301: {  	s10 =	sor.u32 s16, s26;
	v5 =	vld [tilespmem:s14+$0x0];
	s14 =	sor.u32 s16, s29;
	s17 =	sor.u32 $0x20, s15;
	[tilespmem:s11+$0x0] =	vst v7  }
0x302: {  	v6 =	vld [tilespmem:s31+$0x0];
	v9 =	vsel vm3, v0, v1;
	s15 =	sor.u32 s15, s26;
	s18 =	sor.u32 s17, s1;
	s1 =	sor.u32 s30, s26;
	[tilespmem:s6+$0x0] =	vst v8  }
0x303: {  	s6 =	sor.u32 s30, s29;
	s11 =	sor.u32 s17, s29;
	s4 =	sor.u32 s17, s26;
	v8 =	vsel vm3, v2, v3;
	[tilespmem:s8+$0x0] =	vst v9;
	v7 =	vld [tilespmem:s18+$0x0]  }
.LBB2_55:
0x304: {  	s3 =	sadd.s32 $0x4, s3  }
0x305: {  	[tilespmem:s2+$0x0] =	vst v8;
	v8 =	vmov v4;
	s8 =	smov.u32 s13;
	s2 =	smov.u32 s15;
	s7 =	sadd.s32 $0x40, s7  }
0x306: {  	s9 =	sshll.u32 s3, $0x4;
	s12 =	sshll.u32 s3, $0x7;
	vm2 =	veq.s32 v5, $0x0;
	p0 =	slt.u32 s3, $0x3C  }
0x307: {  	s15 =	sand.u32 $0x40, s7;
	s9 =	sand.u32 $0x3FFFFF80, s9;
	s12 =	sand.u32 $0x3FFFFC00, s12;
	v4 =	vsel vm2, v0, v1;
	vm3 =	veq.s32 v6, $0x0  }
0x308: {  	s17 =	sor.u32 $0x10, s15;
	s9 =	sadd.s32 $0x4800, s9;
	s16 =	sadd.s32 $0xD280, s12;
	[tilespmem:s14+$0x0] =	vst v4;
	vm4 =	veq.s32 v7, $0x0;
	v4 =	vsel vm3, v0, v1;
	v7 =	vsel vm3, v2, v3  }
0x309: {  	s18 =	sor.u32 $0x20, s15;
	s13 =	sor.u32 s15, s9;
	s14 =	sor.u32 s17, s9;
	v5 =	vsel vm4, v0, v1;
	[tilespmem:s6+$0x0] =	vst v4  }
.Ltmp28:
0x30a: {  	s12 =	sadd.s32 $0xD200, s12;
	s6 =	sor.u32 $0x30, s15;
	v6 =	vsel vm4, v2, v3;
	v4 =	vld [tilespmem:s13+$0x0];
	[tilespmem:s11+$0x0] =	vst v5;
	(pc) =	sbr.rel @p0 .LBB2_55-.Ltmp28, $4  }
0x30b: {  	s11 =	sor.u32 s18, s9;
	s9 =	sor.u32 s6, s9;
	s19 =	sor.u32 s6, s16;
	v5 =	vld [tilespmem:s14+$0x0];
	[tilespmem:s4+$0x0] =	vst v6  }
0x30c: {  	vm3 =	veq.s32 v8, $0x0;
	v8 =	vsel vm2, v2, v3;
	s13 =	sor.u32 s15, s12;
	s6 =	sor.u32 s6, s12;
	s14 =	sor.u32 s17, s12;
	v6 =	vld [tilespmem:s9+$0x0];
	[tilespmem:s1+$0x0] =	vst v7  }
0x30d: {  	v9 =	vsel vm3, v0, v1;
	s4 =	sor.u32 s18, s16;
	v7 =	vld [tilespmem:s11+$0x0];
	s11 =	sor.u32 s18, s12;
	[tilespmem:s10+$0x0] =	vst v8;
	s10 =	sor.u32 s17, s16  }
0x30e: {  	s15 =	sor.u32 s15, s16;
	s1 =	smov.u32 s19;
	v8 =	vsel vm3, v2, v3;
	[tilespmem:s8+$0x0] =	vst v9  }
0x30f: {  	_ = 	snop  }
0x310: {  	vm2 =	veq.s32 v5, $0x0  }
0x311: {  	[tilespmem:s2+$0x0] =	vst v8;
	v5 =	vsel vm2, v0, v1;
	vm3 =	veq.s32 v6, $0x0  }
0x312: {  	[tilespmem:s14+$0x0] =	vst v5;
	vm4 =	veq.s32 v7, $0x0;
	v5 =	vsel vm3, v0, v1  }
0x313: {  	v6 =	vsel vm4, v0, v1;
	[tilespmem:s6+$0x0] =	vst v5  }
0x314: {  	v5 =	vsel vm4, v2, v3;
	[tilespmem:s11+$0x0] =	vst v6  }
0x315: {  	v6 =	vsel vm3, v2, v3;
	[tilespmem:s4+$0x0] =	vst v5  }
0x316: {  	vm3 =	veq.s32 v4, $0x0;
	v4 =	vsel vm2, v2, v3;
	[tilespmem:s1+$0x0] =	vst v6  }
0x317: {  	v5 =	vsel vm3, v0, v1;
	[tilespmem:s10+$0x0] =	vst v4  }
0x318: {  	v4 =	vsel vm3, v2, v3;
	[tilespmem:s13+$0x0] =	vst v5;
	s13 =	sadd.s32 $0x4C00, s5  }
0x319: {  	[tilespmem:s15+$0x0] =	vst v4;
	s14 =	sor.u32 s22, s13  }
0x31a: {  	s3 =	sor.u32 s23, s13;
	v4 =	vld [tilespmem:s14+$0x0]  }
0x31b: {  	s15 =	sor.u32 s24, s13;
	v6 =	vld [tilespmem:s3+$0x0]  }
0x31c: {  	s16 =	sadd.s32 $0xD380, s25;
	s17 =	sadd.s32 $0xD300, s25;
	s2 =	simm.s32 $0x4;
	v5 =	vld [tilespmem:s15+$0x0]  }
0x31d: {  	s18 =	sor.u32 s24, s16;
	s8 =	sor.u32 s0, s17;
	s19 =	sor.u32 s22, s17  }
0x31e: {  	s7 =	sor.u32 s24, s17;
	s9 =	sor.u32 s22, s16;
	s1 =	sor.u32 s0, s13  }
0x31f: {  	s4 =	sor.u32 s23, s17;
	s22 =	sor.u32 s23, s16;
	s0 =	sor.u32 s0, s16;
	v7 =	vld [tilespmem:s1+$0x0];
	vm2 =	veq.s32 v4, $0x0  }
0x320: {  	s23 =	simm.s32 $0x40;
	s24 =	simm.s32 $0x200;
	s3 =	simm.s32 $0x40;
	vm15 =	veq.s32 v6, $0x0;
	v4 =	vsel vm2, v0, v1  }
0x321: {  	s1 =	sand.u32 $0x3FFFFF80, s23;
	s11 =	sand.u32 $0x3FFFFC00, s24;
	s12 =	sand.u32 $0x40, s3;
	vm3 =	veq.s32 v5, $0x0;
	v5 =	vsel vm15, v0, v1;
	[tilespmem:s19+$0x0] =	vst v4  }
0x322: {  	s1 =	sadd.s32 $0x4C00, s1;
	s25 =	sadd.s32 $0xD380, s11;
	s16 =	sadd.s32 $0xD300, s11;
	v4 =	vsel vm3, v0, v1;
	[tilespmem:s4+$0x0] =	vst v5  }
0x323: {  	s26 =	sor.u32 $0x10, s12;
	s28 =	sor.u32 s12, s1;
	s30 =	sor.u32 $0x20, s12;
	v6 =	vsel vm15, v2, v3;
	[tilespmem:s7+$0x0] =	vst v4  }
0x324: {  	s31 =	sor.u32 $0x30, s12;
	s10 =	sor.u32 s12, s16;
	s29 =	sor.u32 s26, s1;
	v8 =	vsel vm3, v2, v3;
	vm3 =	veq.s32 v7, $0x0;
	v7 =	vsel vm2, v2, v3;
	v4 =	vld [tilespmem:s28+$0x0];
	[tilespmem:s22+$0x0] =	vst v6  }
0x325: {  	s13 =	sor.u32 s12, s25;
	s17 =	sor.u32 s30, s1;
	s1 =	sor.u32 s31, s1;
	v5 =	vld [tilespmem:s29+$0x0];
	[tilespmem:s9+$0x0] =	vst v7  }
0x326: {  	s6 =	sor.u32 s31, s25;
	s11 =	sor.u32 s26, s16;
	s5 =	sor.u32 s26, s25;
	v6 =	vld [tilespmem:s1+$0x0];
	v9 =	vsel vm3, v0, v1;
	[tilespmem:s18+$0x0] =	vst v8  }
0x327: {  	s4 =	sor.u32 s31, s16;
	v7 =	vld [tilespmem:s17+$0x0];
	s7 =	sor.u32 s30, s16;
	s1 =	sor.u32 s30, s25;
	v8 =	vsel vm3, v2, v3;
	[tilespmem:s8+$0x0] =	vst v9  }
.LBB2_57:
0x328: {  	s2 =	sadd.s32 $0x4, s2  }
0x329: {  	[tilespmem:s0+$0x0] =	vst v8;
	v8 =	vmov v4;
	s8 =	smov.u32 s10;
	s0 =	smov.u32 s13;
	s3 =	sadd.s32 $0x40, s3  }
0x32a: {  	s9 =	sshll.u32 s2, $0x4;
	s10 =	sshll.u32 s2, $0x7;
	vm2 =	veq.s32 v5, $0x0;
	p0 =	slt.u32 s2, $0x3C  }
0x32b: {  	s12 =	sand.u32 $0x40, s3;
	s9 =	sand.u32 $0x3FFFFF80, s9;
	s10 =	sand.u32 $0x3FFFFC00, s10;
	v4 =	vsel vm2, v0, v1;
	vm3 =	veq.s32 v6, $0x0  }
0x32c: {  	s14 =	sor.u32 $0x10, s12;
	s9 =	sadd.s32 $0x4C00, s9;
	s13 =	sadd.s32 $0xD380, s10;
	[tilespmem:s11+$0x0] =	vst v4;
	vm4 =	veq.s32 v7, $0x0;
	v4 =	vsel vm3, v0, v1;
	v7 =	vsel vm3, v2, v3  }
0x32d: {  	s16 =	sor.u32 $0x20, s12;
	s11 =	sor.u32 s12, s9;
	s15 =	sor.u32 s14, s9;
	v5 =	vsel vm4, v0, v1;
	[tilespmem:s4+$0x0] =	vst v4  }
.Ltmp29:
0x32e: {  	s17 =	sadd.s32 $0xD300, s10;
	s4 =	sor.u32 $0x30, s12;
	v6 =	vsel vm4, v2, v3;
	v4 =	vld [tilespmem:s11+$0x0];
	[tilespmem:s7+$0x0] =	vst v5;
	(pc) =	sbr.rel @p0 .LBB2_57-.Ltmp29, $4  }
0x32f: {  	s7 =	sor.u32 s16, s9;
	s9 =	sor.u32 s4, s9;
	v5 =	vld [tilespmem:s15+$0x0];
	s15 =	sor.u32 s4, s13;
	[tilespmem:s1+$0x0] =	vst v6  }
0x330: {  	vm3 =	veq.s32 v8, $0x0;
	v8 =	vsel vm2, v2, v3;
	s10 =	sor.u32 s12, s17;
	s11 =	sor.u32 s14, s17;
	s4 =	sor.u32 s4, s17;
	v6 =	vld [tilespmem:s9+$0x0];
	[tilespmem:s6+$0x0] =	vst v7  }
0x331: {  	v9 =	vsel vm3, v0, v1;
	s1 =	sor.u32 s16, s13;
	v7 =	vld [tilespmem:s7+$0x0];
	s7 =	sor.u32 s16, s17;
	[tilespmem:s5+$0x0] =	vst v8;
	s5 =	sor.u32 s14, s13  }
0x332: {  	s6 =	smov.u32 s15;
	s13 =	sor.u32 s12, s13;
	v8 =	vsel vm3, v2, v3;
	[tilespmem:s8+$0x0] =	vst v9  }
0x333: {  	_ = 	snop  }
0x334: {  	vm2 =	veq.s32 v5, $0x0  }
0x335: {  	[tilespmem:s0+$0x0] =	vst v8;
	v5 =	vsel vm2, v0, v1;
	vm3 =	veq.s32 v6, $0x0  }
0x336: {  	[tilespmem:s11+$0x0] =	vst v5;
	vm4 =	veq.s32 v7, $0x0;
	v5 =	vsel vm3, v0, v1  }
0x337: {  	v63 =	vsel vm3, v2, v3;
	vm3 =	veq.s32 v4, $0x0;
	v4 =	vsel vm2, v2, v3;
	[tilespmem:s4+$0x0] =	vst v5  }
0x338: {  	v62 =	vsel vm4, v0, v1;
	[tilespmem:s5+$0x0] =	vst v4  }
0x339: {  	[tilespmem:s7+$0x0] =	vst v62  }
0x33a: {  	v5 =	vsel vm4, v2, v3;
	[tilespmem:s6+$0x0] =	vst v63  }
0x33b: {  	s29 =	smul.u32 $0x140000, s20;
	[tilespmem:s1+$0x0] =	vst v5  }
0x33c: {  	s1 =	rddreg [dreg:$0x8]  }
0x33d: {  	s30 =	rddreg [dreg:$0x4];
	s31 =	simm.s32 $0x400;
	v5 =	vsel vm3, v0, v1;
	s0 =	sor.u32 s1, s29  }
0x33e: {  	s2 =	simm.s32 $0x8000;
	s20 =	sadd.s32 $0x1, s20;
	v4 =	vsel vm3, v2, v3;
	[tilespmem:s10+$0x0] =	vst v5;
	s0 =	sshrl.u32 s0, $0x3  }
0x33f: {  	s3 =	simm.s32 $0x5000;
	p0 =	sne.s32 s20, $0x5;
	[tilespmem:s13+$0x0] =	vst v4;
	s0 =	sadd.s32 s30, s0  }
0x340: {  	[hbm4b:s0+s31] =	stream.strided.scatter [tilespmem:s3], [sflag:$0x1], $0xA000, s2, s31, $0x38;
	[tilespmem:$0xF280] =	vst v63  }
.Ltmp30:
0x341: {  	_ = 	snop;
	(pc) =	sbr.rel @p0 .LBB2_2-.Ltmp30, $4  }
.Ltmp31:
0x342: {  	_ = 	snop;
	(pc) =	sbr.rel @!p0 .LBB2_59-.Ltmp31, $4  }
0x343: {  	_ =	swait.ge [sflag:s21], $0xA000  }
0x344: {  	[sflag:s21] =	ssyncset.done $0x0  }
0x345: {  	[sflag:s21] =	ssyncadd.s32 $0xFFFF6000  }
0x346: {  	_ = 	snop  }
.LBB2_7:
.Ltmp32:
0x347: {  	(pc) =	sbr.rel .LBB2_12-.Ltmp32, $4  }
0x348: {  	_ = 	snop  }
0x349: {  	s25 =	smov.u32 s13;
	s26 =	smov.u32 s1;
	s22 =	smov.u32 s20  }
0x34a: {  	s4 =	smov.u32 s15;
	s23 =	smov.u32 s7;
	s30 =	smov.u32 s10  }
0x34b: {  	s28 =	smov.u32 s2;
	s24 =	smov.u32 s3;
	p2 =	por $0x0, $0x0  }
.LBB2_13:
.Ltmp33:
0x34c: {  	(pc) =	sbr.rel .LBB2_18-.Ltmp33, $2  }
0x34d: {  	_ =	sdelay $0x2  }
0x34e: {  	_ = 	snop  }
.LBB2_19:
.Ltmp34:
0x34f: {  	(pc) =	sbr.rel .LBB2_24-.Ltmp34, $2  }
0x350: {  	_ =	sdelay $0x2  }
0x351: {  	p2 =	por $0x0, $0x0;
	s20 =	rddreg [dreg:$0xb]  }
.LBB2_25:
.Ltmp35:
0x352: {  	(pc) =	sbr.rel .LBB2_30-.Ltmp35, $2  }
0x353: {  	_ =	sdelay $0x2  }
0x354: {  	_ = 	snop  }
.LBB2_9:
.Ltmp36:
0x355: {  	(pc) =	sbr.rel .LBB2_12-.Ltmp36, $2  }
0x356: {  	_ =	sdelay $0x2  }
0x357: {  	s6 =	smov.u32 s20;
	s29 =	smov.u32 s15;
	s21 =	simm.s32 $0x1;
	v8 =	vmov v9  }
.LBB2_15:
.Ltmp37:
0x358: {  	(pc) =	sbr.rel .LBB2_18-.Ltmp37, $3  }
0x359: {  	_ =	sdelay $0x1  }
0x35a: {  	s11 =	smov.u32 s20  }
0x35b: {  	s20 =	smov.u32 s4;
	s15 =	smov.u32 s6;
	s2 =	smov.u32 s5;
	v7 =	vmov v8  }
.LBB2_21:
.Ltmp38:
0x35c: {  	(pc) =	sbr.rel .LBB2_24-.Ltmp38, $3  }
0x35d: {  	_ =	sdelay $0x1  }
0x35e: {  	s11 =	smov.u32 s5;
	s10 =	smov.u32 s15  }
0x35f: {  	s5 =	smov.u32 s4;
	s4 =	smov.u32 s1;
	s14 =	smov.u32 s6;
	v7 =	vmov v8  }
.LBB2_27:
.Ltmp39:
0x360: {  	(pc) =	sbr.rel .LBB2_30-.Ltmp39, $3  }
0x361: {  	_ =	sdelay $0x1  }
0x362: {  	s5 =	smov.u32 s23;
	s4 =	smov.u32 s14  }
0x363: {  	s23 =	smov.u32 s6;
	s6 =	smov.u32 s1;
	s10 =	smov.u32 s7;
	v7 =	vmov v8  }
.LBB2_60:
0x364: {  	_ =	sfence.sel $0x180000  }
0x365: {  	[bflag:$0x0] =	sbarrier.arrive $0xFFFF  }
0x366: {  	_ =	strace $0x90000047  }
0x367: {  	s0 =	stileid.u32;
	[bflag:$0x2] =	sbarrier.arrive $0xFFFF  }
0x368: {  	p0 =	sne.s32 s0, $0x0;
	s0 =	rddreg [dreg:$0x5]  }
0x369: {  	s0 =	sadd.s32 @!p0 $0x100000, s0  }
0x36a: {  	[sflag:s0] =	ssyncadd.tile.s32 @!p0 $0x1;
	_ =	shalt  }
.Lfunc_end2:
_tile_overlayer_lowered:
.L_overlay_start_2:
0x36b: {  	(tag) =	ssettag $0x2  }
0x36c: {  	s0 =	rddreg [dreg:$0x0];
	s2 =	stileid.u32  }
0x36d: {  	s1 =	rddreg [dreg:$0x1];
	p0 =	sne.s32 s2, $0x0  }
0x36e: {  	s3 =	rddreg [dreg:$0x2];
	[bflag:$0x3] =	sbarrier.arrive $0xFFFF;
	s2 =	simm.s32 @!p0 $0x1C01  }
0x36f: {  	[timem:s3], [sflag:s2] =	dma.local @!p0 [hbm:s0], s1  }
0x370: {  	s0 =	simm.s32 @!p0 $0x1  }
0x371: {  	_ =	swait.ge @!p0 [sflag:s0], s1  }
0x372: {  	s1 =	ssub.s32 @!p0 $0x0, s1;
	[sflag:s0] =	ssyncset.done @!p0 $0x0  }
0x373: {  	[sflag:s0] =	ssyncadd.s32 @!p0 s1  }
0x374: {  	[bflag:$0x3] =	sbarrier.arrive $0xFFFF  }
0x375: {  	_ =	shalt  }

</sc_bundles>
